<compile_context>
chip_gen: v7x
topology: tpu7x:2x2x1
jax: 0.10.2.dev20260603
libtpu: 0.0.44.dev20260713+nightly
codegen_flags: <defaults>
</compile_context>

<pallas_src>
import functools

import jax
import jax.numpy as jnp
from jax import lax
from jax.experimental import pallas as pl
from jax.experimental.pallas import tpu as pltpu
from jax.experimental.pallas import tpu_sc as plsc

N = 10000
E = 320000
G = 200
D = 128
OUT = 4
PER = N // G
K = PER // 2
NC = 2
NS = 16
NW = NC * NS
EPW = E // NW
CH = 128
NCH = 79
PAD = NCH * CH - EPW
NP_ = 10240
NPT = NP_ // NS
NZ = NPT // CH

_mesh = plsc.VectorSubcoreMesh(core_axis_name="c", subcore_axis_name="s")


@functools.partial(
    pl.kernel,
    mesh=_mesh,
    out_type=[
        jax.ShapeDtypeStruct((NC, NP_, D), jnp.float32),
        jax.ShapeDtypeStruct((NC, NP_), jnp.float32),
    ],
    scratch_types=[
        pltpu.VMEM((CH,), jnp.int32),
        pltpu.VMEM((CH,), jnp.int32),
        pltpu.VMEM((NCH, CH), jnp.int32),
        pltpu.VMEM((CH, D), jnp.float32),
        pltpu.VMEM((CH, D), jnp.float32),
        pltpu.VMEM((CH,), jnp.float32),
        pltpu.VMEM((NPT,), jnp.float32),
        pltpu.VMEM_SHARED((NP_, D), jnp.float32),
        pltpu.VMEM_SHARED((NP_,), jnp.float32),
        pltpu.SemaphoreType.DMA,
        pltpu.SemaphoreType.DMA,
        pltpu.SemaphoreType.DMA,
        pltpu.SemaphoreType.DMA,
        pltpu.SemaphoreType.DMA,
    ],
)
def _sc_pass1(x_hbm, src_hbm, dst_hbm, z128_hbm, zdeg_hbm, ones_hbm,
              agg_out, deg_out, srca, srcb2, dstb, rowsa, rowsb, onesb, stgd,
              agg_sh, deg_sh, sga, sgb, sia, sib, sdeg):
    c = lax.axis_index("c")
    s = lax.axis_index("s")
    wid = c * NS + s
    pltpu.sync_copy(z128_hbm, rowsa)
    pltpu.sync_copy(zdeg_hbm, stgd)
    pltpu.sync_copy(ones_hbm, onesb)
    pltpu.sync_copy(dst_hbm.at[wid], dstb)
    for t in range(NZ):
        pltpu.sync_copy(rowsa, agg_sh.at[pl.ds(s * NPT + t * CH, CH)])
    pltpu.sync_copy(stgd, deg_sh.at[pl.ds(s * NPT, NPT)])
    pltpu.sync_copy(src_hbm.at[wid, 0], srca)
    pltpu.async_copy(x_hbm.at[srca], rowsa, sga)
    pltpu.async_copy(src_hbm.at[wid, 1], srcb2, sib)
    plsc.subcore_barrier()

    def body(t, carry):
        a = 2 * t
        b = a + 1

        @pl.when(b < NCH)
        def _():
            pltpu.make_async_copy(src_hbm.at[wid, b], srcb2, sib).wait()
            pltpu.async_copy(x_hbm.at[srcb2], rowsb, sgb)
        pltpu.make_async_copy(x_hbm.at[srca], rowsa, sga).wait()

        @pl.when(a + 2 < NCH)
        def _():
            pltpu.async_copy(src_hbm.at[wid, a + 2], srca, sia)
        pltpu.sync_copy(rowsa, agg_sh.at[dstb.at[a]], add=True)
        pltpu.async_copy(onesb, deg_sh.at[dstb.at[a]], sdeg, add=True)

        @pl.when(a + 2 < NCH)
        def _():
            pltpu.make_async_copy(src_hbm.at[wid, a + 2], srca, sia).wait()
            pltpu.async_copy(x_hbm.at[srca], rowsa, sga)

        @pl.when(b < NCH)
        def _():
            pltpu.make_async_copy(x_hbm.at[srcb2], rowsb, sgb).wait()

        @pl.when(b + 2 < NCH)
        def _():
            pltpu.async_copy(src_hbm.at[wid, b + 2], srcb2, sib)

        @pl.when(b < NCH)
        def _():
            pltpu.sync_copy(rowsb, agg_sh.at[dstb.at[b]], add=True)
            pltpu.async_copy(onesb, deg_sh.at[dstb.at[b]], sdeg, add=True)
        return carry

    lax.fori_loop(0, (NCH + 1) // 2, body, 0)

    def drain(j, carry):
        pltpu.make_async_copy(onesb, deg_sh.at[dstb.at[0]], sdeg).wait()
        return carry

    lax.fori_loop(0, NCH, drain, 0)
    plsc.subcore_barrier()
    for t in range(NZ):
        pltpu.sync_copy(agg_sh.at[pl.ds(s * NPT + t * CH, CH)], rowsa)
        pltpu.sync_copy(rowsa, agg_out.at[c, pl.ds(s * NPT + t * CH, CH)])
    pltpu.sync_copy(deg_sh.at[pl.ds(s * NPT, NPT)], stgd)
    pltpu.sync_copy(stgd, deg_out.at[c, pl.ds(s * NPT, NPT)])


@functools.partial(
    pl.kernel,
    mesh=_mesh,
    out_type=jax.ShapeDtypeStruct((NC, NP_), jnp.float32),
    compiler_params=pltpu.CompilerParams(needs_layout_passes=False),
    scratch_types=[
        pltpu.VMEM((N,), jnp.float32),
        pltpu.VMEM((NCH, CH), jnp.int32),
        pltpu.VMEM((NCH, CH), jnp.int32),
        [pltpu.VMEM((CH,), jnp.float32)] * 2,
        pltpu.VMEM((NPT,), jnp.float32),
        pltpu.VMEM_SHARED((NP_,), jnp.float32),
        [pltpu.SemaphoreType.DMA] * 2,
    ],
)
def _sc_pass2(hn_hbm, src_hbm, dst_hbm, zdeg_hbm,
              acc_out, hn_v, srcb, dstb, vals, stgd, acc_sh, ss):
    c = lax.axis_index("c")
    s = lax.axis_index("s")
    wid = c * NS + s
    pltpu.sync_copy(zdeg_hbm, stgd)
    pltpu.sync_copy(hn_hbm, hn_v)
    pltpu.sync_copy(src_hbm.at[wid], srcb)
    pltpu.sync_copy(dst_hbm.at[wid], dstb)
    pltpu.sync_copy(stgd, acc_sh.at[pl.ds(s * NPT, NPT)])
    plsc.subcore_barrier()

    def fill(q, ch):
        for kk in range(CH // 16):
            s16 = srcb[ch, pl.ds(kk * 16, 16)]
            g = plsc.load_gather(hn_v, [s16])
            vals[q][pl.ds(kk * 16, 16)] = g

    def body(t, carry):
        for q in range(2):
            ch = 2 * t + q

            @pl.when(ch < NCH)
            def _(q=q, ch=ch):
                @pl.when(ch >= 2)
                def _():
                    pltpu.make_async_copy(vals[q], acc_sh.at[dstb.at[ch - 2]], ss[q]).wait()
                fill(q, ch)
                pltpu.async_copy(vals[q], acc_sh.at[dstb.at[ch]], ss[q], add=True)
        return carry

    lax.fori_loop(0, (NCH + 1) // 2, body, 0)
    for q in range(2):
        last = ((NCH - 1 - q) // 2) * 2 + q
        pltpu.make_async_copy(vals[q], acc_sh.at[dstb.at[last]], ss[q]).wait()
    plsc.subcore_barrier()
    pltpu.sync_copy(acc_sh.at[pl.ds(s * NPT, NPT)], stgd)
    pltpu.sync_copy(stgd, acc_out.at[c, pl.ds(s * NPT, NPT)])


def _tc_a_body(x_ref, aggp_ref, degp_ref, ws_ref, wn_ref, b_ref,
               wscn_ref, wscs_ref, h_ref, hn_ref, hs_ref):
    x = x_ref[...]
    agg = aggp_ref[0] + aggp_ref[1]
    deg = jnp.maximum(degp_ref[0] + degp_ref[1], 1.0)
    m = agg / deg
    bf = jnp.bfloat16
    h = jnp.maximum(
        jnp.dot(x.astype(bf), ws_ref[...].astype(bf),
                preferred_element_type=jnp.float32)
        + jnp.dot(m.astype(bf), wn_ref[...].astype(bf),
                  preferred_element_type=jnp.float32)
        + b_ref[...], 0.0)
    h_ref[...] = h
    hn_ref[...] = jnp.dot(h.astype(bf), wscn_ref[...].astype(bf),
                          preferred_element_type=jnp.float32)
    hs_ref[...] = jnp.dot(h.astype(bf), wscs_ref[...].astype(bf),
                          preferred_element_type=jnp.float32)


def _tc_a(x, aggp, degp3, ws, wn, b, wscn, wscs):
    blk = 1000
    grid = N // blk
    return pl.pallas_call(
        _tc_a_body,
        grid=(grid,),
        in_specs=[
            pl.BlockSpec((blk, D), lambda i: (i, 0)),
            pl.BlockSpec((NC, blk, D), lambda i: (0, i, 0)),
            pl.BlockSpec((NC, blk, 1), lambda i: (0, i, 0)),
            pl.BlockSpec((D, D), lambda i: (0, 0)),
            pl.BlockSpec((D, D), lambda i: (0, 0)),
            pl.BlockSpec((1, D), lambda i: (0, 0)),
            pl.BlockSpec((D, 1), lambda i: (0, 0)),
            pl.BlockSpec((D, 1), lambda i: (0, 0)),
        ],
        out_specs=[
            pl.BlockSpec((blk, D), lambda i: (i, 0)),
            pl.BlockSpec((blk, 1), lambda i: (i, 0)),
            pl.BlockSpec((blk, 1), lambda i: (i, 0)),
        ],
        out_shape=[
            jax.ShapeDtypeStruct((N, D), jnp.float32),
            jax.ShapeDtypeStruct((N, 1), jnp.float32),
            jax.ShapeDtypeStruct((N, 1), jnp.float32),
        ],
    )(x, aggp, degp3, ws, wn, b, wscn, wscs)


def _tc_a2_body(agg2p_ref, wscn_ref, out_ref):
    bf = jnp.bfloat16
    a = agg2p_ref[0] + agg2p_ref[1]
    out_ref[...] = jnp.dot(a.astype(bf), wscn_ref[...].astype(bf),
                           preferred_element_type=jnp.float32)


def _tc_a2(agg2p, wscn):
    blk = 1000
    return pl.pallas_call(
        _tc_a2_body,
        grid=(N // blk,),
        in_specs=[
            pl.BlockSpec((NC, blk, D), lambda i: (0, i, 0)),
            pl.BlockSpec((D, 1), lambda i: (0, 0)),
        ],
        out_specs=pl.BlockSpec((blk, 1), lambda i: (i, 0)),
        out_shape=jax.ShapeDtypeStruct((N, 1), jnp.float32),
    )(agg2p, wscn)


def _tc_b_body(h_ref, hs_ref, aggs_ref, bsc_ref, gamma_ref, beta_ref,
               wfc_ref, bfc_ref, out_ref):
    hs = hs_ref[...]
    sg = hs + aggs_ref[...] + bsc_ref[0, 0]
    iota = lax.broadcasted_iota(jnp.int32, (G, PER), 1)
    sel = jnp.zeros((G, PER), jnp.bool_)
    for _ in range(K):
        masked = jnp.where(sel, -jnp.inf, sg)
        mx = jnp.max(masked, axis=1, keepdims=True)
        pos = jnp.min(jnp.where(masked == mx, iota, PER), axis=1, keepdims=True)
        sel = jnp.logical_or(sel, iota == pos)
    w = jnp.where(sel, jnp.tanh(sg), 0.0)
    h = h_ref[...]
    S = jnp.zeros((G, D), jnp.float32)
    Q = jnp.zeros((G, D), jnp.float32)
    w2 = w * w
    for j in range(PER):
        hj = h[:, j, :]
        S = S + w[:, j:j + 1] * hj
        Q = Q + w2[:, j:j + 1] * (hj * hj)
    tot = jnp.float32(G * K)
    mu = jnp.sum(S, axis=0, keepdims=True) / tot
    q2 = jnp.sum(Q, axis=0, keepdims=True) / tot
    var = q2 - mu * mu
    rstd = lax.rsqrt(var + 1e-5)
    pooled = (S / jnp.float32(K) - mu) * rstd * gamma_ref[...] + beta_ref[...]
    logits = jnp.dot(pooled, wfc_ref[...], preferred_element_type=jnp.float32) + bfc_ref[...]
    lmx = jnp.max(logits, axis=1, keepdims=True)
    lse = jnp.log(jnp.sum(jnp.exp(logits - lmx), axis=1, keepdims=True)) + lmx
    out_ref[...] = logits - lse


def _tc_b(h3, hs2, aggs2d, bsc, gamma, beta, wfc, bfc):
    return pl.pallas_call(
        _tc_b_body,
        out_shape=jax.ShapeDtypeStruct((G, OUT), jnp.float32),
    )(h3, hs2, aggs2d, bsc, gamma, beta, wfc, bfc)


def kernel(x, edge_index, batch, W_enc_self, W_enc_nbr, b_enc,
           W_sc_self, W_sc_nbr, b_sc, gamma, beta, W_fc, b_fc):
    srcw = edge_index[0].astype(jnp.int32).reshape(NW, EPW)
    dstw = edge_index[1].astype(jnp.int32).reshape(NW, EPW)
    pad_src = ((jnp.arange(NW * PAD, dtype=jnp.int32) * 97) % N).reshape(NW, PAD)
    pad_dst = (N + (jnp.arange(NW * PAD, dtype=jnp.int32) % (NP_ - N))).reshape(NW, PAD)
    src3 = jnp.concatenate([srcw, pad_src], axis=1).reshape(NW, NCH, CH)
    dst3 = jnp.concatenate([dstw, pad_dst], axis=1).reshape(NW, NCH, CH)
    z128 = jnp.zeros((CH, D), jnp.float32)
    zdeg = jnp.zeros((NPT,), jnp.float32)
    ones = jnp.ones((CH,), jnp.float32)

    aggp, degp = _sc_pass1(x, src3, dst3, z128, zdeg, ones)
    h, hn, hs = _tc_a(x, aggp, degp.reshape(NC, NP_, 1)[:, :N, :],
                      W_enc_self, W_enc_nbr, b_enc.reshape(1, D),
                      W_sc_nbr.reshape(D, 1), W_sc_self.reshape(D, 1))
    agg2p, _deg2 = _sc_pass1(h, src3, dst3, z128, zdeg, ones)
    aggs = _tc_a2(agg2p, W_sc_nbr.reshape(D, 1))
    out = _tc_b(h.reshape(G, PER, D), hs.reshape(G, PER),
                aggs.reshape(G, PER), b_sc.reshape(1, 1),
                gamma.reshape(1, D), beta.reshape(1, D), W_fc,
                b_fc.reshape(1, OUT))
    return out

# --- scband reference (transcript-rebuilt; emitter-appended) ---
"""Pipeline reference for scband-rumor-detector-13675175870686 (READ-ONLY COPY).

The authoritative reference and input builder live on the scoring server;
editing this copy changes nothing except your own understanding.
"""

import jax, jax.numpy as jnp
import numpy as np

N = 10000
E = 320000
G = 200
D = 128
OUT = 4
RATIO_K = (N // G) // 2  # SAGPooling ratio=0.5 -> keep 25 of 50 nodes per graph


def setup_inputs(seed: int = 0) -> dict:
    key = jax.random.key(seed)
    ks = jax.random.split(key, 12)
    x = jax.random.normal(ks[0], (N, D), dtype=jnp.float32)
    edge_index = jax.random.randint(ks[1], (2, E), 0, N)
    batch = jnp.repeat(jnp.arange(G), N // G)  # sorted graph ids, equal-size graphs
    s = 1.0 / np.sqrt(D)
    W_enc_self = jax.random.normal(ks[2], (D, D), dtype=jnp.float32) * s
    W_enc_nbr = jax.random.normal(ks[3], (D, D), dtype=jnp.float32) * s
    b_enc = jnp.zeros((D,), dtype=jnp.float32)
    W_sc_self = jax.random.normal(ks[4], (D, 1), dtype=jnp.float32) * s
    W_sc_nbr = jax.random.normal(ks[5], (D, 1), dtype=jnp.float32) * s
    b_sc = jnp.zeros((1,), dtype=jnp.float32)
    gamma = jnp.ones((D,), dtype=jnp.float32)
    beta = jnp.zeros((D,), dtype=jnp.float32)
    W_fc = jax.random.normal(ks[6], (D, OUT), dtype=jnp.float32) * s
    b_fc = jnp.zeros((OUT,), dtype=jnp.float32)
    return {"x": x, "edge_index": edge_index, "batch": batch,
            "W_enc_self": W_enc_self, "W_enc_nbr": W_enc_nbr, "b_enc": b_enc,
            "W_sc_self": W_sc_self, "W_sc_nbr": W_sc_nbr, "b_sc": b_sc,
            "gamma": gamma, "beta": beta, "W_fc": W_fc, "b_fc": b_fc}


def reference(x, edge_index, batch, W_enc_self, W_enc_nbr, b_enc,
              W_sc_self, W_sc_nbr, b_sc, gamma, beta, W_fc, b_fc):
    n = x.shape[0]
    src, dst = edge_index[0], edge_index[1]
    # shared_encoder: SAGE-style mean-aggregation GCN + ReLU
    agg = jax.ops.segment_sum(x[src], dst, num_segments=n)
    deg = jax.ops.segment_sum(jnp.ones((src.shape[0],), jnp.float32), dst, num_segments=n)
    h = jax.nn.relu(x @ W_enc_self + (agg / jnp.clip(deg, 1.0)[:, None]) @ W_enc_nbr + b_enc)
    # SAGPooling score GNN (GraphConv: W1*x + W2*sum_nbr)
    agg_s = jax.ops.segment_sum(h[src], dst, num_segments=n)
    score = (h @ W_sc_self + agg_s @ W_sc_nbr + b_sc).squeeze(-1)
    # per-graph top-k (equal-size graphs of n//G nodes)
    per = n // G
    sg = score.reshape(G, per)
    _, idx = jax.lax.top_k(sg, RATIO_K)
    perm = (jnp.arange(G)[:, None] * per + idx).reshape(-1)
    x_p = h[perm] * jnp.tanh(score[perm])[:, None]
    batch_p = batch[perm]
    # BatchNorm (training-mode batch statistics over nodes)
    mu = jnp.mean(x_p, axis=0)
    var = jnp.var(x_p, axis=0)
    x_n = (x_p - mu) / jnp.sqrt(var + 1e-5) * gamma + beta
    # global_mean_pool per graph
    sums = jax.ops.segment_sum(x_n, batch_p, num_segments=G)
    cnt = jax.ops.segment_sum(jnp.ones((x_n.shape[0],), jnp.float32), batch_p, num_segments=G)
    pooled = sums / cnt[:, None]
    return jax.nn.log_softmax(pooled @ W_fc + b_fc, axis=-1)

if __name__ == "__main__":
    import jax
    _d = setup_inputs()
    print(jax.jit(kernel)(*tuple(_d.values())))

</pallas_src>

<mosaic_0001>
#map = affine_map<(d0, d1) -> (0, 0)>
#map1 = affine_map<(d0, d1) -> (0, 0, 0)>
#map2 = affine_map<(d0, d1) -> (0)>
module attributes {stable_mosaic.version = 14 : i64} {
  func.func @_sc_pass1(%arg0: i32, %arg1: i32, %arg2: memref<10000x128xf32, #tpu.memory_space<hbm>>, %arg3: memref<32x79x128xi32, #tpu.memory_space<hbm>>, %arg4: memref<32x79x128xi32, #tpu.memory_space<hbm>>, %arg5: memref<128x128xf32, #tpu.memory_space<hbm>>, %arg6: memref<640xf32, #tpu.memory_space<hbm>>, %arg7: memref<128xf32, #tpu.memory_space<hbm>>, %arg8: memref<2x10240x128xf32, #tpu.memory_space<hbm>>, %arg9: memref<2x10240xf32, #tpu.memory_space<hbm>>, %arg10: memref<128xi32, #tpu.memory_space<vmem>>, %arg11: memref<128xi32, #tpu.memory_space<vmem>>, %arg12: memref<79x128xi32, #tpu.memory_space<vmem>>, %arg13: memref<128x128xf32, #tpu.memory_space<vmem>>, %arg14: memref<128x128xf32, #tpu.memory_space<vmem>>, %arg15: memref<128xf32, #tpu.memory_space<vmem>>, %arg16: memref<640xf32, #tpu.memory_space<vmem>>, %arg17: memref<10240x128xf32, #tpu.memory_space<vmem_shared>>, %arg18: memref<10240xf32, #tpu.memory_space<vmem_shared>>, %arg19: memref<!tpu.dma_semaphore, #tpu.memory_space<semaphore_mem>>, %arg20: memref<!tpu.dma_semaphore, #tpu.memory_space<semaphore_mem>>, %arg21: memref<!tpu.dma_semaphore, #tpu.memory_space<semaphore_mem>>, %arg22: memref<!tpu.dma_semaphore, #tpu.memory_space<semaphore_mem>>, %arg23: memref<!tpu.dma_semaphore, #tpu.memory_space<semaphore_mem>>) attributes {dimension_semantics = [#tpu.dimension_semantics<core_parallel>, #tpu.dimension_semantics<subcore_parallel>], iteration_bounds = array<i64: 2, 16>, scalar_prefetch = 0 : i64, scratch_operands = 14 : i64, tpu.core_type = #tpu.core_type<sc_vector_subcore>, window_params = [{transform_indices = #map}, {transform_indices = #map1}, {transform_indices = #map1}, {transform_indices = #map}, {transform_indices = #map2}, {transform_indices = #map2}, {transform_indices = #map1}, {transform_indices = #map}]} {
    %mul3A = arith.constant 16 : i32
    %mul3A_0 = arith.muli %arg0, %mul3A : i32
    %add3A = arith.addi %mul3A_0, %arg1 : i32
    "tpu.region"() ({
      %run_scoped3A_88 = tpu.sem_alloc : memref<!tpu.dma_semaphore, #tpu.memory_space<semaphore_mem>>
      tpu.enqueue_dma source(%arg5 : memref<128x128xf32, #tpu.memory_space<hbm>>) target(%arg13 : memref<128x128xf32, #tpu.memory_space<vmem>>) target_semaphore(%run_scoped3A_88 : memref<!tpu.dma_semaphore, #tpu.memory_space<semaphore_mem>>)
      tpu.wait_dma2 semaphore(%run_scoped3A_88 : memref<!tpu.dma_semaphore, #tpu.memory_space<semaphore_mem>>) src(%arg5 : memref<128x128xf32, #tpu.memory_space<hbm>>) dst(%arg13 : memref<128x128xf32, #tpu.memory_space<vmem>>)
      tpu.yield
    }) : () -> ()
    "tpu.region"() ({
      %run_scoped3A_88 = tpu.sem_alloc : memref<!tpu.dma_semaphore, #tpu.memory_space<semaphore_mem>>
      tpu.enqueue_dma source(%arg6 : memref<640xf32, #tpu.memory_space<hbm>>) target(%arg16 : memref<640xf32, #tpu.memory_space<vmem>>) target_semaphore(%run_scoped3A_88 : memref<!tpu.dma_semaphore, #tpu.memory_space<semaphore_mem>>)
      tpu.wait_dma2 semaphore(%run_scoped3A_88 : memref<!tpu.dma_semaphore, #tpu.memory_space<semaphore_mem>>) src(%arg6 : memref<640xf32, #tpu.memory_space<hbm>>) dst(%arg16 : memref<640xf32, #tpu.memory_space<vmem>>)
      tpu.yield
    }) : () -> ()
    "tpu.region"() ({
      %run_scoped3A_88 = tpu.sem_alloc : memref<!tpu.dma_semaphore, #tpu.memory_space<semaphore_mem>>
      tpu.enqueue_dma source(%arg7 : memref<128xf32, #tpu.memory_space<hbm>>) target(%arg15 : memref<128xf32, #tpu.memory_space<vmem>>) target_semaphore(%run_scoped3A_88 : memref<!tpu.dma_semaphore, #tpu.memory_space<semaphore_mem>>)
      tpu.wait_dma2 semaphore(%run_scoped3A_88 : memref<!tpu.dma_semaphore, #tpu.memory_space<semaphore_mem>>) src(%arg7 : memref<128xf32, #tpu.memory_space<hbm>>) dst(%arg15 : memref<128xf32, #tpu.memory_space<vmem>>)
      tpu.yield
    }) : () -> ()
    "tpu.region"() ({
      %run_scoped3A_88 = tpu.sem_alloc : memref<!tpu.dma_semaphore, #tpu.memory_space<semaphore_mem>>
      %dma_start3A_89 = arith.constant 0 : i32
      %dma_start3A_90 = arith.constant 0 : i32
      %dma_start3A_91 = tpu.memref_slice %arg4[%add3A, %dma_start3A_89, %dma_start3A_90] : memref<32x79x128xi32, #tpu.memory_space<hbm>> -> memref<1x79x128xi32, #tpu.memory_space<hbm>>
      %dma_start3A_92 = tpu.memref_squeeze %dma_start3A_91 : memref<1x79x128xi32, #tpu.memory_space<hbm>> -> memref<79x128xi32, #tpu.memory_space<hbm>>
      %dma_start3A_93 = arith.constant 0 : i32
      %dma_start3A_94 = arith.constant 0 : i32
      %dma_start3A_95 = tpu.memref_slice %arg4[%add3A, %dma_start3A_93, %dma_start3A_94] : memref<32x79x128xi32, #tpu.memory_space<hbm>> -> memref<1x79x128xi32, #tpu.memory_space<hbm>>
      %dma_start3A_96 = tpu.memref_squeeze %dma_start3A_95 : memref<1x79x128xi32, #tpu.memory_space<hbm>> -> memref<79x128xi32, #tpu.memory_space<hbm>>
      tpu.enqueue_dma source(%dma_start3A_96 : memref<79x128xi32, #tpu.memory_space<hbm>>) target(%arg12 : memref<79x128xi32, #tpu.memory_space<vmem>>) target_semaphore(%run_scoped3A_88 : memref<!tpu.dma_semaphore, #tpu.memory_space<semaphore_mem>>)
      %dma_wait3A = arith.constant 0 : i32
      %dma_wait3A_97 = arith.constant 0 : i32
      %dma_wait3A_98 = tpu.memref_slice %arg4[%add3A, %dma_wait3A, %dma_wait3A_97] : memref<32x79x128xi32, #tpu.memory_space<hbm>> -> memref<1x79x128xi32, #tpu.memory_space<hbm>>
      %dma_wait3A_99 = tpu.memref_squeeze %dma_wait3A_98 : memref<1x79x128xi32, #tpu.memory_space<hbm>> -> memref<79x128xi32, #tpu.memory_space<hbm>>
      %dma_wait3A_100 = arith.constant 0 : i32
      %dma_wait3A_101 = arith.constant 0 : i32
      %dma_wait3A_102 = tpu.memref_slice %arg4[%add3A, %dma_wait3A_100, %dma_wait3A_101] : memref<32x79x128xi32, #tpu.memory_space<hbm>> -> memref<1x79x128xi32, #tpu.memory_space<hbm>>
      %dma_wait3A_103 = tpu.memref_squeeze %dma_wait3A_102 : memref<1x79x128xi32, #tpu.memory_space<hbm>> -> memref<79x128xi32, #tpu.memory_space<hbm>>
      tpu.wait_dma2 semaphore(%run_scoped3A_88 : memref<!tpu.dma_semaphore, #tpu.memory_space<semaphore_mem>>) src(%dma_wait3A_103 : memref<79x128xi32, #tpu.memory_space<hbm>>) dst(%arg12 : memref<79x128xi32, #tpu.memory_space<vmem>>)
      tpu.yield
    }) : () -> ()
    %mul3A_1 = arith.constant 640 : i32
    %mul3A_2 = arith.muli %arg1, %mul3A_1 : i32
    %add3A_3 = arith.constant 0 : i32
    %add3A_4 = arith.addi %mul3A_2, %add3A_3 : i32
    "tpu.region"() ({
      %run_scoped3A_88 = tpu.sem_alloc : memref<!tpu.dma_semaphore, #tpu.memory_space<semaphore_mem>>
      %dma_start3A_89 = arith.constant 0 : i32
      %dma_start3A_90 = tpu.memref_slice %arg17[%add3A_4, %dma_start3A_89] : memref<10240x128xf32, #tpu.memory_space<vmem_shared>> -> memref<128x128xf32, #tpu.memory_space<vmem_shared>>
      %dma_start3A_91 = arith.constant 0 : i32
      %dma_start3A_92 = tpu.memref_slice %arg17[%add3A_4, %dma_start3A_91] : memref<10240x128xf32, #tpu.memory_space<vmem_shared>> -> memref<128x128xf32, #tpu.memory_space<vmem_shared>>
      tpu.enqueue_dma source(%arg13 : memref<128x128xf32, #tpu.memory_space<vmem>>) target(%dma_start3A_92 : memref<128x128xf32, #tpu.memory_space<vmem_shared>>) target_semaphore(%run_scoped3A_88 : memref<!tpu.dma_semaphore, #tpu.memory_space<semaphore_mem>>)
      %dma_wait3A = arith.constant 0 : i32
      %dma_wait3A_93 = tpu.memref_slice %arg17[%add3A_4, %dma_wait3A] : memref<10240x128xf32, #tpu.memory_space<vmem_shared>> -> memref<128x128xf32, #tpu.memory_space<vmem_shared>>
      %dma_wait3A_94 = arith.constant 0 : i32
      %dma_wait3A_95 = tpu.memref_slice %arg17[%add3A_4, %dma_wait3A_94] : memref<10240x128xf32, #tpu.memory_space<vmem_shared>> -> memref<128x128xf32, #tpu.memory_space<vmem_shared>>
      tpu.wait_dma2 semaphore(%run_scoped3A_88 : memref<!tpu.dma_semaphore, #tpu.memory_space<semaphore_mem>>) src(%arg13 : memref<128x128xf32, #tpu.memory_space<vmem>>) dst(%dma_wait3A_95 : memref<128x128xf32, #tpu.memory_space<vmem_shared>>)
      tpu.yield
    }) : () -> ()
    %mul3A_5 = arith.constant 640 : i32
    %mul3A_6 = arith.muli %arg1, %mul3A_5 : i32
    %add3A_7 = arith.constant 128 : i32
    %add3A_8 = arith.addi %mul3A_6, %add3A_7 : i32
    "tpu.region"() ({
      %run_scoped3A_88 = tpu.sem_alloc : memref<!tpu.dma_semaphore, #tpu.memory_space<semaphore_mem>>
      %dma_start3A_89 = arith.constant 0 : i32
      %dma_start3A_90 = tpu.memref_slice %arg17[%add3A_8, %dma_start3A_89] : memref<10240x128xf32, #tpu.memory_space<vmem_shared>> -> memref<128x128xf32, #tpu.memory_space<vmem_shared>>
      %dma_start3A_91 = arith.constant 0 : i32
      %dma_start3A_92 = tpu.memref_slice %arg17[%add3A_8, %dma_start3A_91] : memref<10240x128xf32, #tpu.memory_space<vmem_shared>> -> memref<128x128xf32, #tpu.memory_space<vmem_shared>>
      tpu.enqueue_dma source(%arg13 : memref<128x128xf32, #tpu.memory_space<vmem>>) target(%dma_start3A_92 : memref<128x128xf32, #tpu.memory_space<vmem_shared>>) target_semaphore(%run_scoped3A_88 : memref<!tpu.dma_semaphore, #tpu.memory_space<semaphore_mem>>)
      %dma_wait3A = arith.constant 0 : i32
      %dma_wait3A_93 = tpu.memref_slice %arg17[%add3A_8, %dma_wait3A] : memref<10240x128xf32, #tpu.memory_space<vmem_shared>> -> memref<128x128xf32, #tpu.memory_space<vmem_shared>>
      %dma_wait3A_94 = arith.constant 0 : i32
      %dma_wait3A_95 = tpu.memref_slice %arg17[%add3A_8, %dma_wait3A_94] : memref<10240x128xf32, #tpu.memory_space<vmem_shared>> -> memref<128x128xf32, #tpu.memory_space<vmem_shared>>
      tpu.wait_dma2 semaphore(%run_scoped3A_88 : memref<!tpu.dma_semaphore, #tpu.memory_space<semaphore_mem>>) src(%arg13 : memref<128x128xf32, #tpu.memory_space<vmem>>) dst(%dma_wait3A_95 : memref<128x128xf32, #tpu.memory_space<vmem_shared>>)
      tpu.yield
    }) : () -> ()
    %mul3A_9 = arith.constant 640 : i32
    %mul3A_10 = arith.muli %arg1, %mul3A_9 : i32
    %add3A_11 = arith.constant 256 : i32
    %add3A_12 = arith.addi %mul3A_10, %add3A_11 : i32
    "tpu.region"() ({
      %run_scoped3A_88 = tpu.sem_alloc : memref<!tpu.dma_semaphore, #tpu.memory_space<semaphore_mem>>
      %dma_start3A_89 = arith.constant 0 : i32
      %dma_start3A_90 = tpu.memref_slice %arg17[%add3A_12, %dma_start3A_89] : memref<10240x128xf32, #tpu.memory_space<vmem_shared>> -> memref<128x128xf32, #tpu.memory_space<vmem_shared>>
      %dma_start3A_91 = arith.constant 0 : i32
      %dma_start3A_92 = tpu.memref_slice %arg17[%add3A_12, %dma_start3A_91] : memref<10240x128xf32, #tpu.memory_space<vmem_shared>> -> memref<128x128xf32, #tpu.memory_space<vmem_shared>>
      tpu.enqueue_dma source(%arg13 : memref<128x128xf32, #tpu.memory_space<vmem>>) target(%dma_start3A_92 : memref<128x128xf32, #tpu.memory_space<vmem_shared>>) target_semaphore(%run_scoped3A_88 : memref<!tpu.dma_semaphore, #tpu.memory_space<semaphore_mem>>)
      %dma_wait3A = arith.constant 0 : i32
      %dma_wait3A_93 = tpu.memref_slice %arg17[%add3A_12, %dma_wait3A] : memref<10240x128xf32, #tpu.memory_space<vmem_shared>> -> memref<128x128xf32, #tpu.memory_space<vmem_shared>>
      %dma_wait3A_94 = arith.constant 0 : i32
      %dma_wait3A_95 = tpu.memref_slice %arg17[%add3A_12, %dma_wait3A_94] : memref<10240x128xf32, #tpu.memory_space<vmem_shared>> -> memref<128x128xf32, #tpu.memory_space<vmem_shared>>
      tpu.wait_dma2 semaphore(%run_scoped3A_88 : memref<!tpu.dma_semaphore, #tpu.memory_space<semaphore_mem>>) src(%arg13 : memref<128x128xf32, #tpu.memory_space<vmem>>) dst(%dma_wait3A_95 : memref<128x128xf32, #tpu.memory_space<vmem_shared>>)
      tpu.yield
    }) : () -> ()
    %mul3A_13 = arith.constant 640 : i32
    %mul3A_14 = arith.muli %arg1, %mul3A_13 : i32
    %add3A_15 = arith.constant 384 : i32
    %add3A_16 = arith.addi %mul3A_14, %add3A_15 : i32
    "tpu.region"() ({
      %run_scoped3A_88 = tpu.sem_alloc : memref<!tpu.dma_semaphore, #tpu.memory_space<semaphore_mem>>
      %dma_start3A_89 = arith.constant 0 : i32
      %dma_start3A_90 = tpu.memref_slice %arg17[%add3A_16, %dma_start3A_89] : memref<10240x128xf32, #tpu.memory_space<vmem_shared>> -> memref<128x128xf32, #tpu.memory_space<vmem_shared>>
      %dma_start3A_91 = arith.constant 0 : i32
      %dma_start3A_92 = tpu.memref_slice %arg17[%add3A_16, %dma_start3A_91] : memref<10240x128xf32, #tpu.memory_space<vmem_shared>> -> memref<128x128xf32, #tpu.memory_space<vmem_shared>>
      tpu.enqueue_dma source(%arg13 : memref<128x128xf32, #tpu.memory_space<vmem>>) target(%dma_start3A_92 : memref<128x128xf32, #tpu.memory_space<vmem_shared>>) target_semaphore(%run_scoped3A_88 : memref<!tpu.dma_semaphore, #tpu.memory_space<semaphore_mem>>)
      %dma_wait3A = arith.constant 0 : i32
      %dma_wait3A_93 = tpu.memref_slice %arg17[%add3A_16, %dma_wait3A] : memref<10240x128xf32, #tpu.memory_space<vmem_shared>> -> memref<128x128xf32, #tpu.memory_space<vmem_shared>>
      %dma_wait3A_94 = arith.constant 0 : i32
      %dma_wait3A_95 = tpu.memref_slice %arg17[%add3A_16, %dma_wait3A_94] : memref<10240x128xf32, #tpu.memory_space<vmem_shared>> -> memref<128x128xf32, #tpu.memory_space<vmem_shared>>
      tpu.wait_dma2 semaphore(%run_scoped3A_88 : memref<!tpu.dma_semaphore, #tpu.memory_space<semaphore_mem>>) src(%arg13 : memref<128x128xf32, #tpu.memory_space<vmem>>) dst(%dma_wait3A_95 : memref<128x128xf32, #tpu.memory_space<vmem_shared>>)
      tpu.yield
    }) : () -> ()
    %mul3A_17 = arith.constant 640 : i32
    %mul3A_18 = arith.muli %arg1, %mul3A_17 : i32
    %add3A_19 = arith.constant 512 : i32
    %add3A_20 = arith.addi %mul3A_18, %add3A_19 : i32
    "tpu.region"() ({
      %run_scoped3A_88 = tpu.sem_alloc : memref<!tpu.dma_semaphore, #tpu.memory_space<semaphore_mem>>
      %dma_start3A_89 = arith.constant 0 : i32
      %dma_start3A_90 = tpu.memref_slice %arg17[%add3A_20, %dma_start3A_89] : memref<10240x128xf32, #tpu.memory_space<vmem_shared>> -> memref<128x128xf32, #tpu.memory_space<vmem_shared>>
      %dma_start3A_91 = arith.constant 0 : i32
      %dma_start3A_92 = tpu.memref_slice %arg17[%add3A_20, %dma_start3A_91] : memref<10240x128xf32, #tpu.memory_space<vmem_shared>> -> memref<128x128xf32, #tpu.memory_space<vmem_shared>>
      tpu.enqueue_dma source(%arg13 : memref<128x128xf32, #tpu.memory_space<vmem>>) target(%dma_start3A_92 : memref<128x128xf32, #tpu.memory_space<vmem_shared>>) target_semaphore(%run_scoped3A_88 : memref<!tpu.dma_semaphore, #tpu.memory_space<semaphore_mem>>)
      %dma_wait3A = arith.constant 0 : i32
      %dma_wait3A_93 = tpu.memref_slice %arg17[%add3A_20, %dma_wait3A] : memref<10240x128xf32, #tpu.memory_space<vmem_shared>> -> memref<128x128xf32, #tpu.memory_space<vmem_shared>>
      %dma_wait3A_94 = arith.constant 0 : i32
      %dma_wait3A_95 = tpu.memref_slice %arg17[%add3A_20, %dma_wait3A_94] : memref<10240x128xf32, #tpu.memory_space<vmem_shared>> -> memref<128x128xf32, #tpu.memory_space<vmem_shared>>
      tpu.wait_dma2 semaphore(%run_scoped3A_88 : memref<!tpu.dma_semaphore, #tpu.memory_space<semaphore_mem>>) src(%arg13 : memref<128x128xf32, #tpu.memory_space<vmem>>) dst(%dma_wait3A_95 : memref<128x128xf32, #tpu.memory_space<vmem_shared>>)
      tpu.yield
    }) : () -> ()
    %mul3A_21 = arith.constant 640 : i32
    %mul3A_22 = arith.muli %arg1, %mul3A_21 : i32
    "tpu.region"() ({
      %run_scoped3A_88 = tpu.sem_alloc : memref<!tpu.dma_semaphore, #tpu.memory_space<semaphore_mem>>
      %dma_start3A_89 = tpu.memref_slice %arg18[%mul3A_22] : memref<10240xf32, #tpu.memory_space<vmem_shared>> -> memref<640xf32, #tpu.memory_space<vmem_shared>>
      %dma_start3A_90 = tpu.memref_slice %arg18[%mul3A_22] : memref<10240xf32, #tpu.memory_space<vmem_shared>> -> memref<640xf32, #tpu.memory_space<vmem_shared>>
      tpu.enqueue_dma source(%arg16 : memref<640xf32, #tpu.memory_space<vmem>>) target(%dma_start3A_90 : memref<640xf32, #tpu.memory_space<vmem_shared>>) target_semaphore(%run_scoped3A_88 : memref<!tpu.dma_semaphore, #tpu.memory_space<semaphore_mem>>)
      %dma_wait3A = tpu.memref_slice %arg18[%mul3A_22] : memref<10240xf32, #tpu.memory_space<vmem_shared>> -> memref<640xf32, #tpu.memory_space<vmem_shared>>
      %dma_wait3A_91 = tpu.memref_slice %arg18[%mul3A_22] : memref<10240xf32, #tpu.memory_space<vmem_shared>> -> memref<640xf32, #tpu.memory_space<vmem_shared>>
      tpu.wait_dma2 semaphore(%run_scoped3A_88 : memref<!tpu.dma_semaphore, #tpu.memory_space<semaphore_mem>>) src(%arg16 : memref<640xf32, #tpu.memory_space<vmem>>) dst(%dma_wait3A_91 : memref<640xf32, #tpu.memory_space<vmem_shared>>)
      tpu.yield
    }) : () -> ()
    %run_scoped3A = arith.constant 0 : i32
    "tpu.region"() ({
      %run_scoped3A_88 = tpu.sem_alloc : memref<!tpu.dma_semaphore, #tpu.memory_space<semaphore_mem>>
      %dma_start3A_89 = arith.constant 0 : i32
      %dma_start3A_90 = tpu.memref_slice %arg3[%add3A, %run_scoped3A, %dma_start3A_89] : memref<32x79x128xi32, #tpu.memory_space<hbm>> -> memref<1x1x128xi32, #tpu.memory_space<hbm>>
      %dma_start3A_91 = tpu.memref_squeeze %dma_start3A_90 : memref<1x1x128xi32, #tpu.memory_space<hbm>> -> memref<128xi32, #tpu.memory_space<hbm>>
      %dma_start3A_92 = arith.constant 0 : i32
      %dma_start3A_93 = tpu.memref_slice %arg3[%add3A, %run_scoped3A, %dma_start3A_92] : memref<32x79x128xi32, #tpu.memory_space<hbm>> -> memref<1x1x128xi32, #tpu.memory_space<hbm>>
      %dma_start3A_94 = tpu.memref_squeeze %dma_start3A_93 : memref<1x1x128xi32, #tpu.memory_space<hbm>> -> memref<128xi32, #tpu.memory_space<hbm>>
      tpu.enqueue_dma source(%dma_start3A_94 : memref<128xi32, #tpu.memory_space<hbm>>) target(%arg10 : memref<128xi32, #tpu.memory_space<vmem>>) target_semaphore(%run_scoped3A_88 : memref<!tpu.dma_semaphore, #tpu.memory_space<semaphore_mem>>)
      %dma_wait3A = arith.constant 0 : i32
      %dma_wait3A_95 = tpu.memref_slice %arg3[%add3A, %run_scoped3A, %dma_wait3A] : memref<32x79x128xi32, #tpu.memory_space<hbm>> -> memref<1x1x128xi32, #tpu.memory_space<hbm>>
      %dma_wait3A_96 = tpu.memref_squeeze %dma_wait3A_95 : memref<1x1x128xi32, #tpu.memory_space<hbm>> -> memref<128xi32, #tpu.memory_space<hbm>>
      %dma_wait3A_97 = arith.constant 0 : i32
      %dma_wait3A_98 = tpu.memref_slice %arg3[%add3A, %run_scoped3A, %dma_wait3A_97] : memref<32x79x128xi32, #tpu.memory_space<hbm>> -> memref<1x1x128xi32, #tpu.memory_space<hbm>>
      %dma_wait3A_99 = tpu.memref_squeeze %dma_wait3A_98 : memref<1x1x128xi32, #tpu.memory_space<hbm>> -> memref<128xi32, #tpu.memory_space<hbm>>
      tpu.wait_dma2 semaphore(%run_scoped3A_88 : memref<!tpu.dma_semaphore, #tpu.memory_space<semaphore_mem>>) src(%dma_wait3A_99 : memref<128xi32, #tpu.memory_space<hbm>>) dst(%arg10 : memref<128xi32, #tpu.memory_space<vmem>>)
      tpu.yield
    }) : () -> ()
    %dma_start3A = arith.constant 0 : i32
    %dma_start3A_23 = arith.constant 0 : i32
    %dma_start3A_24 = tpu.memref_slice %arg2[%dma_start3A, %dma_start3A_23] : memref<10000x128xf32, #tpu.memory_space<hbm>> -> memref<10000x128xf32, #tpu.memory_space<hbm>>
    tpu.enqueue_indirect_dma source(%dma_start3A_24 : memref<10000x128xf32, #tpu.memory_space<hbm>>) target(%arg13 : memref<128x128xf32, #tpu.memory_space<vmem>>) offsets(%arg10 : memref<128xi32, #tpu.memory_space<vmem>>) semaphore(%arg19 : memref<!tpu.dma_semaphore, #tpu.memory_space<semaphore_mem>>)
    %dma_start3A_25 = arith.constant 1 : i32
    %dma_start3A_26 = arith.constant 0 : i32
    %dma_start3A_27 = tpu.memref_slice %arg3[%add3A, %dma_start3A_25, %dma_start3A_26] : memref<32x79x128xi32, #tpu.memory_space<hbm>> -> memref<1x1x128xi32, #tpu.memory_space<hbm>>
    %dma_start3A_28 = tpu.memref_squeeze %dma_start3A_27 : memref<1x1x128xi32, #tpu.memory_space<hbm>> -> memref<128xi32, #tpu.memory_space<hbm>>
    %dma_start3A_29 = arith.constant 0 : i32
    %dma_start3A_30 = tpu.memref_slice %arg3[%add3A, %dma_start3A_25, %dma_start3A_29] : memref<32x79x128xi32, #tpu.memory_space<hbm>> -> memref<1x1x128xi32, #tpu.memory_space<hbm>>
    %dma_start3A_31 = tpu.memref_squeeze %dma_start3A_30 : memref<1x1x128xi32, #tpu.memory_space<hbm>> -> memref<128xi32, #tpu.memory_space<hbm>>
    tpu.enqueue_dma source(%dma_start3A_31 : memref<128xi32, #tpu.memory_space<hbm>>) target(%arg11 : memref<128xi32, #tpu.memory_space<vmem>>) target_semaphore(%arg22 : memref<!tpu.dma_semaphore, #tpu.memory_space<semaphore_mem>>)
    %barrier3A = arith.constant 0 : index
    tpu.barrier barrier_id(%barrier3A)
    %scan3A = arith.constant 0 : i32
    %scan3A_32 = arith.constant 0 : i32
    %scan3A_33 = arith.constant 40 : i32
    %scan3A_34 = arith.addi %scan3A_32, %scan3A_33 : i32
    %scan3A_35 = arith.constant 1 : i32
    scf.for %scan3A_88 = %scan3A_32 to %scan3A_34 step %scan3A_35  : i32 {
      %mul3A_89 = arith.constant 2 : i32
      %mul3A_90 = arith.muli %mul3A_89, %scan3A_88 : i32
      %add3A_91 = arith.constant 1 : i32
      %add3A_92 = arith.addi %mul3A_90, %add3A_91 : i32
      %lt3A = arith.constant 79 : i32
      %lt3A_93 = arith.cmpi slt, %add3A_92, %lt3A : i32
      %convert_element_type3A = arith.extui %lt3A_93 : i1 to i32
      %cond3A = arith.constant 0 : i32
      %cond3A_94 = arith.cmpi ne, %convert_element_type3A, %cond3A : i32
      scf.if %cond3A_94 {
        %dma_wait3A_133 = arith.constant 0 : i32
        %dma_wait3A_134 = tpu.memref_slice %arg3[%add3A, %add3A_92, %dma_wait3A_133] : memref<32x79x128xi32, #tpu.memory_space<hbm>> -> memref<1x1x128xi32, #tpu.memory_space<hbm>>
        %dma_wait3A_135 = tpu.memref_squeeze %dma_wait3A_134 : memref<1x1x128xi32, #tpu.memory_space<hbm>> -> memref<128xi32, #tpu.memory_space<hbm>>
        %dma_wait3A_136 = arith.constant 0 : i32
        %dma_wait3A_137 = tpu.memref_slice %arg3[%add3A, %add3A_92, %dma_wait3A_136] : memref<32x79x128xi32, #tpu.memory_space<hbm>> -> memref<1x1x128xi32, #tpu.memory_space<hbm>>
        %dma_wait3A_138 = tpu.memref_squeeze %dma_wait3A_137 : memref<1x1x128xi32, #tpu.memory_space<hbm>> -> memref<128xi32, #tpu.memory_space<hbm>>
        tpu.wait_dma2 semaphore(%arg22 : memref<!tpu.dma_semaphore, #tpu.memory_space<semaphore_mem>>) src(%dma_wait3A_138 : memref<128xi32, #tpu.memory_space<hbm>>) dst(%arg11 : memref<128xi32, #tpu.memory_space<vmem>>)
        %dma_start3A_139 = arith.constant 0 : i32
        %dma_start3A_140 = arith.constant 0 : i32
        %dma_start3A_141 = tpu.memref_slice %arg2[%dma_start3A_139, %dma_start3A_140] : memref<10000x128xf32, #tpu.memory_space<hbm>> -> memref<10000x128xf32, #tpu.memory_space<hbm>>
        tpu.enqueue_indirect_dma source(%dma_start3A_141 : memref<10000x128xf32, #tpu.memory_space<hbm>>) target(%arg14 : memref<128x128xf32, #tpu.memory_space<vmem>>) offsets(%arg11 : memref<128xi32, #tpu.memory_space<vmem>>) semaphore(%arg20 : memref<!tpu.dma_semaphore, #tpu.memory_space<semaphore_mem>>)
      } else {
      }
      %dma_wait3A = arith.constant 0 : i32
      %dma_wait3A_95 = arith.constant 0 : i32
      %dma_wait3A_96 = tpu.memref_slice %arg2[%dma_wait3A, %dma_wait3A_95] : memref<10000x128xf32, #tpu.memory_space<hbm>> -> memref<10000x128xf32, #tpu.memory_space<hbm>>
      tpu.wait_indirect_dma semaphore(%arg19 : memref<!tpu.dma_semaphore, #tpu.memory_space<semaphore_mem>>) src(%dma_wait3A_96 : memref<10000x128xf32, #tpu.memory_space<hbm>>) dst(%arg13 : memref<128x128xf32, #tpu.memory_space<vmem>>)
      %add3A_97 = arith.constant 2 : i32
      %add3A_98 = arith.addi %mul3A_90, %add3A_97 : i32
      %lt3A_99 = arith.constant 79 : i32
      %lt3A_100 = arith.cmpi slt, %add3A_98, %lt3A_99 : i32
      %convert_element_type3A_101 = arith.extui %lt3A_100 : i1 to i32
      %cond3A_102 = arith.constant 0 : i32
      %cond3A_103 = arith.cmpi ne, %convert_element_type3A_101, %cond3A_102 : i32
      scf.if %cond3A_103 {
        %add3A_133 = arith.constant 2 : i32
        %add3A_134 = arith.addi %mul3A_90, %add3A_133 : i32
        %dma_start3A_135 = arith.constant 0 : i32
        %dma_start3A_136 = tpu.memref_slice %arg3[%add3A, %add3A_134, %dma_start3A_135] : memref<32x79x128xi32, #tpu.memory_space<hbm>> -> memref<1x1x128xi32, #tpu.memory_space<hbm>>
        %dma_start3A_137 = tpu.memref_squeeze %dma_start3A_136 : memref<1x1x128xi32, #tpu.memory_space<hbm>> -> memref<128xi32, #tpu.memory_space<hbm>>
        %dma_start3A_138 = arith.constant 0 : i32
        %dma_start3A_139 = tpu.memref_slice %arg3[%add3A, %add3A_134, %dma_start3A_138] : memref<32x79x128xi32, #tpu.memory_space<hbm>> -> memref<1x1x128xi32, #tpu.memory_space<hbm>>
        %dma_start3A_140 = tpu.memref_squeeze %dma_start3A_139 : memref<1x1x128xi32, #tpu.memory_space<hbm>> -> memref<128xi32, #tpu.memory_space<hbm>>
        tpu.enqueue_dma source(%dma_start3A_140 : memref<128xi32, #tpu.memory_space<hbm>>) target(%arg10 : memref<128xi32, #tpu.memory_space<vmem>>) target_semaphore(%arg21 : memref<!tpu.dma_semaphore, #tpu.memory_space<semaphore_mem>>)
      } else {
      }
      "tpu.region"() ({
        %run_scoped3A_133 = tpu.sem_alloc : memref<!tpu.dma_semaphore, #tpu.memory_space<semaphore_mem>>
        %dma_start3A_134 = arith.constant 0 : i32
        %dma_start3A_135 = tpu.memref_slice %arg12[%mul3A_90, %dma_start3A_134] : memref<79x128xi32, #tpu.memory_space<vmem>> -> memref<1x128xi32, #tpu.memory_space<vmem>>
        %dma_start3A_136 = tpu.memref_squeeze %dma_start3A_135 : memref<1x128xi32, #tpu.memory_space<vmem>> -> memref<128xi32, #tpu.memory_space<vmem>>
        %dma_start3A_137 = arith.constant 0 : i32
        %dma_start3A_138 = arith.constant 0 : i32
        %dma_start3A_139 = tpu.memref_slice %arg17[%dma_start3A_137, %dma_start3A_138] : memref<10240x128xf32, #tpu.memory_space<vmem_shared>> -> memref<10240x128xf32, #tpu.memory_space<vmem_shared>>
        tpu.enqueue_indirect_dma source(%arg13 : memref<128x128xf32, #tpu.memory_space<vmem>>) target(%dma_start3A_139 : memref<10240x128xf32, #tpu.memory_space<vmem_shared>>) offsets(%dma_start3A_136 : memref<128xi32, #tpu.memory_space<vmem>>) semaphore(%run_scoped3A_133 : memref<!tpu.dma_semaphore, #tpu.memory_space<semaphore_mem>>) {add = true}
        %dma_wait3A_140 = arith.constant 0 : i32
        %dma_wait3A_141 = tpu.memref_slice %arg12[%mul3A_90, %dma_wait3A_140] : memref<79x128xi32, #tpu.memory_space<vmem>> -> memref<1x128xi32, #tpu.memory_space<vmem>>
        %dma_wait3A_142 = tpu.memref_squeeze %dma_wait3A_141 : memref<1x128xi32, #tpu.memory_space<vmem>> -> memref<128xi32, #tpu.memory_space<vmem>>
        %dma_wait3A_143 = arith.constant 0 : i32
        %dma_wait3A_144 = arith.constant 0 : i32
        %dma_wait3A_145 = tpu.memref_slice %arg17[%dma_wait3A_143, %dma_wait3A_144] : memref<10240x128xf32, #tpu.memory_space<vmem_shared>> -> memref<10240x128xf32, #tpu.memory_space<vmem_shared>>
        tpu.wait_indirect_dma semaphore(%run_scoped3A_133 : memref<!tpu.dma_semaphore, #tpu.memory_space<semaphore_mem>>) src(%arg13 : memref<128x128xf32, #tpu.memory_space<vmem>>) dst(%dma_wait3A_145 : memref<10240x128xf32, #tpu.memory_space<vmem_shared>>)
        tpu.yield
      }) : () -> ()
      %dma_start3A_104 = arith.constant 0 : i32
      %dma_start3A_105 = tpu.memref_slice %arg12[%mul3A_90, %dma_start3A_104] : memref<79x128xi32, #tpu.memory_space<vmem>> -> memref<1x128xi32, #tpu.memory_space<vmem>>
      %dma_start3A_106 = tpu.memref_squeeze %dma_start3A_105 : memref<1x128xi32, #tpu.memory_space<vmem>> -> memref<128xi32, #tpu.memory_space<vmem>>
      %dma_start3A_107 = arith.constant 0 : i32
      %dma_start3A_108 = tpu.memref_slice %arg18[%dma_start3A_107] : memref<10240xf32, #tpu.memory_space<vmem_shared>> -> memref<10240xf32, #tpu.memory_space<vmem_shared>>
      tpu.enqueue_indirect_dma source(%arg15 : memref<128xf32, #tpu.memory_space<vmem>>) target(%dma_start3A_108 : memref<10240xf32, #tpu.memory_space<vmem_shared>>) offsets(%dma_start3A_106 : memref<128xi32, #tpu.memory_space<vmem>>) semaphore(%arg23 : memref<!tpu.dma_semaphore, #tpu.memory_space<semaphore_mem>>) {add = true}
      %add3A_109 = arith.constant 2 : i32
      %add3A_110 = arith.addi %mul3A_90, %add3A_109 : i32
      %lt3A_111 = arith.constant 79 : i32
      %lt3A_112 = arith.cmpi slt, %add3A_110, %lt3A_111 : i32
      %convert_element_type3A_113 = arith.extui %lt3A_112 : i1 to i32
      %cond3A_114 = arith.constant 0 : i32
      %cond3A_115 = arith.cmpi ne, %convert_element_type3A_113, %cond3A_114 : i32
      scf.if %cond3A_115 {
        %add3A_133 = arith.constant 2 : i32
        %add3A_134 = arith.addi %mul3A_90, %add3A_133 : i32
        %dma_wait3A_135 = arith.constant 0 : i32
        %dma_wait3A_136 = tpu.memref_slice %arg3[%add3A, %add3A_134, %dma_wait3A_135] : memref<32x79x128xi32, #tpu.memory_space<hbm>> -> memref<1x1x128xi32, #tpu.memory_space<hbm>>
        %dma_wait3A_137 = tpu.memref_squeeze %dma_wait3A_136 : memref<1x1x128xi32, #tpu.memory_space<hbm>> -> memref<128xi32, #tpu.memory_space<hbm>>
        %dma_wait3A_138 = arith.constant 0 : i32
        %dma_wait3A_139 = tpu.memref_slice %arg3[%add3A, %add3A_134, %dma_wait3A_138] : memref<32x79x128xi32, #tpu.memory_space<hbm>> -> memref<1x1x128xi32, #tpu.memory_space<hbm>>
        %dma_wait3A_140 = tpu.memref_squeeze %dma_wait3A_139 : memref<1x1x128xi32, #tpu.memory_space<hbm>> -> memref<128xi32, #tpu.memory_space<hbm>>
        tpu.wait_dma2 semaphore(%arg21 : memref<!tpu.dma_semaphore, #tpu.memory_space<semaphore_mem>>) src(%dma_wait3A_140 : memref<128xi32, #tpu.memory_space<hbm>>) dst(%arg10 : memref<128xi32, #tpu.memory_space<vmem>>)
        %dma_start3A_141 = arith.constant 0 : i32
        %dma_start3A_142 = arith.constant 0 : i32
        %dma_start3A_143 = tpu.memref_slice %arg2[%dma_start3A_141, %dma_start3A_142] : memref<10000x128xf32, #tpu.memory_space<hbm>> -> memref<10000x128xf32, #tpu.memory_space<hbm>>
        tpu.enqueue_indirect_dma source(%dma_start3A_143 : memref<10000x128xf32, #tpu.memory_space<hbm>>) target(%arg13 : memref<128x128xf32, #tpu.memory_space<vmem>>) offsets(%arg10 : memref<128xi32, #tpu.memory_space<vmem>>) semaphore(%arg19 : memref<!tpu.dma_semaphore, #tpu.memory_space<semaphore_mem>>)
      } else {
      }
      %lt3A_116 = arith.constant 79 : i32
      %lt3A_117 = arith.cmpi slt, %add3A_92, %lt3A_116 : i32
      %convert_element_type3A_118 = arith.extui %lt3A_117 : i1 to i32
      %cond3A_119 = arith.constant 0 : i32
      %cond3A_120 = arith.cmpi ne, %convert_element_type3A_118, %cond3A_119 : i32
      scf.if %cond3A_120 {
        %dma_wait3A_133 = arith.constant 0 : i32
        %dma_wait3A_134 = arith.constant 0 : i32
        %dma_wait3A_135 = tpu.memref_slice %arg2[%dma_wait3A_133, %dma_wait3A_134] : memref<10000x128xf32, #tpu.memory_space<hbm>> -> memref<10000x128xf32, #tpu.memory_space<hbm>>
        tpu.wait_indirect_dma semaphore(%arg20 : memref<!tpu.dma_semaphore, #tpu.memory_space<semaphore_mem>>) src(%dma_wait3A_135 : memref<10000x128xf32, #tpu.memory_space<hbm>>) dst(%arg14 : memref<128x128xf32, #tpu.memory_space<vmem>>)
      } else {
      }
      %add3A_121 = arith.constant 2 : i32
      %add3A_122 = arith.addi %add3A_92, %add3A_121 : i32
      %lt3A_123 = arith.constant 79 : i32
      %lt3A_124 = arith.cmpi slt, %add3A_122, %lt3A_123 : i32
      %convert_element_type3A_125 = arith.extui %lt3A_124 : i1 to i32
      %cond3A_126 = arith.constant 0 : i32
      %cond3A_127 = arith.cmpi ne, %convert_element_type3A_125, %cond3A_126 : i32
      scf.if %cond3A_127 {
        %add3A_133 = arith.constant 2 : i32
        %add3A_134 = arith.addi %add3A_92, %add3A_133 : i32
        %dma_start3A_135 = arith.constant 0 : i32
        %dma_start3A_136 = tpu.memref_slice %arg3[%add3A, %add3A_134, %dma_start3A_135] : memref<32x79x128xi32, #tpu.memory_space<hbm>> -> memref<1x1x128xi32, #tpu.memory_space<hbm>>
        %dma_start3A_137 = tpu.memref_squeeze %dma_start3A_136 : memref<1x1x128xi32, #tpu.memory_space<hbm>> -> memref<128xi32, #tpu.memory_space<hbm>>
        %dma_start3A_138 = arith.constant 0 : i32
        %dma_start3A_139 = tpu.memref_slice %arg3[%add3A, %add3A_134, %dma_start3A_138] : memref<32x79x128xi32, #tpu.memory_space<hbm>> -> memref<1x1x128xi32, #tpu.memory_space<hbm>>
        %dma_start3A_140 = tpu.memref_squeeze %dma_start3A_139 : memref<1x1x128xi32, #tpu.memory_space<hbm>> -> memref<128xi32, #tpu.memory_space<hbm>>
        tpu.enqueue_dma source(%dma_start3A_140 : memref<128xi32, #tpu.memory_space<hbm>>) target(%arg11 : memref<128xi32, #tpu.memory_space<vmem>>) target_semaphore(%arg22 : memref<!tpu.dma_semaphore, #tpu.memory_space<semaphore_mem>>)
      } else {
      }
      %lt3A_128 = arith.constant 79 : i32
      %lt3A_129 = arith.cmpi slt, %add3A_92, %lt3A_128 : i32
      %convert_element_type3A_130 = arith.extui %lt3A_129 : i1 to i32
      %cond3A_131 = arith.constant 0 : i32
      %cond3A_132 = arith.cmpi ne, %convert_element_type3A_130, %cond3A_131 : i32
      scf.if %cond3A_132 {
        "tpu.region"() ({
          %run_scoped3A_138 = tpu.sem_alloc : memref<!tpu.dma_semaphore, #tpu.memory_space<semaphore_mem>>
          %dma_start3A_139 = arith.constant 0 : i32
          %dma_start3A_140 = tpu.memref_slice %arg12[%add3A_92, %dma_start3A_139] : memref<79x128xi32, #tpu.memory_space<vmem>> -> memref<1x128xi32, #tpu.memory_space<vmem>>
          %dma_start3A_141 = tpu.memref_squeeze %dma_start3A_140 : memref<1x128xi32, #tpu.memory_space<vmem>> -> memref<128xi32, #tpu.memory_space<vmem>>
          %dma_start3A_142 = arith.constant 0 : i32
          %dma_start3A_143 = arith.constant 0 : i32
          %dma_start3A_144 = tpu.memref_slice %arg17[%dma_start3A_142, %dma_start3A_143] : memref<10240x128xf32, #tpu.memory_space<vmem_shared>> -> memref<10240x128xf32, #tpu.memory_space<vmem_shared>>
          tpu.enqueue_indirect_dma source(%arg14 : memref<128x128xf32, #tpu.memory_space<vmem>>) target(%dma_start3A_144 : memref<10240x128xf32, #tpu.memory_space<vmem_shared>>) offsets(%dma_start3A_141 : memref<128xi32, #tpu.memory_space<vmem>>) semaphore(%run_scoped3A_138 : memref<!tpu.dma_semaphore, #tpu.memory_space<semaphore_mem>>) {add = true}
          %dma_wait3A_145 = arith.constant 0 : i32
          %dma_wait3A_146 = tpu.memref_slice %arg12[%add3A_92, %dma_wait3A_145] : memref<79x128xi32, #tpu.memory_space<vmem>> -> memref<1x128xi32, #tpu.memory_space<vmem>>
          %dma_wait3A_147 = tpu.memref_squeeze %dma_wait3A_146 : memref<1x128xi32, #tpu.memory_space<vmem>> -> memref<128xi32, #tpu.memory_space<vmem>>
          %dma_wait3A_148 = arith.constant 0 : i32
          %dma_wait3A_149 = arith.constant 0 : i32
          %dma_wait3A_150 = tpu.memref_slice %arg17[%dma_wait3A_148, %dma_wait3A_149] : memref<10240x128xf32, #tpu.memory_space<vmem_shared>> -> memref<10240x128xf32, #tpu.memory_space<vmem_shared>>
          tpu.wait_indirect_dma semaphore(%run_scoped3A_138 : memref<!tpu.dma_semaphore, #tpu.memory_space<semaphore_mem>>) src(%arg14 : memref<128x128xf32, #tpu.memory_space<vmem>>) dst(%dma_wait3A_150 : memref<10240x128xf32, #tpu.memory_space<vmem_shared>>)
          tpu.yield
        }) : () -> ()
        %dma_start3A_133 = arith.constant 0 : i32
        %dma_start3A_134 = tpu.memref_slice %arg12[%add3A_92, %dma_start3A_133] : memref<79x128xi32, #tpu.memory_space<vmem>> -> memref<1x128xi32, #tpu.memory_space<vmem>>
        %dma_start3A_135 = tpu.memref_squeeze %dma_start3A_134 : memref<1x128xi32, #tpu.memory_space<vmem>> -> memref<128xi32, #tpu.memory_space<vmem>>
        %dma_start3A_136 = arith.constant 0 : i32
        %dma_start3A_137 = tpu.memref_slice %arg18[%dma_start3A_136] : memref<10240xf32, #tpu.memory_space<vmem_shared>> -> memref<10240xf32, #tpu.memory_space<vmem_shared>>
        tpu.enqueue_indirect_dma source(%arg15 : memref<128xf32, #tpu.memory_space<vmem>>) target(%dma_start3A_137 : memref<10240xf32, #tpu.memory_space<vmem_shared>>) offsets(%dma_start3A_135 : memref<128xi32, #tpu.memory_space<vmem>>) semaphore(%arg23 : memref<!tpu.dma_semaphore, #tpu.memory_space<semaphore_mem>>) {add = true}
      } else {
      }
    }
    %scan3A_36 = arith.constant 40 : i32
    %scan3A_37 = arith.constant 0 : i32
    %scan3A_38 = arith.constant 0 : i32
    %scan3A_39 = arith.constant 79 : i32
    %scan3A_40 = arith.addi %scan3A_38, %scan3A_39 : i32
    %scan3A_41 = arith.constant 1 : i32
    scf.for %scan3A_88 = %scan3A_38 to %scan3A_40 step %scan3A_41  : i32 {
      %dma_wait3A = arith.constant 0 : i32
      %dma_wait3A_89 = arith.constant 0 : i32
      %dma_wait3A_90 = tpu.memref_slice %arg12[%dma_wait3A, %dma_wait3A_89] : memref<79x128xi32, #tpu.memory_space<vmem>> -> memref<1x128xi32, #tpu.memory_space<vmem>>
      %dma_wait3A_91 = tpu.memref_squeeze %dma_wait3A_90 : memref<1x128xi32, #tpu.memory_space<vmem>> -> memref<128xi32, #tpu.memory_space<vmem>>
      %dma_wait3A_92 = arith.constant 0 : i32
      %dma_wait3A_93 = tpu.memref_slice %arg18[%dma_wait3A_92] : memref<10240xf32, #tpu.memory_space<vmem_shared>> -> memref<10240xf32, #tpu.memory_space<vmem_shared>>
      tpu.wait_indirect_dma semaphore(%arg23 : memref<!tpu.dma_semaphore, #tpu.memory_space<semaphore_mem>>) src(%arg15 : memref<128xf32, #tpu.memory_space<vmem>>) dst(%dma_wait3A_93 : memref<10240xf32, #tpu.memory_space<vmem_shared>>)
    }
    %scan3A_42 = arith.constant 79 : i32
    %barrier3A_43 = arith.constant 0 : index
    tpu.barrier barrier_id(%barrier3A_43)
    %mul3A_44 = arith.constant 640 : i32
    %mul3A_45 = arith.muli %arg1, %mul3A_44 : i32
    %add3A_46 = arith.constant 0 : i32
    %add3A_47 = arith.addi %mul3A_45, %add3A_46 : i32
    "tpu.region"() ({
      %run_scoped3A_88 = tpu.sem_alloc : memref<!tpu.dma_semaphore, #tpu.memory_space<semaphore_mem>>
      %dma_start3A_89 = arith.constant 0 : i32
      %dma_start3A_90 = tpu.memref_slice %arg17[%add3A_47, %dma_start3A_89] : memref<10240x128xf32, #tpu.memory_space<vmem_shared>> -> memref<128x128xf32, #tpu.memory_space<vmem_shared>>
      %dma_start3A_91 = arith.constant 0 : i32
      %dma_start3A_92 = tpu.memref_slice %arg17[%add3A_47, %dma_start3A_91] : memref<10240x128xf32, #tpu.memory_space<vmem_shared>> -> memref<128x128xf32, #tpu.memory_space<vmem_shared>>
      tpu.enqueue_dma source(%dma_start3A_92 : memref<128x128xf32, #tpu.memory_space<vmem_shared>>) target(%arg13 : memref<128x128xf32, #tpu.memory_space<vmem>>) target_semaphore(%run_scoped3A_88 : memref<!tpu.dma_semaphore, #tpu.memory_space<semaphore_mem>>)
      %dma_wait3A = arith.constant 0 : i32
      %dma_wait3A_93 = tpu.memref_slice %arg17[%add3A_47, %dma_wait3A] : memref<10240x128xf32, #tpu.memory_space<vmem_shared>> -> memref<128x128xf32, #tpu.memory_space<vmem_shared>>
      %dma_wait3A_94 = arith.constant 0 : i32
      %dma_wait3A_95 = tpu.memref_slice %arg17[%add3A_47, %dma_wait3A_94] : memref<10240x128xf32, #tpu.memory_space<vmem_shared>> -> memref<128x128xf32, #tpu.memory_space<vmem_shared>>
      tpu.wait_dma2 semaphore(%run_scoped3A_88 : memref<!tpu.dma_semaphore, #tpu.memory_space<semaphore_mem>>) src(%dma_wait3A_95 : memref<128x128xf32, #tpu.memory_space<vmem_shared>>) dst(%arg13 : memref<128x128xf32, #tpu.memory_space<vmem>>)
      tpu.yield
    }) : () -> ()
    %mul3A_48 = arith.constant 640 : i32
    %mul3A_49 = arith.muli %arg1, %mul3A_48 : i32
    %add3A_50 = arith.constant 0 : i32
    %add3A_51 = arith.addi %mul3A_49, %add3A_50 : i32
    "tpu.region"() ({
      %run_scoped3A_88 = tpu.sem_alloc : memref<!tpu.dma_semaphore, #tpu.memory_space<semaphore_mem>>
      %dma_start3A_89 = arith.constant 0 : i32
      %dma_start3A_90 = tpu.memref_slice %arg8[%arg0, %add3A_51, %dma_start3A_89] : memref<2x10240x128xf32, #tpu.memory_space<hbm>> -> memref<1x128x128xf32, #tpu.memory_space<hbm>>
      %dma_start3A_91 = tpu.memref_squeeze %dma_start3A_90 : memref<1x128x128xf32, #tpu.memory_space<hbm>> -> memref<128x128xf32, #tpu.memory_space<hbm>>
      %dma_start3A_92 = arith.constant 0 : i32
      %dma_start3A_93 = tpu.memref_slice %arg8[%arg0, %add3A_51, %dma_start3A_92] : memref<2x10240x128xf32, #tpu.memory_space<hbm>> -> memref<1x128x128xf32, #tpu.memory_space<hbm>>
      %dma_start3A_94 = tpu.memref_squeeze %dma_start3A_93 : memref<1x128x128xf32, #tpu.memory_space<hbm>> -> memref<128x128xf32, #tpu.memory_space<hbm>>
      tpu.enqueue_dma source(%arg13 : memref<128x128xf32, #tpu.memory_space<vmem>>) target(%dma_start3A_94 : memref<128x128xf32, #tpu.memory_space<hbm>>) target_semaphore(%run_scoped3A_88 : memref<!tpu.dma_semaphore, #tpu.memory_space<semaphore_mem>>)
      %dma_wait3A = arith.constant 0 : i32
      %dma_wait3A_95 = tpu.memref_slice %arg8[%arg0, %add3A_51, %dma_wait3A] : memref<2x10240x128xf32, #tpu.memory_space<hbm>> -> memref<1x128x128xf32, #tpu.memory_space<hbm>>
      %dma_wait3A_96 = tpu.memref_squeeze %dma_wait3A_95 : memref<1x128x128xf32, #tpu.memory_space<hbm>> -> memref<128x128xf32, #tpu.memory_space<hbm>>
      %dma_wait3A_97 = arith.constant 0 : i32
      %dma_wait3A_98 = tpu.memref_slice %arg8[%arg0, %add3A_51, %dma_wait3A_97] : memref<2x10240x128xf32, #tpu.memory_space<hbm>> -> memref<1x128x128xf32, #tpu.memory_space<hbm>>
      %dma_wait3A_99 = tpu.memref_squeeze %dma_wait3A_98 : memref<1x128x128xf32, #tpu.memory_space<hbm>> -> memref<128x128xf32, #tpu.memory_space<hbm>>
      tpu.wait_dma2 semaphore(%run_scoped3A_88 : memref<!tpu.dma_semaphore, #tpu.memory_space<semaphore_mem>>) src(%arg13 : memref<128x128xf32, #tpu.memory_space<vmem>>) dst(%dma_wait3A_99 : memref<128x128xf32, #tpu.memory_space<hbm>>)
      tpu.yield
    }) : () -> ()
    %mul3A_52 = arith.constant 640 : i32
    %mul3A_53 = arith.muli %arg1, %mul3A_52 : i32
    %add3A_54 = arith.constant 128 : i32
    %add3A_55 = arith.addi %mul3A_53, %add3A_54 : i32
    "tpu.region"() ({
      %run_scoped3A_88 = tpu.sem_alloc : memref<!tpu.dma_semaphore, #tpu.memory_space<semaphore_mem>>
      %dma_start3A_89 = arith.constant 0 : i32
      %dma_start3A_90 = tpu.memref_slice %arg17[%add3A_55, %dma_start3A_89] : memref<10240x128xf32, #tpu.memory_space<vmem_shared>> -> memref<128x128xf32, #tpu.memory_space<vmem_shared>>
      %dma_start3A_91 = arith.constant 0 : i32
      %dma_start3A_92 = tpu.memref_slice %arg17[%add3A_55, %dma_start3A_91] : memref<10240x128xf32, #tpu.memory_space<vmem_shared>> -> memref<128x128xf32, #tpu.memory_space<vmem_shared>>
      tpu.enqueue_dma source(%dma_start3A_92 : memref<128x128xf32, #tpu.memory_space<vmem_shared>>) target(%arg13 : memref<128x128xf32, #tpu.memory_space<vmem>>) target_semaphore(%run_scoped3A_88 : memref<!tpu.dma_semaphore, #tpu.memory_space<semaphore_mem>>)
      %dma_wait3A = arith.constant 0 : i32
      %dma_wait3A_93 = tpu.memref_slice %arg17[%add3A_55, %dma_wait3A] : memref<10240x128xf32, #tpu.memory_space<vmem_shared>> -> memref<128x128xf32, #tpu.memory_space<vmem_shared>>
      %dma_wait3A_94 = arith.constant 0 : i32
      %dma_wait3A_95 = tpu.memref_slice %arg17[%add3A_55, %dma_wait3A_94] : memref<10240x128xf32, #tpu.memory_space<vmem_shared>> -> memref<128x128xf32, #tpu.memory_space<vmem_shared>>
      tpu.wait_dma2 semaphore(%run_scoped3A_88 : memref<!tpu.dma_semaphore, #tpu.memory_space<semaphore_mem>>) src(%dma_wait3A_95 : memref<128x128xf32, #tpu.memory_space<vmem_shared>>) dst(%arg13 : memref<128x128xf32, #tpu.memory_space<vmem>>)
      tpu.yield
    }) : () -> ()
    %mul3A_56 = arith.constant 640 : i32
    %mul3A_57 = arith.muli %arg1, %mul3A_56 : i32
    %add3A_58 = arith.constant 128 : i32
    %add3A_59 = arith.addi %mul3A_57, %add3A_58 : i32
    "tpu.region"() ({
      %run_scoped3A_88 = tpu.sem_alloc : memref<!tpu.dma_semaphore, #tpu.memory_space<semaphore_mem>>
      %dma_start3A_89 = arith.constant 0 : i32
      %dma_start3A_90 = tpu.memref_slice %arg8[%arg0, %add3A_59, %dma_start3A_89] : memref<2x10240x128xf32, #tpu.memory_space<hbm>> -> memref<1x128x128xf32, #tpu.memory_space<hbm>>
      %dma_start3A_91 = tpu.memref_squeeze %dma_start3A_90 : memref<1x128x128xf32, #tpu.memory_space<hbm>> -> memref<128x128xf32, #tpu.memory_space<hbm>>
      %dma_start3A_92 = arith.constant 0 : i32
      %dma_start3A_93 = tpu.memref_slice %arg8[%arg0, %add3A_59, %dma_start3A_92] : memref<2x10240x128xf32, #tpu.memory_space<hbm>> -> memref<1x128x128xf32, #tpu.memory_space<hbm>>
      %dma_start3A_94 = tpu.memref_squeeze %dma_start3A_93 : memref<1x128x128xf32, #tpu.memory_space<hbm>> -> memref<128x128xf32, #tpu.memory_space<hbm>>
      tpu.enqueue_dma source(%arg13 : memref<128x128xf32, #tpu.memory_space<vmem>>) target(%dma_start3A_94 : memref<128x128xf32, #tpu.memory_space<hbm>>) target_semaphore(%run_scoped3A_88 : memref<!tpu.dma_semaphore, #tpu.memory_space<semaphore_mem>>)
      %dma_wait3A = arith.constant 0 : i32
      %dma_wait3A_95 = tpu.memref_slice %arg8[%arg0, %add3A_59, %dma_wait3A] : memref<2x10240x128xf32, #tpu.memory_space<hbm>> -> memref<1x128x128xf32, #tpu.memory_space<hbm>>
      %dma_wait3A_96 = tpu.memref_squeeze %dma_wait3A_95 : memref<1x128x128xf32, #tpu.memory_space<hbm>> -> memref<128x128xf32, #tpu.memory_space<hbm>>
      %dma_wait3A_97 = arith.constant 0 : i32
      %dma_wait3A_98 = tpu.memref_slice %arg8[%arg0, %add3A_59, %dma_wait3A_97] : memref<2x10240x128xf32, #tpu.memory_space<hbm>> -> memref<1x128x128xf32, #tpu.memory_space<hbm>>
      %dma_wait3A_99 = tpu.memref_squeeze %dma_wait3A_98 : memref<1x128x128xf32, #tpu.memory_space<hbm>> -> memref<128x128xf32, #tpu.memory_space<hbm>>
      tpu.wait_dma2 semaphore(%run_scoped3A_88 : memref<!tpu.dma_semaphore, #tpu.memory_space<semaphore_mem>>) src(%arg13 : memref<128x128xf32, #tpu.memory_space<vmem>>) dst(%dma_wait3A_99 : memref<128x128xf32, #tpu.memory_space<hbm>>)
      tpu.yield
    }) : () -> ()
    %mul3A_60 = arith.constant 640 : i32
    %mul3A_61 = arith.muli %arg1, %mul3A_60 : i32
    %add3A_62 = arith.constant 256 : i32
    %add3A_63 = arith.addi %mul3A_61, %add3A_62 : i32
    "tpu.region"() ({
      %run_scoped3A_88 = tpu.sem_alloc : memref<!tpu.dma_semaphore, #tpu.memory_space<semaphore_mem>>
      %dma_start3A_89 = arith.constant 0 : i32
      %dma_start3A_90 = tpu.memref_slice %arg17[%add3A_63, %dma_start3A_89] : memref<10240x128xf32, #tpu.memory_space<vmem_shared>> -> memref<128x128xf32, #tpu.memory_space<vmem_shared>>
      %dma_start3A_91 = arith.constant 0 : i32
      %dma_start3A_92 = tpu.memref_slice %arg17[%add3A_63, %dma_start3A_91] : memref<10240x128xf32, #tpu.memory_space<vmem_shared>> -> memref<128x128xf32, #tpu.memory_space<vmem_shared>>
      tpu.enqueue_dma source(%dma_start3A_92 : memref<128x128xf32, #tpu.memory_space<vmem_shared>>) target(%arg13 : memref<128x128xf32, #tpu.memory_space<vmem>>) target_semaphore(%run_scoped3A_88 : memref<!tpu.dma_semaphore, #tpu.memory_space<semaphore_mem>>)
      %dma_wait3A = arith.constant 0 : i32
      %dma_wait3A_93 = tpu.memref_slice %arg17[%add3A_63, %dma_wait3A] : memref<10240x128xf32, #tpu.memory_space<vmem_shared>> -> memref<128x128xf32, #tpu.memory_space<vmem_shared>>
      %dma_wait3A_94 = arith.constant 0 : i32
      %dma_wait3A_95 = tpu.memref_slice %arg17[%add3A_63, %dma_wait3A_94] : memref<10240x128xf32, #tpu.memory_space<vmem_shared>> -> memref<128x128xf32, #tpu.memory_space<vmem_shared>>
      tpu.wait_dma2 semaphore(%run_scoped3A_88 : memref<!tpu.dma_semaphore, #tpu.memory_space<semaphore_mem>>) src(%dma_wait3A_95 : memref<128x128xf32, #tpu.memory_space<vmem_shared>>) dst(%arg13 : memref<128x128xf32, #tpu.memory_space<vmem>>)
      tpu.yield
    }) : () -> ()
    %mul3A_64 = arith.constant 640 : i32
    %mul3A_65 = arith.muli %arg1, %mul3A_64 : i32
    %add3A_66 = arith.constant 256 : i32
    %add3A_67 = arith.addi %mul3A_65, %add3A_66 : i32
    "tpu.region"() ({
      %run_scoped3A_88 = tpu.sem_alloc : memref<!tpu.dma_semaphore, #tpu.memory_space<semaphore_mem>>
      %dma_start3A_89 = arith.constant 0 : i32
      %dma_start3A_90 = tpu.memref_slice %arg8[%arg0, %add3A_67, %dma_start3A_89] : memref<2x10240x128xf32, #tpu.memory_space<hbm>> -> memref<1x128x128xf32, #tpu.memory_space<hbm>>
      %dma_start3A_91 = tpu.memref_squeeze %dma_start3A_90 : memref<1x128x128xf32, #tpu.memory_space<hbm>> -> memref<128x128xf32, #tpu.memory_space<hbm>>
      %dma_start3A_92 = arith.constant 0 : i32
      %dma_start3A_93 = tpu.memref_slice %arg8[%arg0, %add3A_67, %dma_start3A_92] : memref<2x10240x128xf32, #tpu.memory_space<hbm>> -> memref<1x128x128xf32, #tpu.memory_space<hbm>>
      %dma_start3A_94 = tpu.memref_squeeze %dma_start3A_93 : memref<1x128x128xf32, #tpu.memory_space<hbm>> -> memref<128x128xf32, #tpu.memory_space<hbm>>
      tpu.enqueue_dma source(%arg13 : memref<128x128xf32, #tpu.memory_space<vmem>>) target(%dma_start3A_94 : memref<128x128xf32, #tpu.memory_space<hbm>>) target_semaphore(%run_scoped3A_88 : memref<!tpu.dma_semaphore, #tpu.memory_space<semaphore_mem>>)
      %dma_wait3A = arith.constant 0 : i32
      %dma_wait3A_95 = tpu.memref_slice %arg8[%arg0, %add3A_67, %dma_wait3A] : memref<2x10240x128xf32, #tpu.memory_space<hbm>> -> memref<1x128x128xf32, #tpu.memory_space<hbm>>
      %dma_wait3A_96 = tpu.memref_squeeze %dma_wait3A_95 : memref<1x128x128xf32, #tpu.memory_space<hbm>> -> memref<128x128xf32, #tpu.memory_space<hbm>>
      %dma_wait3A_97 = arith.constant 0 : i32
      %dma_wait3A_98 = tpu.memref_slice %arg8[%arg0, %add3A_67, %dma_wait3A_97] : memref<2x10240x128xf32, #tpu.memory_space<hbm>> -> memref<1x128x128xf32, #tpu.memory_space<hbm>>
      %dma_wait3A_99 = tpu.memref_squeeze %dma_wait3A_98 : memref<1x128x128xf32, #tpu.memory_space<hbm>> -> memref<128x128xf32, #tpu.memory_space<hbm>>
      tpu.wait_dma2 semaphore(%run_scoped3A_88 : memref<!tpu.dma_semaphore, #tpu.memory_space<semaphore_mem>>) src(%arg13 : memref<128x128xf32, #tpu.memory_space<vmem>>) dst(%dma_wait3A_99 : memref<128x128xf32, #tpu.memory_space<hbm>>)
      tpu.yield
    }) : () -> ()
    %mul3A_68 = arith.constant 640 : i32
    %mul3A_69 = arith.muli %arg1, %mul3A_68 : i32
    %add3A_70 = arith.constant 384 : i32
    %add3A_71 = arith.addi %mul3A_69, %add3A_70 : i32
    "tpu.region"() ({
      %run_scoped3A_88 = tpu.sem_alloc : memref<!tpu.dma_semaphore, #tpu.memory_space<semaphore_mem>>
      %dma_start3A_89 = arith.constant 0 : i32
      %dma_start3A_90 = tpu.memref_slice %arg17[%add3A_71, %dma_start3A_89] : memref<10240x128xf32, #tpu.memory_space<vmem_shared>> -> memref<128x128xf32, #tpu.memory_space<vmem_shared>>
      %dma_start3A_91 = arith.constant 0 : i32
      %dma_start3A_92 = tpu.memref_slice %arg17[%add3A_71, %dma_start3A_91] : memref<10240x128xf32, #tpu.memory_space<vmem_shared>> -> memref<128x128xf32, #tpu.memory_space<vmem_shared>>
      tpu.enqueue_dma source(%dma_start3A_92 : memref<128x128xf32, #tpu.memory_space<vmem_shared>>) target(%arg13 : memref<128x128xf32, #tpu.memory_space<vmem>>) target_semaphore(%run_scoped3A_88 : memref<!tpu.dma_semaphore, #tpu.memory_space<semaphore_mem>>)
      %dma_wait3A = arith.constant 0 : i32
      %dma_wait3A_93 = tpu.memref_slice %arg17[%add3A_71, %dma_wait3A] : memref<10240x128xf32, #tpu.memory_space<vmem_shared>> -> memref<128x128xf32, #tpu.memory_space<vmem_shared>>
      %dma_wait3A_94 = arith.constant 0 : i32
      %dma_wait3A_95 = tpu.memref_slice %arg17[%add3A_71, %dma_wait3A_94] : memref<10240x128xf32, #tpu.memory_space<vmem_shared>> -> memref<128x128xf32, #tpu.memory_space<vmem_shared>>
      tpu.wait_dma2 semaphore(%run_scoped3A_88 : memref<!tpu.dma_semaphore, #tpu.memory_space<semaphore_mem>>) src(%dma_wait3A_95 : memref<128x128xf32, #tpu.memory_space<vmem_shared>>) dst(%arg13 : memref<128x128xf32, #tpu.memory_space<vmem>>)
      tpu.yield
    }) : () -> ()
    %mul3A_72 = arith.constant 640 : i32
    %mul3A_73 = arith.muli %arg1, %mul3A_72 : i32
    %add3A_74 = arith.constant 384 : i32
    %add3A_75 = arith.addi %mul3A_73, %add3A_74 : i32
    "tpu.region"() ({
      %run_scoped3A_88 = tpu.sem_alloc : memref<!tpu.dma_semaphore, #tpu.memory_space<semaphore_mem>>
      %dma_start3A_89 = arith.constant 0 : i32
      %dma_start3A_90 = tpu.memref_slice %arg8[%arg0, %add3A_75, %dma_start3A_89] : memref<2x10240x128xf32, #tpu.memory_space<hbm>> -> memref<1x128x128xf32, #tpu.memory_space<hbm>>
      %dma_start3A_91 = tpu.memref_squeeze %dma_start3A_90 : memref<1x128x128xf32, #tpu.memory_space<hbm>> -> memref<128x128xf32, #tpu.memory_space<hbm>>
      %dma_start3A_92 = arith.constant 0 : i32
      %dma_start3A_93 = tpu.memref_slice %arg8[%arg0, %add3A_75, %dma_start3A_92] : memref<2x10240x128xf32, #tpu.memory_space<hbm>> -> memref<1x128x128xf32, #tpu.memory_space<hbm>>
      %dma_start3A_94 = tpu.memref_squeeze %dma_start3A_93 : memref<1x128x128xf32, #tpu.memory_space<hbm>> -> memref<128x128xf32, #tpu.memory_space<hbm>>
      tpu.enqueue_dma source(%arg13 : memref<128x128xf32, #tpu.memory_space<vmem>>) target(%dma_start3A_94 : memref<128x128xf32, #tpu.memory_space<hbm>>) target_semaphore(%run_scoped3A_88 : memref<!tpu.dma_semaphore, #tpu.memory_space<semaphore_mem>>)
      %dma_wait3A = arith.constant 0 : i32
      %dma_wait3A_95 = tpu.memref_slice %arg8[%arg0, %add3A_75, %dma_wait3A] : memref<2x10240x128xf32, #tpu.memory_space<hbm>> -> memref<1x128x128xf32, #tpu.memory_space<hbm>>
      %dma_wait3A_96 = tpu.memref_squeeze %dma_wait3A_95 : memref<1x128x128xf32, #tpu.memory_space<hbm>> -> memref<128x128xf32, #tpu.memory_space<hbm>>
      %dma_wait3A_97 = arith.constant 0 : i32
      %dma_wait3A_98 = tpu.memref_slice %arg8[%arg0, %add3A_75, %dma_wait3A_97] : memref<2x10240x128xf32, #tpu.memory_space<hbm>> -> memref<1x128x128xf32, #tpu.memory_space<hbm>>
      %dma_wait3A_99 = tpu.memref_squeeze %dma_wait3A_98 : memref<1x128x128xf32, #tpu.memory_space<hbm>> -> memref<128x128xf32, #tpu.memory_space<hbm>>
      tpu.wait_dma2 semaphore(%run_scoped3A_88 : memref<!tpu.dma_semaphore, #tpu.memory_space<semaphore_mem>>) src(%arg13 : memref<128x128xf32, #tpu.memory_space<vmem>>) dst(%dma_wait3A_99 : memref<128x128xf32, #tpu.memory_space<hbm>>)
      tpu.yield
    }) : () -> ()
    %mul3A_76 = arith.constant 640 : i32
    %mul3A_77 = arith.muli %arg1, %mul3A_76 : i32
    %add3A_78 = arith.constant 512 : i32
    %add3A_79 = arith.addi %mul3A_77, %add3A_78 : i32
    "tpu.region"() ({
      %run_scoped3A_88 = tpu.sem_alloc : memref<!tpu.dma_semaphore, #tpu.memory_space<semaphore_mem>>
      %dma_start3A_89 = arith.constant 0 : i32
      %dma_start3A_90 = tpu.memref_slice %arg17[%add3A_79, %dma_start3A_89] : memref<10240x128xf32, #tpu.memory_space<vmem_shared>> -> memref<128x128xf32, #tpu.memory_space<vmem_shared>>
      %dma_start3A_91 = arith.constant 0 : i32
      %dma_start3A_92 = tpu.memref_slice %arg17[%add3A_79, %dma_start3A_91] : memref<10240x128xf32, #tpu.memory_space<vmem_shared>> -> memref<128x128xf32, #tpu.memory_space<vmem_shared>>
      tpu.enqueue_dma source(%dma_start3A_92 : memref<128x128xf32, #tpu.memory_space<vmem_shared>>) target(%arg13 : memref<128x128xf32, #tpu.memory_space<vmem>>) target_semaphore(%run_scoped3A_88 : memref<!tpu.dma_semaphore, #tpu.memory_space<semaphore_mem>>)
      %dma_wait3A = arith.constant 0 : i32
      %dma_wait3A_93 = tpu.memref_slice %arg17[%add3A_79, %dma_wait3A] : memref<10240x128xf32, #tpu.memory_space<vmem_shared>> -> memref<128x128xf32, #tpu.memory_space<vmem_shared>>
      %dma_wait3A_94 = arith.constant 0 : i32
      %dma_wait3A_95 = tpu.memref_slice %arg17[%add3A_79, %dma_wait3A_94] : memref<10240x128xf32, #tpu.memory_space<vmem_shared>> -> memref<128x128xf32, #tpu.memory_space<vmem_shared>>
      tpu.wait_dma2 semaphore(%run_scoped3A_88 : memref<!tpu.dma_semaphore, #tpu.memory_space<semaphore_mem>>) src(%dma_wait3A_95 : memref<128x128xf32, #tpu.memory_space<vmem_shared>>) dst(%arg13 : memref<128x128xf32, #tpu.memory_space<vmem>>)
      tpu.yield
    }) : () -> ()
    %mul3A_80 = arith.constant 640 : i32
    %mul3A_81 = arith.muli %arg1, %mul3A_80 : i32
    %add3A_82 = arith.constant 512 : i32
    %add3A_83 = arith.addi %mul3A_81, %add3A_82 : i32
    "tpu.region"() ({
      %run_scoped3A_88 = tpu.sem_alloc : memref<!tpu.dma_semaphore, #tpu.memory_space<semaphore_mem>>
      %dma_start3A_89 = arith.constant 0 : i32
      %dma_start3A_90 = tpu.memref_slice %arg8[%arg0, %add3A_83, %dma_start3A_89] : memref<2x10240x128xf32, #tpu.memory_space<hbm>> -> memref<1x128x128xf32, #tpu.memory_space<hbm>>
      %dma_start3A_91 = tpu.memref_squeeze %dma_start3A_90 : memref<1x128x128xf32, #tpu.memory_space<hbm>> -> memref<128x128xf32, #tpu.memory_space<hbm>>
      %dma_start3A_92 = arith.constant 0 : i32
      %dma_start3A_93 = tpu.memref_slice %arg8[%arg0, %add3A_83, %dma_start3A_92] : memref<2x10240x128xf32, #tpu.memory_space<hbm>> -> memref<1x128x128xf32, #tpu.memory_space<hbm>>
      %dma_start3A_94 = tpu.memref_squeeze %dma_start3A_93 : memref<1x128x128xf32, #tpu.memory_space<hbm>> -> memref<128x128xf32, #tpu.memory_space<hbm>>
      tpu.enqueue_dma source(%arg13 : memref<128x128xf32, #tpu.memory_space<vmem>>) target(%dma_start3A_94 : memref<128x128xf32, #tpu.memory_space<hbm>>) target_semaphore(%run_scoped3A_88 : memref<!tpu.dma_semaphore, #tpu.memory_space<semaphore_mem>>)
      %dma_wait3A = arith.constant 0 : i32
      %dma_wait3A_95 = tpu.memref_slice %arg8[%arg0, %add3A_83, %dma_wait3A] : memref<2x10240x128xf32, #tpu.memory_space<hbm>> -> memref<1x128x128xf32, #tpu.memory_space<hbm>>
      %dma_wait3A_96 = tpu.memref_squeeze %dma_wait3A_95 : memref<1x128x128xf32, #tpu.memory_space<hbm>> -> memref<128x128xf32, #tpu.memory_space<hbm>>
      %dma_wait3A_97 = arith.constant 0 : i32
      %dma_wait3A_98 = tpu.memref_slice %arg8[%arg0, %add3A_83, %dma_wait3A_97] : memref<2x10240x128xf32, #tpu.memory_space<hbm>> -> memref<1x128x128xf32, #tpu.memory_space<hbm>>
      %dma_wait3A_99 = tpu.memref_squeeze %dma_wait3A_98 : memref<1x128x128xf32, #tpu.memory_space<hbm>> -> memref<128x128xf32, #tpu.memory_space<hbm>>
      tpu.wait_dma2 semaphore(%run_scoped3A_88 : memref<!tpu.dma_semaphore, #tpu.memory_space<semaphore_mem>>) src(%arg13 : memref<128x128xf32, #tpu.memory_space<vmem>>) dst(%dma_wait3A_99 : memref<128x128xf32, #tpu.memory_space<hbm>>)
      tpu.yield
    }) : () -> ()
    %mul3A_84 = arith.constant 640 : i32
    %mul3A_85 = arith.muli %arg1, %mul3A_84 : i32
    "tpu.region"() ({
      %run_scoped3A_88 = tpu.sem_alloc : memref<!tpu.dma_semaphore, #tpu.memory_space<semaphore_mem>>
      %dma_start3A_89 = tpu.memref_slice %arg18[%mul3A_85] : memref<10240xf32, #tpu.memory_space<vmem_shared>> -> memref<640xf32, #tpu.memory_space<vmem_shared>>
      %dma_start3A_90 = tpu.memref_slice %arg18[%mul3A_85] : memref<10240xf32, #tpu.memory_space<vmem_shared>> -> memref<640xf32, #tpu.memory_space<vmem_shared>>
      tpu.enqueue_dma source(%dma_start3A_90 : memref<640xf32, #tpu.memory_space<vmem_shared>>) target(%arg16 : memref<640xf32, #tpu.memory_space<vmem>>) target_semaphore(%run_scoped3A_88 : memref<!tpu.dma_semaphore, #tpu.memory_space<semaphore_mem>>)
      %dma_wait3A = tpu.memref_slice %arg18[%mul3A_85] : memref<10240xf32, #tpu.memory_space<vmem_shared>> -> memref<640xf32, #tpu.memory_space<vmem_shared>>
      %dma_wait3A_91 = tpu.memref_slice %arg18[%mul3A_85] : memref<10240xf32, #tpu.memory_space<vmem_shared>> -> memref<640xf32, #tpu.memory_space<vmem_shared>>
      tpu.wait_dma2 semaphore(%run_scoped3A_88 : memref<!tpu.dma_semaphore, #tpu.memory_space<semaphore_mem>>) src(%dma_wait3A_91 : memref<640xf32, #tpu.memory_space<vmem_shared>>) dst(%arg16 : memref<640xf32, #tpu.memory_space<vmem>>)
      tpu.yield
    }) : () -> ()
    %mul3A_86 = arith.constant 640 : i32
    %mul3A_87 = arith.muli %arg1, %mul3A_86 : i32
    "tpu.region"() ({
      %run_scoped3A_88 = tpu.sem_alloc : memref<!tpu.dma_semaphore, #tpu.memory_space<semaphore_mem>>
      %dma_start3A_89 = tpu.memref_slice %arg9[%arg0, %mul3A_87] : memref<2x10240xf32, #tpu.memory_space<hbm>> -> memref<1x640xf32, #tpu.memory_space<hbm>>
      %dma_start3A_90 = tpu.memref_squeeze %dma_start3A_89 : memref<1x640xf32, #tpu.memory_space<hbm>> -> memref<640xf32, #tpu.memory_space<hbm>>
      %dma_start3A_91 = tpu.memref_slice %arg9[%arg0, %mul3A_87] : memref<2x10240xf32, #tpu.memory_space<hbm>> -> memref<1x640xf32, #tpu.memory_space<hbm>>
      %dma_start3A_92 = tpu.memref_squeeze %dma_start3A_91 : memref<1x640xf32, #tpu.memory_space<hbm>> -> memref<640xf32, #tpu.memory_space<hbm>>
      tpu.enqueue_dma source(%arg16 : memref<640xf32, #tpu.memory_space<vmem>>) target(%dma_start3A_92 : memref<640xf32, #tpu.memory_space<hbm>>) target_semaphore(%run_scoped3A_88 : memref<!tpu.dma_semaphore, #tpu.memory_space<semaphore_mem>>)
      %dma_wait3A = tpu.memref_slice %arg9[%arg0, %mul3A_87] : memref<2x10240xf32, #tpu.memory_space<hbm>> -> memref<1x640xf32, #tpu.memory_space<hbm>>
      %dma_wait3A_93 = tpu.memref_squeeze %dma_wait3A : memref<1x640xf32, #tpu.memory_space<hbm>> -> memref<640xf32, #tpu.memory_space<hbm>>
      %dma_wait3A_94 = tpu.memref_slice %arg9[%arg0, %mul3A_87] : memref<2x10240xf32, #tpu.memory_space<hbm>> -> memref<1x640xf32, #tpu.memory_space<hbm>>
      %dma_wait3A_95 = tpu.memref_squeeze %dma_wait3A_94 : memref<1x640xf32, #tpu.memory_space<hbm>> -> memref<640xf32, #tpu.memory_space<hbm>>
      tpu.wait_dma2 semaphore(%run_scoped3A_88 : memref<!tpu.dma_semaphore, #tpu.memory_space<semaphore_mem>>) src(%arg16 : memref<640xf32, #tpu.memory_space<vmem>>) dst(%dma_wait3A_95 : memref<640xf32, #tpu.memory_space<hbm>>)
      tpu.yield
    }) : () -> ()
    return
  }
}

#map = affine_map<(d0, d1) -> (0, 0)>
#map1 = affine_map<(d0, d1) -> (0, 0, 0)>
#map2 = affine_map<(d0, d1) -> (0)>
module attributes {stable_mosaic.version = 14 : i64} {
  func.func @_sc_pass1(%arg0: i32, %arg1: i32, %arg2: memref<10000x128xf32, #tpu.memory_space<hbm>>, %arg3: memref<32x79x128xi32, #tpu.memory_space<hbm>>, %arg4: memref<32x79x128xi32, #tpu.memory_space<hbm>>, %arg5: memref<128x128xf32, #tpu.memory_space<hbm>>, %arg6: memref<640xf32, #tpu.memory_space<hbm>>, %arg7: memref<128xf32, #tpu.memory_space<hbm>>, %arg8: memref<2x10240x128xf32, #tpu.memory_space<hbm>>, %arg9: memref<2x10240xf32, #tpu.memory_space<hbm>>, %arg10: memref<128xi32, #tpu.memory_space<vmem>>, %arg11: memref<128xi32, #tpu.memory_space<vmem>>, %arg12: memref<79x128xi32, #tpu.memory_space<vmem>>, %arg13: memref<128x128xf32, #tpu.memory_space<vmem>>, %arg14: memref<128x128xf32, #tpu.memory_space<vmem>>, %arg15: memref<128xf32, #tpu.memory_space<vmem>>, %arg16: memref<640xf32, #tpu.memory_space<vmem>>, %arg17: memref<10240x128xf32, #tpu.memory_space<vmem_shared>>, %arg18: memref<10240xf32, #tpu.memory_space<vmem_shared>>, %arg19: memref<!tpu.dma_semaphore, #tpu.memory_space<semaphore_mem>>, %arg20: memref<!tpu.dma_semaphore, #tpu.memory_space<semaphore_mem>>, %arg21: memref<!tpu.dma_semaphore, #tpu.memory_space<semaphore_mem>>, %arg22: memref<!tpu.dma_semaphore, #tpu.memory_space<semaphore_mem>>, %arg23: memref<!tpu.dma_semaphore, #tpu.memory_space<semaphore_mem>>) attributes {dimension_semantics = [#tpu.dimension_semantics<core_parallel>, #tpu.dimension_semantics<subcore_parallel>], iteration_bounds = array<i64: 2, 16>, scalar_prefetch = 0 : i64, scratch_operands = 14 : i64, tpu.core_type = #tpu.core_type<sc_vector_subcore>, window_params = [{transform_indices = #map}, {transform_indices = #map1}, {transform_indices = #map1}, {transform_indices = #map}, {transform_indices = #map2}, {transform_indices = #map2}, {transform_indices = #map1}, {transform_indices = #map}]} {
    %mul3A = arith.constant 16 : i32
    %mul3A_0 = arith.muli %arg0, %mul3A : i32
    %add3A = arith.addi %mul3A_0, %arg1 : i32
    "tpu.region"() ({
      %run_scoped3A_88 = tpu.sem_alloc : memref<!tpu.dma_semaphore, #tpu.memory_space<semaphore_mem>>
      tpu.enqueue_dma source(%arg5 : memref<128x128xf32, #tpu.memory_space<hbm>>) target(%arg13 : memref<128x128xf32, #tpu.memory_space<vmem>>) target_semaphore(%run_scoped3A_88 : memref<!tpu.dma_semaphore, #tpu.memory_space<semaphore_mem>>)
      tpu.wait_dma2 semaphore(%run_scoped3A_88 : memref<!tpu.dma_semaphore, #tpu.memory_space<semaphore_mem>>) src(%arg5 : memref<128x128xf32, #tpu.memory_space<hbm>>) dst(%arg13 : memref<128x128xf32, #tpu.memory_space<vmem>>)
      tpu.yield
    }) : () -> ()
    "tpu.region"() ({
      %run_scoped3A_88 = tpu.sem_alloc : memref<!tpu.dma_semaphore, #tpu.memory_space<semaphore_mem>>
      tpu.enqueue_dma source(%arg6 : memref<640xf32, #tpu.memory_space<hbm>>) target(%arg16 : memref<640xf32, #tpu.memory_space<vmem>>) target_semaphore(%run_scoped3A_88 : memref<!tpu.dma_semaphore, #tpu.memory_space<semaphore_mem>>)
      tpu.wait_dma2 semaphore(%run_scoped3A_88 : memref<!tpu.dma_semaphore, #tpu.memory_space<semaphore_mem>>) src(%arg6 : memref<640xf32, #tpu.memory_space<hbm>>) dst(%arg16 : memref<640xf32, #tpu.memory_space<vmem>>)
      tpu.yield
    }) : () -> ()
    "tpu.region"() ({
      %run_scoped3A_88 = tpu.sem_alloc : memref<!tpu.dma_semaphore, #tpu.memory_space<semaphore_mem>>
      tpu.enqueue_dma source(%arg7 : memref<128xf32, #tpu.memory_space<hbm>>) target(%arg15 : memref<128xf32, #tpu.memory_space<vmem>>) target_semaphore(%run_scoped3A_88 : memref<!tpu.dma_semaphore, #tpu.memory_space<semaphore_mem>>)
      tpu.wait_dma2 semaphore(%run_scoped3A_88 : memref<!tpu.dma_semaphore, #tpu.memory_space<semaphore_mem>>) src(%arg7 : memref<128xf32, #tpu.memory_space<hbm>>) dst(%arg15 : memref<128xf32, #tpu.memory_space<vmem>>)
      tpu.yield
    }) : () -> ()
    "tpu.region"() ({
      %run_scoped3A_88 = tpu.sem_alloc : memref<!tpu.dma_semaphore, #tpu.memory_space<semaphore_mem>>
      %dma_start3A_89 = arith.constant 0 : i32
      %dma_start3A_90 = arith.constant 0 : i32
      %dma_start3A_91 = tpu.memref_slice %arg4[%add3A, %dma_start3A_89, %dma_start3A_90] : memref<32x79x128xi32, #tpu.memory_space<hbm>> -> memref<1x79x128xi32, #tpu.memory_space<hbm>>
      %dma_start3A_92 = tpu.memref_squeeze %dma_start3A_91 : memref<1x79x128xi32, #tpu.memory_space<hbm>> -> memref<79x128xi32, #tpu.memory_space<hbm>>
      %dma_start3A_93 = arith.constant 0 : i32
      %dma_start3A_94 = arith.constant 0 : i32
      %dma_start3A_95 = tpu.memref_slice %arg4[%add3A, %dma_start3A_93, %dma_start3A_94] : memref<32x79x128xi32, #tpu.memory_space<hbm>> -> memref<1x79x128xi32, #tpu.memory_space<hbm>>
      %dma_start3A_96 = tpu.memref_squeeze %dma_start3A_95 : memref<1x79x128xi32, #tpu.memory_space<hbm>> -> memref<79x128xi32, #tpu.memory_space<hbm>>
      tpu.enqueue_dma source(%dma_start3A_96 : memref<79x128xi32, #tpu.memory_space<hbm>>) target(%arg12 : memref<79x128xi32, #tpu.memory_space<vmem>>) target_semaphore(%run_scoped3A_88 : memref<!tpu.dma_semaphore, #tpu.memory_space<semaphore_mem>>)
      %dma_wait3A = arith.constant 0 : i32
      %dma_wait3A_97 = arith.constant 0 : i32
      %dma_wait3A_98 = tpu.memref_slice %arg4[%add3A, %dma_wait3A, %dma_wait3A_97] : memref<32x79x128xi32, #tpu.memory_space<hbm>> -> memref<1x79x128xi32, #tpu.memory_space<hbm>>
      %dma_wait3A_99 = tpu.memref_squeeze %dma_wait3A_98 : memref<1x79x128xi32, #tpu.memory_space<hbm>> -> memref<79x128xi32, #tpu.memory_space<hbm>>
      %dma_wait3A_100 = arith.constant 0 : i32
      %dma_wait3A_101 = arith.constant 0 : i32
      %dma_wait3A_102 = tpu.memref_slice %arg4[%add3A, %dma_wait3A_100, %dma_wait3A_101] : memref<32x79x128xi32, #tpu.memory_space<hbm>> -> memref<1x79x128xi32, #tpu.memory_space<hbm>>
      %dma_wait3A_103 = tpu.memref_squeeze %dma_wait3A_102 : memref<1x79x128xi32, #tpu.memory_space<hbm>> -> memref<79x128xi32, #tpu.memory_space<hbm>>
      tpu.wait_dma2 semaphore(%run_scoped3A_88 : memref<!tpu.dma_semaphore, #tpu.memory_space<semaphore_mem>>) src(%dma_wait3A_103 : memref<79x128xi32, #tpu.memory_space<hbm>>) dst(%arg12 : memref<79x128xi32, #tpu.memory_space<vmem>>)
      tpu.yield
    }) : () -> ()
    %mul3A_1 = arith.constant 640 : i32
    %mul3A_2 = arith.muli %arg1, %mul3A_1 : i32
    %add3A_3 = arith.constant 0 : i32
    %add3A_4 = arith.addi %mul3A_2, %add3A_3 : i32
    "tpu.region"() ({
      %run_scoped3A_88 = tpu.sem_alloc : memref<!tpu.dma_semaphore, #tpu.memory_space<semaphore_mem>>
      %dma_start3A_89 = arith.constant 0 : i32
      %dma_start3A_90 = tpu.memref_slice %arg17[%add3A_4, %dma_start3A_89] : memref<10240x128xf32, #tpu.memory_space<vmem_shared>> -> memref<128x128xf32, #tpu.memory_space<vmem_shared>>
      %dma_start3A_91 = arith.constant 0 : i32
      %dma_start3A_92 = tpu.memref_slice %arg17[%add3A_4, %dma_start3A_91] : memref<10240x128xf32, #tpu.memory_space<vmem_shared>> -> memref<128x128xf32, #tpu.memory_space<vmem_shared>>
      tpu.enqueue_dma source(%arg13 : memref<128x128xf32, #tpu.memory_space<vmem>>) target(%dma_start3A_92 : memref<128x128xf32, #tpu.memory_space<vmem_shared>>) target_semaphore(%run_scoped3A_88 : memref<!tpu.dma_semaphore, #tpu.memory_space<semaphore_mem>>)
      %dma_wait3A = arith.constant 0 : i32
      %dma_wait3A_93 = tpu.memref_slice %arg17[%add3A_4, %dma_wait3A] : memref<10240x128xf32, #tpu.memory_space<vmem_shared>> -> memref<128x128xf32, #tpu.memory_space<vmem_shared>>
      %dma_wait3A_94 = arith.constant 0 : i32
      %dma_wait3A_95 = tpu.memref_slice %arg17[%add3A_4, %dma_wait3A_94] : memref<10240x128xf32, #tpu.memory_space<vmem_shared>> -> memref<128x128xf32, #tpu.memory_space<vmem_shared>>
      tpu.wait_dma2 semaphore(%run_scoped3A_88 : memref<!tpu.dma_semaphore, #tpu.memory_space<semaphore_mem>>) src(%arg13 : memref<128x128xf32, #tpu.memory_space<vmem>>) dst(%dma_wait3A_95 : memref<128x128xf32, #tpu.memory_space<vmem_shared>>)
      tpu.yield
    }) : () -> ()
    %mul3A_5 = arith.constant 640 : i32
    %mul3A_6 = arith.muli %arg1, %mul3A_5 : i32
    %add3A_7 = arith.constant 128 : i32
    %add3A_8 = arith.addi %mul3A_6, %add3A_7 : i32
    "tpu.region"() ({
      %run_scoped3A_88 = tpu.sem_alloc : memref<!tpu.dma_semaphore, #tpu.memory_space<semaphore_mem>>
      %dma_start3A_89 = arith.constant 0 : i32
      %dma_start3A_90 = tpu.memref_slice %arg17[%add3A_8, %dma_start3A_89] : memref<10240x128xf32, #tpu.memory_space<vmem_shared>> -> memref<128x128xf32, #tpu.memory_space<vmem_shared>>
      %dma_start3A_91 = arith.constant 0 : i32
      %dma_start3A_92 = tpu.memref_slice %arg17[%add3A_8, %dma_start3A_91] : memref<10240x128xf32, #tpu.memory_space<vmem_shared>> -> memref<128x128xf32, #tpu.memory_space<vmem_shared>>
      tpu.enqueue_dma source(%arg13 : memref<128x128xf32, #tpu.memory_space<vmem>>) target(%dma_start3A_92 : memref<128x128xf32, #tpu.memory_space<vmem_shared>>) target_semaphore(%run_scoped3A_88 : memref<!tpu.dma_semaphore, #tpu.memory_space<semaphore_mem>>)
      %dma_wait3A = arith.constant 0 : i32
      %dma_wait3A_93 = tpu.memref_slice %arg17[%add3A_8, %dma_wait3A] : memref<10240x128xf32, #tpu.memory_space<vmem_shared>> -> memref<128x128xf32, #tpu.memory_space<vmem_shared>>
      %dma_wait3A_94 = arith.constant 0 : i32
      %dma_wait3A_95 = tpu.memref_slice %arg17[%add3A_8, %dma_wait3A_94] : memref<10240x128xf32, #tpu.memory_space<vmem_shared>> -> memref<128x128xf32, #tpu.memory_space<vmem_shared>>
      tpu.wait_dma2 semaphore(%run_scoped3A_88 : memref<!tpu.dma_semaphore, #tpu.memory_space<semaphore_mem>>) src(%arg13 : memref<128x128xf32, #tpu.memory_space<vmem>>) dst(%dma_wait3A_95 : memref<128x128xf32, #tpu.memory_space<vmem_shared>>)
      tpu.yield
    }) : () -> ()
    %mul3A_9 = arith.constant 640 : i32
    %mul3A_10 = arith.muli %arg1, %mul3A_9 : i32
    %add3A_11 = arith.constant 256 : i32
    %add3A_12 = arith.addi %mul3A_10, %add3A_11 : i32
    "tpu.region"() ({
      %run_scoped3A_88 = tpu.sem_alloc : memref<!tpu.dma_semaphore, #tpu.memory_space<semaphore_mem>>
      %dma_start3A_89 = arith.constant 0 : i32
      %dma_start3A_90 = tpu.memref_slice %arg17[%add3A_12, %dma_start3A_89] : memref<10240x128xf32, #tpu.memory_space<vmem_shared>> -> memref<128x128xf32, #tpu.memory_space<vmem_shared>>
      %dma_start3A_91 = arith.constant 0 : i32
      %dma_start3A_92 = tpu.memref_slice %arg17[%add3A_12, %dma_start3A_91] : memref<10240x128xf32, #tpu.memory_space<vmem_shared>> -> memref<128x128xf32, #tpu.memory_space<vmem_shared>>
      tpu.enqueue_dma source(%arg13 : memref<128x128xf32, #tpu.memory_space<vmem>>) target(%dma_start3A_92 : memref<128x128xf32, #tpu.memory_space<vmem_shared>>) target_semaphore(%run_scoped3A_88 : memref<!tpu.dma_semaphore, #tpu.memory_space<semaphore_mem>>)
      %dma_wait3A = arith.constant 0 : i32
      %dma_wait3A_93 = tpu.memref_slice %arg17[%add3A_12, %dma_wait3A] : memref<10240x128xf32, #tpu.memory_space<vmem_shared>> -> memref<128x128xf32, #tpu.memory_space<vmem_shared>>
      %dma_wait3A_94 = arith.constant 0 : i32
      %dma_wait3A_95 = tpu.memref_slice %arg17[%add3A_12, %dma_wait3A_94] : memref<10240x128xf32, #tpu.memory_space<vmem_shared>> -> memref<128x128xf32, #tpu.memory_space<vmem_shared>>
      tpu.wait_dma2 semaphore(%run_scoped3A_88 : memref<!tpu.dma_semaphore, #tpu.memory_space<semaphore_mem>>) src(%arg13 : memref<128x128xf32, #tpu.memory_space<vmem>>) dst(%dma_wait3A_95 : memref<128x128xf32, #tpu.memory_space<vmem_shared>>)
      tpu.yield
    }) : () -> ()
    %mul3A_13 = arith.constant 640 : i32
    %mul3A_14 = arith.muli %arg1, %mul3A_13 : i32
    %add3A_15 = arith.constant 384 : i32
    %add3A_16 = arith.addi %mul3A_14, %add3A_15 : i32
    "tpu.region"() ({
      %run_scoped3A_88 = tpu.sem_alloc : memref<!tpu.dma_semaphore, #tpu.memory_space<semaphore_mem>>
      %dma_start3A_89 = arith.constant 0 : i32
      %dma_start3A_90 = tpu.memref_slice %arg17[%add3A_16, %dma_start3A_89] : memref<10240x128xf32, #tpu.memory_space<vmem_shared>> -> memref<128x128xf32, #tpu.memory_space<vmem_shared>>
      %dma_start3A_91 = arith.constant 0 : i32
      %dma_start3A_92 = tpu.memref_slice %arg17[%add3A_16, %dma_start3A_91] : memref<10240x128xf32, #tpu.memory_space<vmem_shared>> -> memref<128x128xf32, #tpu.memory_space<vmem_shared>>
      tpu.enqueue_dma source(%arg13 : memref<128x128xf32, #tpu.memory_space<vmem>>) target(%dma_start3A_92 : memref<128x128xf32, #tpu.memory_space<vmem_shared>>) target_semaphore(%run_scoped3A_88 : memref<!tpu.dma_semaphore, #tpu.memory_space<semaphore_mem>>)
      %dma_wait3A = arith.constant 0 : i32
      %dma_wait3A_93 = tpu.memref_slice %arg17[%add3A_16, %dma_wait3A] : memref<10240x128xf32, #tpu.memory_space<vmem_shared>> -> memref<128x128xf32, #tpu.memory_space<vmem_shared>>
      %dma_wait3A_94 = arith.constant 0 : i32
      %dma_wait3A_95 = tpu.memref_slice %arg17[%add3A_16, %dma_wait3A_94] : memref<10240x128xf32, #tpu.memory_space<vmem_shared>> -> memref<128x128xf32, #tpu.memory_space<vmem_shared>>
      tpu.wait_dma2 semaphore(%run_scoped3A_88 : memref<!tpu.dma_semaphore, #tpu.memory_space<semaphore_mem>>) src(%arg13 : memref<128x128xf32, #tpu.memory_space<vmem>>) dst(%dma_wait3A_95 : memref<128x128xf32, #tpu.memory_space<vmem_shared>>)
      tpu.yield
    }) : () -> ()
    %mul3A_17 = arith.constant 640 : i32
    %mul3A_18 = arith.muli %arg1, %mul3A_17 : i32
    %add3A_19 = arith.constant 512 : i32
    %add3A_20 = arith.addi %mul3A_18, %add3A_19 : i32
    "tpu.region"() ({
      %run_scoped3A_88 = tpu.sem_alloc : memref<!tpu.dma_semaphore, #tpu.memory_space<semaphore_mem>>
      %dma_start3A_89 = arith.constant 0 : i32
      %dma_start3A_90 = tpu.memref_slice %arg17[%add3A_20, %dma_start3A_89] : memref<10240x128xf32, #tpu.memory_space<vmem_shared>> -> memref<128x128xf32, #tpu.memory_space<vmem_shared>>
      %dma_start3A_91 = arith.constant 0 : i32
      %dma_start3A_92 = tpu.memref_slice %arg17[%add3A_20, %dma_start3A_91] : memref<10240x128xf32, #tpu.memory_space<vmem_shared>> -> memref<128x128xf32, #tpu.memory_space<vmem_shared>>
      tpu.enqueue_dma source(%arg13 : memref<128x128xf32, #tpu.memory_space<vmem>>) target(%dma_start3A_92 : memref<128x128xf32, #tpu.memory_space<vmem_shared>>) target_semaphore(%run_scoped3A_88 : memref<!tpu.dma_semaphore, #tpu.memory_space<semaphore_mem>>)
      %dma_wait3A = arith.constant 0 : i32
      %dma_wait3A_93 = tpu.memref_slice %arg17[%add3A_20, %dma_wait3A] : memref<10240x128xf32, #tpu.memory_space<vmem_shared>> -> memref<128x128xf32, #tpu.memory_space<vmem_shared>>
      %dma_wait3A_94 = arith.constant 0 : i32
      %dma_wait3A_95 = tpu.memref_slice %arg17[%add3A_20, %dma_wait3A_94] : memref<10240x128xf32, #tpu.memory_space<vmem_shared>> -> memref<128x128xf32, #tpu.memory_space<vmem_shared>>
      tpu.wait_dma2 semaphore(%run_scoped3A_88 : memref<!tpu.dma_semaphore, #tpu.memory_space<semaphore_mem>>) src(%arg13 : memref<128x128xf32, #tpu.memory_space<vmem>>) dst(%dma_wait3A_95 : memref<128x128xf32, #tpu.memory_space<vmem_shared>>)
      tpu.yield
    }) : () -> ()
    %mul3A_21 = arith.constant 640 : i32
    %mul3A_22 = arith.muli %arg1, %mul3A_21 : i32
    "tpu.region"() ({
      %run_scoped3A_88 = tpu.sem_alloc : memref<!tpu.dma_semaphore, #tpu.memory_space<semaphore_mem>>
      %dma_start3A_89 = tpu.memref_slice %arg18[%mul3A_22] : memref<10240xf32, #tpu.memory_space<vmem_shared>> -> memref<640xf32, #tpu.memory_space<vmem_shared>>
      %dma_start3A_90 = tpu.memref_slice %arg18[%mul3A_22] : memref<10240xf32, #tpu.memory_space<vmem_shared>> -> memref<640xf32, #tpu.memory_space<vmem_shared>>
      tpu.enqueue_dma source(%arg16 : memref<640xf32, #tpu.memory_space<vmem>>) target(%dma_start3A_90 : memref<640xf32, #tpu.memory_space<vmem_shared>>) target_semaphore(%run_scoped3A_88 : memref<!tpu.dma_semaphore, #tpu.memory_space<semaphore_mem>>)
      %dma_wait3A = tpu.memref_slice %arg18[%mul3A_22] : memref<10240xf32, #tpu.memory_space<vmem_shared>> -> memref<640xf32, #tpu.memory_space<vmem_shared>>
      %dma_wait3A_91 = tpu.memref_slice %arg18[%mul3A_22] : memref<10240xf32, #tpu.memory_space<vmem_shared>> -> memref<640xf32, #tpu.memory_space<vmem_shared>>
      tpu.wait_dma2 semaphore(%run_scoped3A_88 : memref<!tpu.dma_semaphore, #tpu.memory_space<semaphore_mem>>) src(%arg16 : memref<640xf32, #tpu.memory_space<vmem>>) dst(%dma_wait3A_91 : memref<640xf32, #tpu.memory_space<vmem_shared>>)
      tpu.yield
    }) : () -> ()
    %run_scoped3A = arith.constant 0 : i32
    "tpu.region"() ({
      %run_scoped3A_88 = tpu.sem_alloc : memref<!tpu.dma_semaphore, #tpu.memory_space<semaphore_mem>>
      %dma_start3A_89 = arith.constant 0 : i32
      %dma_start3A_90 = tpu.memref_slice %arg3[%add3A, %run_scoped3A, %dma_start3A_89] : memref<32x79x128xi32, #tpu.memory_space<hbm>> -> memref<1x1x128xi32, #tpu.memory_space<hbm>>
      %dma_start3A_91 = tpu.memref_squeeze %dma_start3A_90 : memref<1x1x128xi32, #tpu.memory_space<hbm>> -> memref<128xi32, #tpu.memory_space<hbm>>
      %dma_start3A_92 = arith.constant 0 : i32
      %dma_start3A_93 = tpu.memref_slice %arg3[%add3A, %run_scoped3A, %dma_start3A_92] : memref<32x79x128xi32, #tpu.memory_space<hbm>> -> memref<1x1x128xi32, #tpu.memory_space<hbm>>
      %dma_start3A_94 = tpu.memref_squeeze %dma_start3A_93 : memref<1x1x128xi32, #tpu.memory_space<hbm>> -> memref<128xi32, #tpu.memory_space<hbm>>
      tpu.enqueue_dma source(%dma_start3A_94 : memref<128xi32, #tpu.memory_space<hbm>>) target(%arg10 : memref<128xi32, #tpu.memory_space<vmem>>) target_semaphore(%run_scoped3A_88 : memref<!tpu.dma_semaphore, #tpu.memory_space<semaphore_mem>>)
      %dma_wait3A = arith.constant 0 : i32
      %dma_wait3A_95 = tpu.memref_slice %arg3[%add3A, %run_scoped3A, %dma_wait3A] : memref<32x79x128xi32, #tpu.memory_space<hbm>> -> memref<1x1x128xi32, #tpu.memory_space<hbm>>
      %dma_wait3A_96 = tpu.memref_squeeze %dma_wait3A_95 : memref<1x1x128xi32, #tpu.memory_space<hbm>> -> memref<128xi32, #tpu.memory_space<hbm>>
      %dma_wait3A_97 = arith.constant 0 : i32
      %dma_wait3A_98 = tpu.memref_slice %arg3[%add3A, %run_scoped3A, %dma_wait3A_97] : memref<32x79x128xi32, #tpu.memory_space<hbm>> -> memref<1x1x128xi32, #tpu.memory_space<hbm>>
      %dma_wait3A_99 = tpu.memref_squeeze %dma_wait3A_98 : memref<1x1x128xi32, #tpu.memory_space<hbm>> -> memref<128xi32, #tpu.memory_space<hbm>>
      tpu.wait_dma2 semaphore(%run_scoped3A_88 : memref<!tpu.dma_semaphore, #tpu.memory_space<semaphore_mem>>) src(%dma_wait3A_99 : memref<128xi32, #tpu.memory_space<hbm>>) dst(%arg10 : memref<128xi32, #tpu.memory_space<vmem>>)
      tpu.yield
    }) : () -> ()
    %dma_start3A = arith.constant 0 : i32
    %dma_start3A_23 = arith.constant 0 : i32
    %dma_start3A_24 = tpu.memref_slice %arg2[%dma_start3A, %dma_start3A_23] : memref<10000x128xf32, #tpu.memory_space<hbm>> -> memref<10000x128xf32, #tpu.memory_space<hbm>>
    tpu.enqueue_indirect_dma source(%dma_start3A_24 : memref<10000x128xf32, #tpu.memory_space<hbm>>) target(%arg13 : memref<128x128xf32, #tpu.memory_space<vmem>>) offsets(%arg10 : memref<128xi32, #tpu.memory_space<vmem>>) semaphore(%arg19 : memref<!tpu.dma_semaphore, #tpu.memory_space<semaphore_mem>>)
    %dma_start3A_25 = arith.constant 1 : i32
    %dma_start3A_26 = arith.constant 0 : i32
    %dma_start3A_27 = tpu.memref_slice %arg3[%add3A, %dma_start3A_25, %dma_start3A_26] : memref<32x79x128xi32, #tpu.memory_space<hbm>> -> memref<1x1x128xi32, #tpu.memory_space<hbm>>
    %dma_start3A_28 = tpu.memref_squeeze %dma_start3A_27 : memref<1x1x128xi32, #tpu.memory_space<hbm>> -> memref<128xi32, #tpu.memory_space<hbm>>
    %dma_start3A_29 = arith.constant 0 : i32
    %dma_start3A_30 = tpu.memref_slice %arg3[%add3A, %dma_start3A_25, %dma_start3A_29] : memref<32x79x128xi32, #tpu.memory_space<hbm>> -> memref<1x1x128xi32, #tpu.memory_space<hbm>>
    %dma_start3A_31 = tpu.memref_squeeze %dma_start3A_30 : memref<1x1x128xi32, #tpu.memory_space<hbm>> -> memref<128xi32, #tpu.memory_space<hbm>>
    tpu.enqueue_dma source(%dma_start3A_31 : memref<128xi32, #tpu.memory_space<hbm>>) target(%arg11 : memref<128xi32, #tpu.memory_space<vmem>>) target_semaphore(%arg22 : memref<!tpu.dma_semaphore, #tpu.memory_space<semaphore_mem>>)
    %barrier3A = arith.constant 0 : index
    tpu.barrier barrier_id(%barrier3A)
    %scan3A = arith.constant 0 : i32
    %scan3A_32 = arith.constant 0 : i32
    %scan3A_33 = arith.constant 40 : i32
    %scan3A_34 = arith.addi %scan3A_32, %scan3A_33 : i32
    %scan3A_35 = arith.constant 1 : i32
    scf.for %scan3A_88 = %scan3A_32 to %scan3A_34 step %scan3A_35  : i32 {
      %mul3A_89 = arith.constant 2 : i32
      %mul3A_90 = arith.muli %mul3A_89, %scan3A_88 : i32
      %add3A_91 = arith.constant 1 : i32
      %add3A_92 = arith.addi %mul3A_90, %add3A_91 : i32
      %lt3A = arith.constant 79 : i32
      %lt3A_93 = arith.cmpi slt, %add3A_92, %lt3A : i32
      %convert_element_type3A = arith.extui %lt3A_93 : i1 to i32
      %cond3A = arith.constant 0 : i32
      %cond3A_94 = arith.cmpi ne, %convert_element_type3A, %cond3A : i32
      scf.if %cond3A_94 {
        %dma_wait3A_133 = arith.constant 0 : i32
        %dma_wait3A_134 = tpu.memref_slice %arg3[%add3A, %add3A_92, %dma_wait3A_133] : memref<32x79x128xi32, #tpu.memory_space<hbm>> -> memref<1x1x128xi32, #tpu.memory_space<hbm>>
        %dma_wait3A_135 = tpu.memref_squeeze %dma_wait3A_134 : memref<1x1x128xi32, #tpu.memory_space<hbm>> -> memref<128xi32, #tpu.memory_space<hbm>>
        %dma_wait3A_136 = arith.constant 0 : i32
        %dma_wait3A_137 = tpu.memref_slice %arg3[%add3A, %add3A_92, %dma_wait3A_136] : memref<32x79x128xi32, #tpu.memory_space<hbm>> -> memref<1x1x128xi32, #tpu.memory_space<hbm>>
        %dma_wait3A_138 = tpu.memref_squeeze %dma_wait3A_137 : memref<1x1x128xi32, #tpu.memory_space<hbm>> -> memref<128xi32, #tpu.memory_space<hbm>>
        tpu.wait_dma2 semaphore(%arg22 : memref<!tpu.dma_semaphore, #tpu.memory_space<semaphore_mem>>) src(%dma_wait3A_138 : memref<128xi32, #tpu.memory_space<hbm>>) dst(%arg11 : memref<128xi32, #tpu.memory_space<vmem>>)
        %dma_start3A_139 = arith.constant 0 : i32
        %dma_start3A_140 = arith.constant 0 : i32
        %dma_start3A_141 = tpu.memref_slice %arg2[%dma_start3A_139, %dma_start3A_140] : memref<10000x128xf32, #tpu.memory_space<hbm>> -> memref<10000x128xf32, #tpu.memory_space<hbm>>
        tpu.enqueue_indirect_dma source(%dma_start3A_141 : memref<10000x128xf32, #tpu.memory_space<hbm>>) target(%arg14 : memref<128x128xf32, #tpu.memory_space<vmem>>) offsets(%arg11 : memref<128xi32, #tpu.memory_space<vmem>>) semaphore(%arg20 : memref<!tpu.dma_semaphore, #tpu.memory_space<semaphore_mem>>)
      } else {
      }
      %dma_wait3A = arith.constant 0 : i32
      %dma_wait3A_95 = arith.constant 0 : i32
      %dma_wait3A_96 = tpu.memref_slice %arg2[%dma_wait3A, %dma_wait3A_95] : memref<10000x128xf32, #tpu.memory_space<hbm>> -> memref<10000x128xf32, #tpu.memory_space<hbm>>
      tpu.wait_indirect_dma semaphore(%arg19 : memref<!tpu.dma_semaphore, #tpu.memory_space<semaphore_mem>>) src(%dma_wait3A_96 : memref<10000x128xf32, #tpu.memory_space<hbm>>) dst(%arg13 : memref<128x128xf32, #tpu.memory_space<vmem>>)
      %add3A_97 = arith.constant 2 : i32
      %add3A_98 = arith.addi %mul3A_90, %add3A_97 : i32
      %lt3A_99 = arith.constant 79 : i32
      %lt3A_100 = arith.cmpi slt, %add3A_98, %lt3A_99 : i32
      %convert_element_type3A_101 = arith.extui %lt3A_100 : i1 to i32
      %cond3A_102 = arith.constant 0 : i32
      %cond3A_103 = arith.cmpi ne, %convert_element_type3A_101, %cond3A_102 : i32
      scf.if %cond3A_103 {
        %add3A_133 = arith.constant 2 : i32
        %add3A_134 = arith.addi %mul3A_90, %add3A_133 : i32
        %dma_start3A_135 = arith.constant 0 : i32
        %dma_start3A_136 = tpu.memref_slice %arg3[%add3A, %add3A_134, %dma_start3A_135] : memref<32x79x128xi32, #tpu.memory_space<hbm>> -> memref<1x1x128xi32, #tpu.memory_space<hbm>>
        %dma_start3A_137 = tpu.memref_squeeze %dma_start3A_136 : memref<1x1x128xi32, #tpu.memory_space<hbm>> -> memref<128xi32, #tpu.memory_space<hbm>>
        %dma_start3A_138 = arith.constant 0 : i32
        %dma_start3A_139 = tpu.memref_slice %arg3[%add3A, %add3A_134, %dma_start3A_138] : memref<32x79x128xi32, #tpu.memory_space<hbm>> -> memref<1x1x128xi32, #tpu.memory_space<hbm>>
        %dma_start3A_140 = tpu.memref_squeeze %dma_start3A_139 : memref<1x1x128xi32, #tpu.memory_space<hbm>> -> memref<128xi32, #tpu.memory_space<hbm>>
        tpu.enqueue_dma source(%dma_start3A_140 : memref<128xi32, #tpu.memory_space<hbm>>) target(%arg10 : memref<128xi32, #tpu.memory_space<vmem>>) target_semaphore(%arg21 : memref<!tpu.dma_semaphore, #tpu.memory_space<semaphore_mem>>)
      } else {
      }
      "tpu.region"() ({
        %run_scoped3A_133 = tpu.sem_alloc : memref<!tpu.dma_semaphore, #tpu.memory_space<semaphore_mem>>
        %dma_start3A_134 = arith.constant 0 : i32
        %dma_start3A_135 = tpu.memref_slice %arg12[%mul3A_90, %dma_start3A_134] : memref<79x128xi32, #tpu.memory_space<vmem>> -> memref<1x128xi32, #tpu.memory_space<vmem>>
        %dma_start3A_136 = tpu.memref_squeeze %dma_start3A_135 : memref<1x128xi32, #tpu.memory_space<vmem>> -> memref<128xi32, #tpu.memory_space<vmem>>
        %dma_start3A_137 = arith.constant 0 : i32
        %dma_start3A_138 = arith.constant 0 : i32
        %dma_start3A_139 = tpu.memref_slice %arg17[%dma_start3A_137, %dma_start3A_138] : memref<10240x128xf32, #tpu.memory_space<vmem_shared>> -> memref<10240x128xf32, #tpu.memory_space<vmem_shared>>
        tpu.enqueue_indirect_dma source(%arg13 : memref<128x128xf32, #tpu.memory_space<vmem>>) target(%dma_start3A_139 : memref<10240x128xf32, #tpu.memory_space<vmem_shared>>) offsets(%dma_start3A_136 : memref<128xi32, #tpu.memory_space<vmem>>) semaphore(%run_scoped3A_133 : memref<!tpu.dma_semaphore, #tpu.memory_space<semaphore_mem>>) {add = true}
        %dma_wait3A_140 = arith.constant 0 : i32
        %dma_wait3A_141 = tpu.memref_slice %arg12[%mul3A_90, %dma_wait3A_140] : memref<79x128xi32, #tpu.memory_space<vmem>> -> memref<1x128xi32, #tpu.memory_space<vmem>>
        %dma_wait3A_142 = tpu.memref_squeeze %dma_wait3A_141 : memref<1x128xi32, #tpu.memory_space<vmem>> -> memref<128xi32, #tpu.memory_space<vmem>>
        %dma_wait3A_143 = arith.constant 0 : i32
        %dma_wait3A_144 = arith.constant 0 : i32
        %dma_wait3A_145 = tpu.memref_slice %arg17[%dma_wait3A_143, %dma_wait3A_144] : memref<10240x128xf32, #tpu.memory_space<vmem_shared>> -> memref<10240x128xf32, #tpu.memory_space<vmem_shared>>
        tpu.wait_indirect_dma semaphore(%run_scoped3A_133 : memref<!tpu.dma_semaphore, #tpu.memory_space<semaphore_mem>>) src(%arg13 : memref<128x128xf32, #tpu.memory_space<vmem>>) dst(%dma_wait3A_145 : memref<10240x128xf32, #tpu.memory_space<vmem_shared>>)
        tpu.yield
      }) : () -> ()
      %dma_start3A_104 = arith.constant 0 : i32
      %dma_start3A_105 = tpu.memref_slice %arg12[%mul3A_90, %dma_start3A_104] : memref<79x128xi32, #tpu.memory_space<vmem>> -> memref<1x128xi32, #tpu.memory_space<vmem>>
      %dma_start3A_106 = tpu.memref_squeeze %dma_start3A_105 : memref<1x128xi32, #tpu.memory_space<vmem>> -> memref<128xi32, #tpu.memory_space<vmem>>
      %dma_start3A_107 = arith.constant 0 : i32
      %dma_start3A_108 = tpu.memref_slice %arg18[%dma_start3A_107] : memref<10240xf32, #tpu.memory_space<vmem_shared>> -> memref<10240xf32, #tpu.memory_space<vmem_shared>>
      tpu.enqueue_indirect_dma source(%arg15 : memref<128xf32, #tpu.memory_space<vmem>>) target(%dma_start3A_108 : memref<10240xf32, #tpu.memory_space<vmem_shared>>) offsets(%dma_start3A_106 : memref<128xi32, #tpu.memory_space<vmem>>) semaphore(%arg23 : memref<!tpu.dma_semaphore, #tpu.memory_space<semaphore_mem>>) {add = true}
      %add3A_109 = arith.constant 2 : i32
      %add3A_110 = arith.addi %mul3A_90, %add3A_109 : i32
      %lt3A_111 = arith.constant 79 : i32
      %lt3A_112 = arith.cmpi slt, %add3A_110, %lt3A_111 : i32
      %convert_element_type3A_113 = arith.extui %lt3A_112 : i1 to i32
      %cond3A_114 = arith.constant 0 : i32
      %cond3A_115 = arith.cmpi ne, %convert_element_type3A_113, %cond3A_114 : i32
      scf.if %cond3A_115 {
        %add3A_133 = arith.constant 2 : i32
        %add3A_134 = arith.addi %mul3A_90, %add3A_133 : i32
        %dma_wait3A_135 = arith.constant 0 : i32
        %dma_wait3A_136 = tpu.memref_slice %arg3[%add3A, %add3A_134, %dma_wait3A_135] : memref<32x79x128xi32, #tpu.memory_space<hbm>> -> memref<1x1x128xi32, #tpu.memory_space<hbm>>
        %dma_wait3A_137 = tpu.memref_squeeze %dma_wait3A_136 : memref<1x1x128xi32, #tpu.memory_space<hbm>> -> memref<128xi32, #tpu.memory_space<hbm>>
        %dma_wait3A_138 = arith.constant 0 : i32
        %dma_wait3A_139 = tpu.memref_slice %arg3[%add3A, %add3A_134, %dma_wait3A_138] : memref<32x79x128xi32, #tpu.memory_space<hbm>> -> memref<1x1x128xi32, #tpu.memory_space<hbm>>
        %dma_wait3A_140 = tpu.memref_squeeze %dma_wait3A_139 : memref<1x1x128xi32, #tpu.memory_space<hbm>> -> memref<128xi32, #tpu.memory_space<hbm>>
        tpu.wait_dma2 semaphore(%arg21 : memref<!tpu.dma_semaphore, #tpu.memory_space<semaphore_mem>>) src(%dma_wait3A_140 : memref<128xi32, #tpu.memory_space<hbm>>) dst(%arg10 : memref<128xi32, #tpu.memory_space<vmem>>)
        %dma_start3A_141 = arith.constant 0 : i32
        %dma_start3A_142 = arith.constant 0 : i32
        %dma_start3A_143 = tpu.memref_slice %arg2[%dma_start3A_141, %dma_start3A_142] : memref<10000x128xf32, #tpu.memory_space<hbm>> -> memref<10000x128xf32, #tpu.memory_space<hbm>>
        tpu.enqueue_indirect_dma source(%dma_start3A_143 : memref<10000x128xf32, #tpu.memory_space<hbm>>) target(%arg13 : memref<128x128xf32, #tpu.memory_space<vmem>>) offsets(%arg10 : memref<128xi32, #tpu.memory_space<vmem>>) semaphore(%arg19 : memref<!tpu.dma_semaphore, #tpu.memory_space<semaphore_mem>>)
      } else {
      }
      %lt3A_116 = arith.constant 79 : i32
      %lt3A_117 = arith.cmpi slt, %add3A_92, %lt3A_116 : i32
      %convert_element_type3A_118 = arith.extui %lt3A_117 : i1 to i32
      %cond3A_119 = arith.constant 0 : i32
      %cond3A_120 = arith.cmpi ne, %convert_element_type3A_118, %cond3A_119 : i32
      scf.if %cond3A_120 {
        %dma_wait3A_133 = arith.constant 0 : i32
        %dma_wait3A_134 = arith.constant 0 : i32
        %dma_wait3A_135 = tpu.memref_slice %arg2[%dma_wait3A_133, %dma_wait3A_134] : memref<10000x128xf32, #tpu.memory_space<hbm>> -> memref<10000x128xf32, #tpu.memory_space<hbm>>
        tpu.wait_indirect_dma semaphore(%arg20 : memref<!tpu.dma_semaphore, #tpu.memory_space<semaphore_mem>>) src(%dma_wait3A_135 : memref<10000x128xf32, #tpu.memory_space<hbm>>) dst(%arg14 : memref<128x128xf32, #tpu.memory_space<vmem>>)
      } else {
      }
      %add3A_121 = arith.constant 2 : i32
      %add3A_122 = arith.addi %add3A_92, %add3A_121 : i32
      %lt3A_123 = arith.constant 79 : i32
      %lt3A_124 = arith.cmpi slt, %add3A_122, %lt3A_123 : i32
      %convert_element_type3A_125 = arith.extui %lt3A_124 : i1 to i32
      %cond3A_126 = arith.constant 0 : i32
      %cond3A_127 = arith.cmpi ne, %convert_element_type3A_125, %cond3A_126 : i32
      scf.if %cond3A_127 {
        %add3A_133 = arith.constant 2 : i32
        %add3A_134 = arith.addi %add3A_92, %add3A_133 : i32
        %dma_start3A_135 = arith.constant 0 : i32
        %dma_start3A_136 = tpu.memref_slice %arg3[%add3A, %add3A_134, %dma_start3A_135] : memref<32x79x128xi32, #tpu.memory_space<hbm>> -> memref<1x1x128xi32, #tpu.memory_space<hbm>>
        %dma_start3A_137 = tpu.memref_squeeze %dma_start3A_136 : memref<1x1x128xi32, #tpu.memory_space<hbm>> -> memref<128xi32, #tpu.memory_space<hbm>>
        %dma_start3A_138 = arith.constant 0 : i32
        %dma_start3A_139 = tpu.memref_slice %arg3[%add3A, %add3A_134, %dma_start3A_138] : memref<32x79x128xi32, #tpu.memory_space<hbm>> -> memref<1x1x128xi32, #tpu.memory_space<hbm>>
        %dma_start3A_140 = tpu.memref_squeeze %dma_start3A_139 : memref<1x1x128xi32, #tpu.memory_space<hbm>> -> memref<128xi32, #tpu.memory_space<hbm>>
        tpu.enqueue_dma source(%dma_start3A_140 : memref<128xi32, #tpu.memory_space<hbm>>) target(%arg11 : memref<128xi32, #tpu.memory_space<vmem>>) target_semaphore(%arg22 : memref<!tpu.dma_semaphore, #tpu.memory_space<semaphore_mem>>)
      } else {
      }
      %lt3A_128 = arith.constant 79 : i32
      %lt3A_129 = arith.cmpi slt, %add3A_92, %lt3A_128 : i32
      %convert_element_type3A_130 = arith.extui %lt3A_129 : i1 to i32
      %cond3A_131 = arith.constant 0 : i32
      %cond3A_132 = arith.cmpi ne, %convert_element_type3A_130, %cond3A_131 : i32
      scf.if %cond3A_132 {
        "tpu.region"() ({
          %run_scoped3A_138 = tpu.sem_alloc : memref<!tpu.dma_semaphore, #tpu.memory_space<semaphore_mem>>
          %dma_start3A_139 = arith.constant 0 : i32
          %dma_start3A_140 = tpu.memref_slice %arg12[%add3A_92, %dma_start3A_139] : memref<79x128xi32, #tpu.memory_space<vmem>> -> memref<1x128xi32, #tpu.memory_space<vmem>>
          %dma_start3A_141 = tpu.memref_squeeze %dma_start3A_140 : memref<1x128xi32, #tpu.memory_space<vmem>> -> memref<128xi32, #tpu.memory_space<vmem>>
          %dma_start3A_142 = arith.constant 0 : i32
          %dma_start3A_143 = arith.constant 0 : i32
          %dma_start3A_144 = tpu.memref_slice %arg17[%dma_start3A_142, %dma_start3A_143] : memref<10240x128xf32, #tpu.memory_space<vmem_shared>> -> memref<10240x128xf32, #tpu.memory_space<vmem_shared>>
          tpu.enqueue_indirect_dma source(%arg14 : memref<128x128xf32, #tpu.memory_space<vmem>>) target(%dma_start3A_144 : memref<10240x128xf32, #tpu.memory_space<vmem_shared>>) offsets(%dma_start3A_141 : memref<128xi32, #tpu.memory_space<vmem>>) semaphore(%run_scoped3A_138 : memref<!tpu.dma_semaphore, #tpu.memory_space<semaphore_mem>>) {add = true}
          %dma_wait3A_145 = arith.constant 0 : i32
          %dma_wait3A_146 = tpu.memref_slice %arg12[%add3A_92, %dma_wait3A_145] : memref<79x128xi32, #tpu.memory_space<vmem>> -> memref<1x128xi32, #tpu.memory_space<vmem>>
          %dma_wait3A_147 = tpu.memref_squeeze %dma_wait3A_146 : memref<1x128xi32, #tpu.memory_space<vmem>> -> memref<128xi32, #tpu.memory_space<vmem>>
          %dma_wait3A_148 = arith.constant 0 : i32
          %dma_wait3A_149 = arith.constant 0 : i32
          %dma_wait3A_150 = tpu.memref_slice %arg17[%dma_wait3A_148, %dma_wait3A_149] : memref<10240x128xf32, #tpu.memory_space<vmem_shared>> -> memref<10240x128xf32, #tpu.memory_space<vmem_shared>>
          tpu.wait_indirect_dma semaphore(%run_scoped3A_138 : memref<!tpu.dma_semaphore, #tpu.memory_space<semaphore_mem>>) src(%arg14 : memref<128x128xf32, #tpu.memory_space<vmem>>) dst(%dma_wait3A_150 : memref<10240x128xf32, #tpu.memory_space<vmem_shared>>)
          tpu.yield
        }) : () -> ()
        %dma_start3A_133 = arith.constant 0 : i32
        %dma_start3A_134 = tpu.memref_slice %arg12[%add3A_92, %dma_start3A_133] : memref<79x128xi32, #tpu.memory_space<vmem>> -> memref<1x128xi32, #tpu.memory_space<vmem>>
        %dma_start3A_135 = tpu.memref_squeeze %dma_start3A_134 : memref<1x128xi32, #tpu.memory_space<vmem>> -> memref<128xi32, #tpu.memory_space<vmem>>
        %dma_start3A_136 = arith.constant 0 : i32
        %dma_start3A_137 = tpu.memref_slice %arg18[%dma_start3A_136] : memref<10240xf32, #tpu.memory_space<vmem_shared>> -> memref<10240xf32, #tpu.memory_space<vmem_shared>>
        tpu.enqueue_indirect_dma source(%arg15 : memref<128xf32, #tpu.memory_space<vmem>>) target(%dma_start3A_137 : memref<10240xf32, #tpu.memory_space<vmem_shared>>) offsets(%dma_start3A_135 : memref<128xi32, #tpu.memory_space<vmem>>) semaphore(%arg23 : memref<!tpu.dma_semaphore, #tpu.memory_space<semaphore_mem>>) {add = true}
      } else {
      }
    }
    %scan3A_36 = arith.constant 40 : i32
    %scan3A_37 = arith.constant 0 : i32
    %scan3A_38 = arith.constant 0 : i32
    %scan3A_39 = arith.constant 79 : i32
    %scan3A_40 = arith.addi %scan3A_38, %scan3A_39 : i32
    %scan3A_41 = arith.constant 1 : i32
    scf.for %scan3A_88 = %scan3A_38 to %scan3A_40 step %scan3A_41  : i32 {
      %dma_wait3A = arith.constant 0 : i32
      %dma_wait3A_89 = arith.constant 0 : i32
      %dma_wait3A_90 = tpu.memref_slice %arg12[%dma_wait3A, %dma_wait3A_89] : memref<79x128xi32, #tpu.memory_space<vmem>> -> memref<1x128xi32, #tpu.memory_space<vmem>>
      %dma_wait3A_91 = tpu.memref_squeeze %dma_wait3A_90 : memref<1x128xi32, #tpu.memory_space<vmem>> -> memref<128xi32, #tpu.memory_space<vmem>>
      %dma_wait3A_92 = arith.constant 0 : i32
      %dma_wait3A_93 = tpu.memref_slice %arg18[%dma_wait3A_92] : memref<10240xf32, #tpu.memory_space<vmem_shared>> -> memref<10240xf32, #tpu.memory_space<vmem_shared>>
      tpu.wait_indirect_dma semaphore(%arg23 : memref<!tpu.dma_semaphore, #tpu.memory_space<semaphore_mem>>) src(%arg15 : memref<128xf32, #tpu.memory_space<vmem>>) dst(%dma_wait3A_93 : memref<10240xf32, #tpu.memory_space<vmem_shared>>)
    }
    %scan3A_42 = arith.constant 79 : i32
    %barrier3A_43 = arith.constant 0 : index
    tpu.barrier barrier_id(%barrier3A_43)
    %mul3A_44 = arith.constant 640 : i32
    %mul3A_45 = arith.muli %arg1, %mul3A_44 : i32
    %add3A_46 = arith.constant 0 : i32
    %add3A_47 = arith.addi %mul3A_45, %add3A_46 : i32
    "tpu.region"() ({
      %run_scoped3A_88 = tpu.sem_alloc : memref<!tpu.dma_semaphore, #tpu.memory_space<semaphore_mem>>
      %dma_start3A_89 = arith.constant 0 : i32
      %dma_start3A_90 = tpu.memref_slice %arg17[%add3A_47, %dma_start3A_89] : memref<10240x128xf32, #tpu.memory_space<vmem_shared>> -> memref<128x128xf32, #tpu.memory_space<vmem_shared>>
      %dma_start3A_91 = arith.constant 0 : i32
      %dma_start3A_92 = tpu.memref_slice %arg17[%add3A_47, %dma_start3A_91] : memref<10240x128xf32, #tpu.memory_space<vmem_shared>> -> memref<128x128xf32, #tpu.memory_space<vmem_shared>>
      tpu.enqueue_dma source(%dma_start3A_92 : memref<128x128xf32, #tpu.memory_space<vmem_shared>>) target(%arg13 : memref<128x128xf32, #tpu.memory_space<vmem>>) target_semaphore(%run_scoped3A_88 : memref<!tpu.dma_semaphore, #tpu.memory_space<semaphore_mem>>)
      %dma_wait3A = arith.constant 0 : i32
      %dma_wait3A_93 = tpu.memref_slice %arg17[%add3A_47, %dma_wait3A] : memref<10240x128xf32, #tpu.memory_space<vmem_shared>> -> memref<128x128xf32, #tpu.memory_space<vmem_shared>>
      %dma_wait3A_94 = arith.constant 0 : i32
      %dma_wait3A_95 = tpu.memref_slice %arg17[%add3A_47, %dma_wait3A_94] : memref<10240x128xf32, #tpu.memory_space<vmem_shared>> -> memref<128x128xf32, #tpu.memory_space<vmem_shared>>
      tpu.wait_dma2 semaphore(%run_scoped3A_88 : memref<!tpu.dma_semaphore, #tpu.memory_space<semaphore_mem>>) src(%dma_wait3A_95 : memref<128x128xf32, #tpu.memory_space<vmem_shared>>) dst(%arg13 : memref<128x128xf32, #tpu.memory_space<vmem>>)
      tpu.yield
    }) : () -> ()
    %mul3A_48 = arith.constant 640 : i32
    %mul3A_49 = arith.muli %arg1, %mul3A_48 : i32
    %add3A_50 = arith.constant 0 : i32
    %add3A_51 = arith.addi %mul3A_49, %add3A_50 : i32
    "tpu.region"() ({
      %run_scoped3A_88 = tpu.sem_alloc : memref<!tpu.dma_semaphore, #tpu.memory_space<semaphore_mem>>
      %dma_start3A_89 = arith.constant 0 : i32
      %dma_start3A_90 = tpu.memref_slice %arg8[%arg0, %add3A_51, %dma_start3A_89] : memref<2x10240x128xf32, #tpu.memory_space<hbm>> -> memref<1x128x128xf32, #tpu.memory_space<hbm>>
      %dma_start3A_91 = tpu.memref_squeeze %dma_start3A_90 : memref<1x128x128xf32, #tpu.memory_space<hbm>> -> memref<128x128xf32, #tpu.memory_space<hbm>>
      %dma_start3A_92 = arith.constant 0 : i32
      %dma_start3A_93 = tpu.memref_slice %arg8[%arg0, %add3A_51, %dma_start3A_92] : memref<2x10240x128xf32, #tpu.memory_space<hbm>> -> memref<1x128x128xf32, #tpu.memory_space<hbm>>
      %dma_start3A_94 = tpu.memref_squeeze %dma_start3A_93 : memref<1x128x128xf32, #tpu.memory_space<hbm>> -> memref<128x128xf32, #tpu.memory_space<hbm>>
      tpu.enqueue_dma source(%arg13 : memref<128x128xf32, #tpu.memory_space<vmem>>) target(%dma_start3A_94 : memref<128x128xf32, #tpu.memory_space<hbm>>) target_semaphore(%run_scoped3A_88 : memref<!tpu.dma_semaphore, #tpu.memory_space<semaphore_mem>>)
      %dma_wait3A = arith.constant 0 : i32
      %dma_wait3A_95 = tpu.memref_slice %arg8[%arg0, %add3A_51, %dma_wait3A] : memref<2x10240x128xf32, #tpu.memory_space<hbm>> -> memref<1x128x128xf32, #tpu.memory_space<hbm>>
      %dma_wait3A_96 = tpu.memref_squeeze %dma_wait3A_95 : memref<1x128x128xf32, #tpu.memory_space<hbm>> -> memref<128x128xf32, #tpu.memory_space<hbm>>
      %dma_wait3A_97 = arith.constant 0 : i32
      %dma_wait3A_98 = tpu.memref_slice %arg8[%arg0, %add3A_51, %dma_wait3A_97] : memref<2x10240x128xf32, #tpu.memory_space<hbm>> -> memref<1x128x128xf32, #tpu.memory_space<hbm>>
      %dma_wait3A_99 = tpu.memref_squeeze %dma_wait3A_98 : memref<1x128x128xf32, #tpu.memory_space<hbm>> -> memref<128x128xf32, #tpu.memory_space<hbm>>
      tpu.wait_dma2 semaphore(%run_scoped3A_88 : memref<!tpu.dma_semaphore, #tpu.memory_space<semaphore_mem>>) src(%arg13 : memref<128x128xf32, #tpu.memory_space<vmem>>) dst(%dma_wait3A_99 : memref<128x128xf32, #tpu.memory_space<hbm>>)
      tpu.yield
    }) : () -> ()
    %mul3A_52 = arith.constant 640 : i32
    %mul3A_53 = arith.muli %arg1, %mul3A_52 : i32
    %add3A_54 = arith.constant 128 : i32
    %add3A_55 = arith.addi %mul3A_53, %add3A_54 : i32
    "tpu.region"() ({
      %run_scoped3A_88 = tpu.sem_alloc : memref<!tpu.dma_semaphore, #tpu.memory_space<semaphore_mem>>
      %dma_start3A_89 = arith.constant 0 : i32
      %dma_start3A_90 = tpu.memref_slice %arg17[%add3A_55, %dma_start3A_89] : memref<10240x128xf32, #tpu.memory_space<vmem_shared>> -> memref<128x128xf32, #tpu.memory_space<vmem_shared>>
      %dma_start3A_91 = arith.constant 0 : i32
      %dma_start3A_92 = tpu.memref_slice %arg17[%add3A_55, %dma_start3A_91] : memref<10240x128xf32, #tpu.memory_space<vmem_shared>> -> memref<128x128xf32, #tpu.memory_space<vmem_shared>>
      tpu.enqueue_dma source(%dma_start3A_92 : memref<128x128xf32, #tpu.memory_space<vmem_shared>>) target(%arg13 : memref<128x128xf32, #tpu.memory_space<vmem>>) target_semaphore(%run_scoped3A_88 : memref<!tpu.dma_semaphore, #tpu.memory_space<semaphore_mem>>)
      %dma_wait3A = arith.constant 0 : i32
      %dma_wait3A_93 = tpu.memref_slice %arg17[%add3A_55, %dma_wait3A] : memref<10240x128xf32, #tpu.memory_space<vmem_shared>> -> memref<128x128xf32, #tpu.memory_space<vmem_shared>>
      %dma_wait3A_94 = arith.constant 0 : i32
      %dma_wait3A_95 = tpu.memref_slice %arg17[%add3A_55, %dma_wait3A_94] : memref<10240x128xf32, #tpu.memory_space<vmem_shared>> -> memref<128x128xf32, #tpu.memory_space<vmem_shared>>
      tpu.wait_dma2 semaphore(%run_scoped3A_88 : memref<!tpu.dma_semaphore, #tpu.memory_space<semaphore_mem>>) src(%dma_wait3A_95 : memref<128x128xf32, #tpu.memory_space<vmem_shared>>) dst(%arg13 : memref<128x128xf32, #tpu.memory_space<vmem>>)
      tpu.yield
    }) : () -> ()
    %mul3A_56 = arith.constant 640 : i32
    %mul3A_57 = arith.muli %arg1, %mul3A_56 : i32
    %add3A_58 = arith.constant 128 : i32
    %add3A_59 = arith.addi %mul3A_57, %add3A_58 : i32
    "tpu.region"() ({
      %run_scoped3A_88 = tpu.sem_alloc : memref<!tpu.dma_semaphore, #tpu.memory_space<semaphore_mem>>
      %dma_start3A_89 = arith.constant 0 : i32
      %dma_start3A_90 = tpu.memref_slice %arg8[%arg0, %add3A_59, %dma_start3A_89] : memref<2x10240x128xf32, #tpu.memory_space<hbm>> -> memref<1x128x128xf32, #tpu.memory_space<hbm>>
      %dma_start3A_91 = tpu.memref_squeeze %dma_start3A_90 : memref<1x128x128xf32, #tpu.memory_space<hbm>> -> memref<128x128xf32, #tpu.memory_space<hbm>>
      %dma_start3A_92 = arith.constant 0 : i32
      %dma_start3A_93 = tpu.memref_slice %arg8[%arg0, %add3A_59, %dma_start3A_92] : memref<2x10240x128xf32, #tpu.memory_space<hbm>> -> memref<1x128x128xf32, #tpu.memory_space<hbm>>
      %dma_start3A_94 = tpu.memref_squeeze %dma_start3A_93 : memref<1x128x128xf32, #tpu.memory_space<hbm>> -> memref<128x128xf32, #tpu.memory_space<hbm>>
      tpu.enqueue_dma source(%arg13 : memref<128x128xf32, #tpu.memory_space<vmem>>) target(%dma_start3A_94 : memref<128x128xf32, #tpu.memory_space<hbm>>) target_semaphore(%run_scoped3A_88 : memref<!tpu.dma_semaphore, #tpu.memory_space<semaphore_mem>>)
      %dma_wait3A = arith.constant 0 : i32
      %dma_wait3A_95 = tpu.memref_slice %arg8[%arg0, %add3A_59, %dma_wait3A] : memref<2x10240x128xf32, #tpu.memory_space<hbm>> -> memref<1x128x128xf32, #tpu.memory_space<hbm>>
      %dma_wait3A_96 = tpu.memref_squeeze %dma_wait3A_95 : memref<1x128x128xf32, #tpu.memory_space<hbm>> -> memref<128x128xf32, #tpu.memory_space<hbm>>
      %dma_wait3A_97 = arith.constant 0 : i32
      %dma_wait3A_98 = tpu.memref_slice %arg8[%arg0, %add3A_59, %dma_wait3A_97] : memref<2x10240x128xf32, #tpu.memory_space<hbm>> -> memref<1x128x128xf32, #tpu.memory_space<hbm>>
      %dma_wait3A_99 = tpu.memref_squeeze %dma_wait3A_98 : memref<1x128x128xf32, #tpu.memory_space<hbm>> -> memref<128x128xf32, #tpu.memory_space<hbm>>
      tpu.wait_dma2 semaphore(%run_scoped3A_88 : memref<!tpu.dma_semaphore, #tpu.memory_space<semaphore_mem>>) src(%arg13 : memref<128x128xf32, #tpu.memory_space<vmem>>) dst(%dma_wait3A_99 : memref<128x128xf32, #tpu.memory_space<hbm>>)
      tpu.yield
    }) : () -> ()
    %mul3A_60 = arith.constant 640 : i32
    %mul3A_61 = arith.muli %arg1, %mul3A_60 : i32
    %add3A_62 = arith.constant 256 : i32
    %add3A_63 = arith.addi %mul3A_61, %add3A_62 : i32
    "tpu.region"() ({
      %run_scoped3A_88 = tpu.sem_alloc : memref<!tpu.dma_semaphore, #tpu.memory_space<semaphore_mem>>
      %dma_start3A_89 = arith.constant 0 : i32
      %dma_start3A_90 = tpu.memref_slice %arg17[%add3A_63, %dma_start3A_89] : memref<10240x128xf32, #tpu.memory_space<vmem_shared>> -> memref<128x128xf32, #tpu.memory_space<vmem_shared>>
      %dma_start3A_91 = arith.constant 0 : i32
      %dma_start3A_92 = tpu.memref_slice %arg17[%add3A_63, %dma_start3A_91] : memref<10240x128xf32, #tpu.memory_space<vmem_shared>> -> memref<128x128xf32, #tpu.memory_space<vmem_shared>>
      tpu.enqueue_dma source(%dma_start3A_92 : memref<128x128xf32, #tpu.memory_space<vmem_shared>>) target(%arg13 : memref<128x128xf32, #tpu.memory_space<vmem>>) target_semaphore(%run_scoped3A_88 : memref<!tpu.dma_semaphore, #tpu.memory_space<semaphore_mem>>)
      %dma_wait3A = arith.constant 0 : i32
      %dma_wait3A_93 = tpu.memref_slice %arg17[%add3A_63, %dma_wait3A] : memref<10240x128xf32, #tpu.memory_space<vmem_shared>> -> memref<128x128xf32, #tpu.memory_space<vmem_shared>>
      %dma_wait3A_94 = arith.constant 0 : i32
      %dma_wait3A_95 = tpu.memref_slice %arg17[%add3A_63, %dma_wait3A_94] : memref<10240x128xf32, #tpu.memory_space<vmem_shared>> -> memref<128x128xf32, #tpu.memory_space<vmem_shared>>
      tpu.wait_dma2 semaphore(%run_scoped3A_88 : memref<!tpu.dma_semaphore, #tpu.memory_space<semaphore_mem>>) src(%dma_wait3A_95 : memref<128x128xf32, #tpu.memory_space<vmem_shared>>) dst(%arg13 : memref<128x128xf32, #tpu.memory_space<vmem>>)
      tpu.yield
    }) : () -> ()
    %mul3A_64 = arith.constant 640 : i32
    %mul3A_65 = arith.muli %arg1, %mul3A_64 : i32
    %add3A_66 = arith.constant 256 : i32
    %add3A_67 = arith.addi %mul3A_65, %add3A_66 : i32
    "tpu.region"() ({
      %run_scoped3A_88 = tpu.sem_alloc : memref<!tpu.dma_semaphore, #tpu.memory_space<semaphore_mem>>
      %dma_start3A_89 = arith.constant 0 : i32
      %dma_start3A_90 = tpu.memref_slice %arg8[%arg0, %add3A_67, %dma_start3A_89] : memref<2x10240x128xf32, #tpu.memory_space<hbm>> -> memref<1x128x128xf32, #tpu.memory_space<hbm>>
      %dma_start3A_91 = tpu.memref_squeeze %dma_start3A_90 : memref<1x128x128xf32, #tpu.memory_space<hbm>> -> memref<128x128xf32, #tpu.memory_space<hbm>>
      %dma_start3A_92 = arith.constant 0 : i32
      %dma_start3A_93 = tpu.memref_slice %arg8[%arg0, %add3A_67, %dma_start3A_92] : memref<2x10240x128xf32, #tpu.memory_space<hbm>> -> memref<1x128x128xf32, #tpu.memory_space<hbm>>
      %dma_start3A_94 = tpu.memref_squeeze %dma_start3A_93 : memref<1x128x128xf32, #tpu.memory_space<hbm>> -> memref<128x128xf32, #tpu.memory_space<hbm>>
      tpu.enqueue_dma source(%arg13 : memref<128x128xf32, #tpu.memory_space<vmem>>) target(%dma_start3A_94 : memref<128x128xf32, #tpu.memory_space<hbm>>) target_semaphore(%run_scoped3A_88 : memref<!tpu.dma_semaphore, #tpu.memory_space<semaphore_mem>>)
      %dma_wait3A = arith.constant 0 : i32
      %dma_wait3A_95 = tpu.memref_slice %arg8[%arg0, %add3A_67, %dma_wait3A] : memref<2x10240x128xf32, #tpu.memory_space<hbm>> -> memref<1x128x128xf32, #tpu.memory_space<hbm>>
      %dma_wait3A_96 = tpu.memref_squeeze %dma_wait3A_95 : memref<1x128x128xf32, #tpu.memory_space<hbm>> -> memref<128x128xf32, #tpu.memory_space<hbm>>
      %dma_wait3A_97 = arith.constant 0 : i32
      %dma_wait3A_98 = tpu.memref_slice %arg8[%arg0, %add3A_67, %dma_wait3A_97] : memref<2x10240x128xf32, #tpu.memory_space<hbm>> -> memref<1x128x128xf32, #tpu.memory_space<hbm>>
      %dma_wait3A_99 = tpu.memref_squeeze %dma_wait3A_98 : memref<1x128x128xf32, #tpu.memory_space<hbm>> -> memref<128x128xf32, #tpu.memory_space<hbm>>
      tpu.wait_dma2 semaphore(%run_scoped3A_88 : memref<!tpu.dma_semaphore, #tpu.memory_space<semaphore_mem>>) src(%arg13 : memref<128x128xf32, #tpu.memory_space<vmem>>) dst(%dma_wait3A_99 : memref<128x128xf32, #tpu.memory_space<hbm>>)
      tpu.yield
    }) : () -> ()
    %mul3A_68 = arith.constant 640 : i32
    %mul3A_69 = arith.muli %arg1, %mul3A_68 : i32
    %add3A_70 = arith.constant 384 : i32
    %add3A_71 = arith.addi %mul3A_69, %add3A_70 : i32
    "tpu.region"() ({
      %run_scoped3A_88 = tpu.sem_alloc : memref<!tpu.dma_semaphore, #tpu.memory_space<semaphore_mem>>
      %dma_start3A_89 = arith.constant 0 : i32
      %dma_start3A_90 = tpu.memref_slice %arg17[%add3A_71, %dma_start3A_89] : memref<10240x128xf32, #tpu.memory_space<vmem_shared>> -> memref<128x128xf32, #tpu.memory_space<vmem_shared>>
      %dma_start3A_91 = arith.constant 0 : i32
      %dma_start3A_92 = tpu.memref_slice %arg17[%add3A_71, %dma_start3A_91] : memref<10240x128xf32, #tpu.memory_space<vmem_shared>> -> memref<128x128xf32, #tpu.memory_space<vmem_shared>>
      tpu.enqueue_dma source(%dma_start3A_92 : memref<128x128xf32, #tpu.memory_space<vmem_shared>>) target(%arg13 : memref<128x128xf32, #tpu.memory_space<vmem>>) target_semaphore(%run_scoped3A_88 : memref<!tpu.dma_semaphore, #tpu.memory_space<semaphore_mem>>)
      %dma_wait3A = arith.constant 0 : i32
      %dma_wait3A_93 = tpu.memref_slice %arg17[%add3A_71, %dma_wait3A] : memref<10240x128xf32, #tpu.memory_space<vmem_shared>> -> memref<128x128xf32, #tpu.memory_space<vmem_shared>>
      %dma_wait3A_94 = arith.constant 0 : i32
      %dma_wait3A_95 = tpu.memref_slice %arg17[%add3A_71, %dma_wait3A_94] : memref<10240x128xf32, #tpu.memory_space<vmem_shared>> -> memref<128x128xf32, #tpu.memory_space<vmem_shared>>
      tpu.wait_dma2 semaphore(%run_scoped3A_88 : memref<!tpu.dma_semaphore, #tpu.memory_space<semaphore_mem>>) src(%dma_wait3A_95 : memref<128x128xf32, #tpu.memory_space<vmem_shared>>) dst(%arg13 : memref<128x128xf32, #tpu.memory_space<vmem>>)
      tpu.yield
    }) : () -> ()
    %mul3A_72 = arith.constant 640 : i32
    %mul3A_73 = arith.muli %arg1, %mul3A_72 : i32
    %add3A_74 = arith.constant 384 : i32
    %add3A_75 = arith.addi %mul3A_73, %add3A_74 : i32
    "tpu.region"() ({
      %run_scoped3A_88 = tpu.sem_alloc : memref<!tpu.dma_semaphore, #tpu.memory_space<semaphore_mem>>
      %dma_start3A_89 = arith.constant 0 : i32
      %dma_start3A_90 = tpu.memref_slice %arg8[%arg0, %add3A_75, %dma_start3A_89] : memref<2x10240x128xf32, #tpu.memory_space<hbm>> -> memref<1x128x128xf32, #tpu.memory_space<hbm>>
      %dma_start3A_91 = tpu.memref_squeeze %dma_start3A_90 : memref<1x128x128xf32, #tpu.memory_space<hbm>> -> memref<128x128xf32, #tpu.memory_space<hbm>>
      %dma_start3A_92 = arith.constant 0 : i32
      %dma_start3A_93 = tpu.memref_slice %arg8[%arg0, %add3A_75, %dma_start3A_92] : memref<2x10240x128xf32, #tpu.memory_space<hbm>> -> memref<1x128x128xf32, #tpu.memory_space<hbm>>
      %dma_start3A_94 = tpu.memref_squeeze %dma_start3A_93 : memref<1x128x128xf32, #tpu.memory_space<hbm>> -> memref<128x128xf32, #tpu.memory_space<hbm>>
      tpu.enqueue_dma source(%arg13 : memref<128x128xf32, #tpu.memory_space<vmem>>) target(%dma_start3A_94 : memref<128x128xf32, #tpu.memory_space<hbm>>) target_semaphore(%run_scoped3A_88 : memref<!tpu.dma_semaphore, #tpu.memory_space<semaphore_mem>>)
      %dma_wait3A = arith.constant 0 : i32
      %dma_wait3A_95 = tpu.memref_slice %arg8[%arg0, %add3A_75, %dma_wait3A] : memref<2x10240x128xf32, #tpu.memory_space<hbm>> -> memref<1x128x128xf32, #tpu.memory_space<hbm>>
      %dma_wait3A_96 = tpu.memref_squeeze %dma_wait3A_95 : memref<1x128x128xf32, #tpu.memory_space<hbm>> -> memref<128x128xf32, #tpu.memory_space<hbm>>
      %dma_wait3A_97 = arith.constant 0 : i32
      %dma_wait3A_98 = tpu.memref_slice %arg8[%arg0, %add3A_75, %dma_wait3A_97] : memref<2x10240x128xf32, #tpu.memory_space<hbm>> -> memref<1x128x128xf32, #tpu.memory_space<hbm>>
      %dma_wait3A_99 = tpu.memref_squeeze %dma_wait3A_98 : memref<1x128x128xf32, #tpu.memory_space<hbm>> -> memref<128x128xf32, #tpu.memory_space<hbm>>
      tpu.wait_dma2 semaphore(%run_scoped3A_88 : memref<!tpu.dma_semaphore, #tpu.memory_space<semaphore_mem>>) src(%arg13 : memref<128x128xf32, #tpu.memory_space<vmem>>) dst(%dma_wait3A_99 : memref<128x128xf32, #tpu.memory_space<hbm>>)
      tpu.yield
    }) : () -> ()
    %mul3A_76 = arith.constant 640 : i32
    %mul3A_77 = arith.muli %arg1, %mul3A_76 : i32
    %add3A_78 = arith.constant 512 : i32
    %add3A_79 = arith.addi %mul3A_77, %add3A_78 : i32
    "tpu.region"() ({
      %run_scoped3A_88 = tpu.sem_alloc : memref<!tpu.dma_semaphore, #tpu.memory_space<semaphore_mem>>
      %dma_start3A_89 = arith.constant 0 : i32
      %dma_start3A_90 = tpu.memref_slice %arg17[%add3A_79, %dma_start3A_89] : memref<10240x128xf32, #tpu.memory_space<vmem_shared>> -> memref<128x128xf32, #tpu.memory_space<vmem_shared>>
      %dma_start3A_91 = arith.constant 0 : i32
      %dma_start3A_92 = tpu.memref_slice %arg17[%add3A_79, %dma_start3A_91] : memref<10240x128xf32, #tpu.memory_space<vmem_shared>> -> memref<128x128xf32, #tpu.memory_space<vmem_shared>>
      tpu.enqueue_dma source(%dma_start3A_92 : memref<128x128xf32, #tpu.memory_space<vmem_shared>>) target(%arg13 : memref<128x128xf32, #tpu.memory_space<vmem>>) target_semaphore(%run_scoped3A_88 : memref<!tpu.dma_semaphore, #tpu.memory_space<semaphore_mem>>)
      %dma_wait3A = arith.constant 0 : i32
      %dma_wait3A_93 = tpu.memref_slice %arg17[%add3A_79, %dma_wait3A] : memref<10240x128xf32, #tpu.memory_space<vmem_shared>> -> memref<128x128xf32, #tpu.memory_space<vmem_shared>>
      %dma_wait3A_94 = arith.constant 0 : i32
      %dma_wait3A_95 = tpu.memref_slice %arg17[%add3A_79, %dma_wait3A_94] : memref<10240x128xf32, #tpu.memory_space<vmem_shared>> -> memref<128x128xf32, #tpu.memory_space<vmem_shared>>
      tpu.wait_dma2 semaphore(%run_scoped3A_88 : memref<!tpu.dma_semaphore, #tpu.memory_space<semaphore_mem>>) src(%dma_wait3A_95 : memref<128x128xf32, #tpu.memory_space<vmem_shared>>) dst(%arg13 : memref<128x128xf32, #tpu.memory_space<vmem>>)
      tpu.yield
    }) : () -> ()
    %mul3A_80 = arith.constant 640 : i32
    %mul3A_81 = arith.muli %arg1, %mul3A_80 : i32
    %add3A_82 = arith.constant 512 : i32
    %add3A_83 = arith.addi %mul3A_81, %add3A_82 : i32
    "tpu.region"() ({
      %run_scoped3A_88 = tpu.sem_alloc : memref<!tpu.dma_semaphore, #tpu.memory_space<semaphore_mem>>
      %dma_start3A_89 = arith.constant 0 : i32
      %dma_start3A_90 = tpu.memref_slice %arg8[%arg0, %add3A_83, %dma_start3A_89] : memref<2x10240x128xf32, #tpu.memory_space<hbm>> -> memref<1x128x128xf32, #tpu.memory_space<hbm>>
      %dma_start3A_91 = tpu.memref_squeeze %dma_start3A_90 : memref<1x128x128xf32, #tpu.memory_space<hbm>> -> memref<128x128xf32, #tpu.memory_space<hbm>>
      %dma_start3A_92 = arith.constant 0 : i32
      %dma_start3A_93 = tpu.memref_slice %arg8[%arg0, %add3A_83, %dma_start3A_92] : memref<2x10240x128xf32, #tpu.memory_space<hbm>> -> memref<1x128x128xf32, #tpu.memory_space<hbm>>
      %dma_start3A_94 = tpu.memref_squeeze %dma_start3A_93 : memref<1x128x128xf32, #tpu.memory_space<hbm>> -> memref<128x128xf32, #tpu.memory_space<hbm>>
      tpu.enqueue_dma source(%arg13 : memref<128x128xf32, #tpu.memory_space<vmem>>) target(%dma_start3A_94 : memref<128x128xf32, #tpu.memory_space<hbm>>) target_semaphore(%run_scoped3A_88 : memref<!tpu.dma_semaphore, #tpu.memory_space<semaphore_mem>>)
      %dma_wait3A = arith.constant 0 : i32
      %dma_wait3A_95 = tpu.memref_slice %arg8[%arg0, %add3A_83, %dma_wait3A] : memref<2x10240x128xf32, #tpu.memory_space<hbm>> -> memref<1x128x128xf32, #tpu.memory_space<hbm>>
      %dma_wait3A_96 = tpu.memref_squeeze %dma_wait3A_95 : memref<1x128x128xf32, #tpu.memory_space<hbm>> -> memref<128x128xf32, #tpu.memory_space<hbm>>
      %dma_wait3A_97 = arith.constant 0 : i32
      %dma_wait3A_98 = tpu.memref_slice %arg8[%arg0, %add3A_83, %dma_wait3A_97] : memref<2x10240x128xf32, #tpu.memory_space<hbm>> -> memref<1x128x128xf32, #tpu.memory_space<hbm>>
      %dma_wait3A_99 = tpu.memref_squeeze %dma_wait3A_98 : memref<1x128x128xf32, #tpu.memory_space<hbm>> -> memref<128x128xf32, #tpu.memory_space<hbm>>
      tpu.wait_dma2 semaphore(%run_scoped3A_88 : memref<!tpu.dma_semaphore, #tpu.memory_space<semaphore_mem>>) src(%arg13 : memref<128x128xf32, #tpu.memory_space<vmem>>) dst(%dma_wait3A_99 : memref<128x128xf32, #tpu.memory_space<hbm>>)
      tpu.yield
    }) : () -> ()
    %mul3A_84 = arith.constant 640 : i32
    %mul3A_85 = arith.muli %arg1, %mul3A_84 : i32
    "tpu.region"() ({
      %run_scoped3A_88 = tpu.sem_alloc : memref<!tpu.dma_semaphore, #tpu.memory_space<semaphore_mem>>
      %dma_start3A_89 = tpu.memref_slice %arg18[%mul3A_85] : memref<10240xf32, #tpu.memory_space<vmem_shared>> -> memref<640xf32, #tpu.memory_space<vmem_shared>>
      %dma_start3A_90 = tpu.memref_slice %arg18[%mul3A_85] : memref<10240xf32, #tpu.memory_space<vmem_shared>> -> memref<640xf32, #tpu.memory_space<vmem_shared>>
      tpu.enqueue_dma source(%dma_start3A_90 : memref<640xf32, #tpu.memory_space<vmem_shared>>) target(%arg16 : memref<640xf32, #tpu.memory_space<vmem>>) target_semaphore(%run_scoped3A_88 : memref<!tpu.dma_semaphore, #tpu.memory_space<semaphore_mem>>)
      %dma_wait3A = tpu.memref_slice %arg18[%mul3A_85] : memref<10240xf32, #tpu.memory_space<vmem_shared>> -> memref<640xf32, #tpu.memory_space<vmem_shared>>
      %dma_wait3A_91 = tpu.memref_slice %arg18[%mul3A_85] : memref<10240xf32, #tpu.memory_space<vmem_shared>> -> memref<640xf32, #tpu.memory_space<vmem_shared>>
      tpu.wait_dma2 semaphore(%run_scoped3A_88 : memref<!tpu.dma_semaphore, #tpu.memory_space<semaphore_mem>>) src(%dma_wait3A_91 : memref<640xf32, #tpu.memory_space<vmem_shared>>) dst(%arg16 : memref<640xf32, #tpu.memory_space<vmem>>)
      tpu.yield
    }) : () -> ()
    %mul3A_86 = arith.constant 640 : i32
    %mul3A_87 = arith.muli %arg1, %mul3A_86 : i32
    "tpu.region"() ({
      %run_scoped3A_88 = tpu.sem_alloc : memref<!tpu.dma_semaphore, #tpu.memory_space<semaphore_mem>>
      %dma_start3A_89 = tpu.memref_slice %arg9[%arg0, %mul3A_87] : memref<2x10240xf32, #tpu.memory_space<hbm>> -> memref<1x640xf32, #tpu.memory_space<hbm>>
      %dma_start3A_90 = tpu.memref_squeeze %dma_start3A_89 : memref<1x640xf32, #tpu.memory_space<hbm>> -> memref<640xf32, #tpu.memory_space<hbm>>
      %dma_start3A_91 = tpu.memref_slice %arg9[%arg0, %mul3A_87] : memref<2x10240xf32, #tpu.memory_space<hbm>> -> memref<1x640xf32, #tpu.memory_space<hbm>>
      %dma_start3A_92 = tpu.memref_squeeze %dma_start3A_91 : memref<1x640xf32, #tpu.memory_space<hbm>> -> memref<640xf32, #tpu.memory_space<hbm>>
      tpu.enqueue_dma source(%arg16 : memref<640xf32, #tpu.memory_space<vmem>>) target(%dma_start3A_92 : memref<640xf32, #tpu.memory_space<hbm>>) target_semaphore(%run_scoped3A_88 : memref<!tpu.dma_semaphore, #tpu.memory_space<semaphore_mem>>)
      %dma_wait3A = tpu.memref_slice %arg9[%arg0, %mul3A_87] : memref<2x10240xf32, #tpu.memory_space<hbm>> -> memref<1x640xf32, #tpu.memory_space<hbm>>
      %dma_wait3A_93 = tpu.memref_squeeze %dma_wait3A : memref<1x640xf32, #tpu.memory_space<hbm>> -> memref<640xf32, #tpu.memory_space<hbm>>
      %dma_wait3A_94 = tpu.memref_slice %arg9[%arg0, %mul3A_87] : memref<2x10240xf32, #tpu.memory_space<hbm>> -> memref<1x640xf32, #tpu.memory_space<hbm>>
      %dma_wait3A_95 = tpu.memref_squeeze %dma_wait3A_94 : memref<1x640xf32, #tpu.memory_space<hbm>> -> memref<640xf32, #tpu.memory_space<hbm>>
      tpu.wait_dma2 semaphore(%run_scoped3A_88 : memref<!tpu.dma_semaphore, #tpu.memory_space<semaphore_mem>>) src(%arg16 : memref<640xf32, #tpu.memory_space<vmem>>) dst(%dma_wait3A_95 : memref<640xf32, #tpu.memory_space<hbm>>)
      tpu.yield
    }) : () -> ()
    return
  }
}

module attributes {stable_mosaic.version = 14 : i64} {
  func.func @_tc_a_body(%arg0: i32, %arg1: memref<1000x128xf32, #tpu.memory_space<vmem>>, %arg2: memref<2x1000x128xf32, #tpu.memory_space<vmem>>, %arg3: memref<2x1000x1xf32, #tpu.memory_space<vmem>>, %arg4: memref<128x128xf32, #tpu.memory_space<vmem>>, %arg5: memref<128x128xf32, #tpu.memory_space<vmem>>, %arg6: memref<1x128xf32, #tpu.memory_space<vmem>>, %arg7: memref<128x1xf32, #tpu.memory_space<vmem>>, %arg8: memref<128x1xf32, #tpu.memory_space<vmem>>, %arg9: memref<1000x128xf32, #tpu.memory_space<vmem>>, %arg10: memref<1000x1xf32, #tpu.memory_space<vmem>>, %arg11: memref<1000x1xf32, #tpu.memory_space<vmem>>) attributes {dimension_semantics = [#tpu.dimension_semantics<arbitrary>], iteration_bounds = array<i64: 10>, scalar_prefetch = 0 : i64, scratch_operands = 0 : i64, tpu.core_type = #tpu.core_type<tc>, window_params = [{transform_indices = @transform_0, window_bounds = array<i64: 1000, 128>}, {transform_indices = @transform_1, window_bounds = array<i64: 2, 1000, 128>}, {transform_indices = @transform_2, window_bounds = array<i64: 2, 1000, 1>}, {pipeline_mode = #tpu.pipeline_mode<synchronous>, transform_indices = @transform_3, window_bounds = array<i64: 128, 128>}, {pipeline_mode = #tpu.pipeline_mode<synchronous>, transform_indices = @transform_4, window_bounds = array<i64: 128, 128>}, {pipeline_mode = #tpu.pipeline_mode<synchronous>, transform_indices = @transform_5, window_bounds = array<i64: 1, 128>}, {pipeline_mode = #tpu.pipeline_mode<synchronous>, transform_indices = @transform_6, window_bounds = array<i64: 128, 1>}, {pipeline_mode = #tpu.pipeline_mode<synchronous>, transform_indices = @transform_7, window_bounds = array<i64: 128, 1>}, {transform_indices = @transform_8, window_bounds = array<i64: 1000, 128>}, {transform_indices = @transform_9, window_bounds = array<i64: 1000, 1>}, {transform_indices = @transform_10, window_bounds = array<i64: 1000, 1>}]} {
    %get3A = arith.constant 0 : index
    %get3A_0 = arith.constant 0 : index
    %get3A_1 = vector.load %arg1[%get3A, %get3A_0] : memref<1000x128xf32, #tpu.memory_space<vmem>>, vector<1000x128xf32>
    %get3A_2 = arith.constant 0 : index
    %get3A_3 = arith.constant 0 : index
    %get3A_4 = arith.constant 0 : index
    %get3A_5 = vector.load %arg2[%get3A_2, %get3A_3, %get3A_4] : memref<2x1000x128xf32, #tpu.memory_space<vmem>>, vector<1x1000x128xf32>
    %get3A_6 = vector.shape_cast %get3A_5 : vector<1x1000x128xf32> to vector<1000x128xf32>
    %get3A_7 = arith.constant 1 : index
    %get3A_8 = arith.constant 0 : index
    %get3A_9 = arith.constant 0 : index
    %get3A_10 = vector.load %arg2[%get3A_7, %get3A_8, %get3A_9] : memref<2x1000x128xf32, #tpu.memory_space<vmem>>, vector<1x1000x128xf32>
    %get3A_11 = vector.shape_cast %get3A_10 : vector<1x1000x128xf32> to vector<1000x128xf32>
    %add3A = arith.addf %get3A_6, %get3A_11 : vector<1000x128xf32>
    %get3A_12 = arith.constant 0 : index
    %get3A_13 = arith.constant 0 : index
    %get3A_14 = arith.constant 0 : index
    %get3A_15 = vector.load %arg3[%get3A_12, %get3A_13, %get3A_14] : memref<2x1000x1xf32, #tpu.memory_space<vmem>>, vector<1x1000x1xf32>
    %get3A_16 = vector.shape_cast %get3A_15 : vector<1x1000x1xf32> to vector<1000x1xf32>
    %get3A_17 = arith.constant 1 : index
    %get3A_18 = arith.constant 0 : index
    %get3A_19 = arith.constant 0 : index
    %get3A_20 = vector.load %arg3[%get3A_17, %get3A_18, %get3A_19] : memref<2x1000x1xf32, #tpu.memory_space<vmem>>, vector<1x1000x1xf32>
    %get3A_21 = vector.shape_cast %get3A_20 : vector<1x1000x1xf32> to vector<1000x1xf32>
    %add3A_22 = arith.addf %get3A_16, %get3A_21 : vector<1000x1xf32>
    %max3A = arith.constant 1.000000e+00 : f32
    %max3A_23 = vector.broadcast %max3A : f32 to vector<1000x1xf32>
    %max3A_24 = arith.maximumf %add3A_22, %max3A_23 : vector<1000x1xf32>
    %div3A = vector.broadcast %max3A_24 : vector<1000x1xf32> to vector<1000x128xf32>
    %div3A_25 = arith.divf %add3A, %div3A : vector<1000x128xf32>
    %convert_element_type3A = arith.truncf %get3A_1 : vector<1000x128xf32> to vector<1000x128xbf16>
    %get3A_26 = arith.constant 0 : index
    %get3A_27 = arith.constant 0 : index
    %get3A_28 = vector.load %arg4[%get3A_26, %get3A_27] : memref<128x128xf32, #tpu.memory_space<vmem>>, vector<128x128xf32>
    %convert_element_type3A_29 = arith.truncf %get3A_28 : vector<128x128xf32> to vector<128x128xbf16>
    %dot_general3A = arith.constant dense<0.000000e+00> : vector<1000x128xf32>
    %dot_general3A_30 = tpu.matmul %convert_element_type3A, %convert_element_type3A_29, %dot_general3A {dimension_numbers = #tpu.dot_dimension_numbers<[1], [0], [0], [1], [0, 0, 1, 1], [], []>, transpose_lhs_hint = false} : vector<1000x128xbf16>, vector<128x128xbf16>, vector<1000x128xf32> -> vector<1000x128xf32>
    %convert_element_type3A_31 = arith.truncf %div3A_25 : vector<1000x128xf32> to vector<1000x128xbf16>
    %get3A_32 = arith.constant 0 : index
    %get3A_33 = arith.constant 0 : index
    %get3A_34 = vector.load %arg5[%get3A_32, %get3A_33] : memref<128x128xf32, #tpu.memory_space<vmem>>, vector<128x128xf32>
    %convert_element_type3A_35 = arith.truncf %get3A_34 : vector<128x128xf32> to vector<128x128xbf16>
    %dot_general3A_36 = arith.constant dense<0.000000e+00> : vector<1000x128xf32>
    %dot_general3A_37 = tpu.matmul %convert_element_type3A_31, %convert_element_type3A_35, %dot_general3A_36 {dimension_numbers = #tpu.dot_dimension_numbers<[1], [0], [0], [1], [0, 0, 1, 1], [], []>, transpose_lhs_hint = false} : vector<1000x128xbf16>, vector<128x128xbf16>, vector<1000x128xf32> -> vector<1000x128xf32>
    %add3A_38 = arith.addf %dot_general3A_30, %dot_general3A_37 : vector<1000x128xf32>
    %get3A_39 = arith.constant 0 : index
    %get3A_40 = arith.constant 0 : index
    %get3A_41 = vector.load %arg6[%get3A_39, %get3A_40] : memref<1x128xf32, #tpu.memory_space<vmem>>, vector<1x128xf32>
    %add3A_42 = vector.broadcast %get3A_41 : vector<1x128xf32> to vector<1000x128xf32>
    %add3A_43 = arith.addf %add3A_38, %add3A_42 : vector<1000x128xf32>
    %max3A_44 = arith.constant 0.000000e+00 : f32
    %max3A_45 = vector.broadcast %max3A_44 : f32 to vector<1000x128xf32>
    %max3A_46 = arith.maximumf %add3A_43, %max3A_45 : vector<1000x128xf32>
    %swap3A = arith.constant 0 : index
    %swap3A_47 = arith.constant 0 : index
    %swap3A_48 = vector.load %arg9[%swap3A, %swap3A_47] : memref<1000x128xf32, #tpu.memory_space<vmem>>, vector<1000x128xf32>
    tpu.vector_store %arg9[%swap3A, %swap3A_47], %max3A_46 {strides = array<i32>} : memref<1000x128xf32, #tpu.memory_space<vmem>>, vector<1000x128xf32>,
    %convert_element_type3A_49 = arith.truncf %max3A_46 : vector<1000x128xf32> to vector<1000x128xbf16>
    %get3A_50 = arith.constant 0 : index
    %get3A_51 = arith.constant 0 : index
    %get3A_52 = vector.load %arg7[%get3A_50, %get3A_51] : memref<128x1xf32, #tpu.memory_space<vmem>>, vector<128x1xf32>
    %convert_element_type3A_53 = arith.truncf %get3A_52 : vector<128x1xf32> to vector<128x1xbf16>
    %dot_general3A_54 = arith.constant dense<0.000000e+00> : vector<1000x1xf32>
    %dot_general3A_55 = tpu.matmul %convert_element_type3A_49, %convert_element_type3A_53, %dot_general3A_54 {dimension_numbers = #tpu.dot_dimension_numbers<[1], [0], [0], [1], [0, 0, 1, 1], [], []>, transpose_lhs_hint = false} : vector<1000x128xbf16>, vector<128x1xbf16>, vector<1000x1xf32> -> vector<1000x1xf32>
    %swap3A_56 = arith.constant 0 : index
    %swap3A_57 = arith.constant 0 : index
    %swap3A_58 = vector.load %arg10[%swap3A_56, %swap3A_57] : memref<1000x1xf32, #tpu.memory_space<vmem>>, vector<1000x1xf32>
    tpu.vector_store %arg10[%swap3A_56, %swap3A_57], %dot_general3A_55 {strides = array<i32>} : memref<1000x1xf32, #tpu.memory_space<vmem>>, vector<1000x1xf32>,
    %convert_element_type3A_59 = arith.truncf %max3A_46 : vector<1000x128xf32> to vector<1000x128xbf16>
    %get3A_60 = arith.constant 0 : index
    %get3A_61 = arith.constant 0 : index
    %get3A_62 = vector.load %arg8[%get3A_60, %get3A_61] : memref<128x1xf32, #tpu.memory_space<vmem>>, vector<128x1xf32>
    %convert_element_type3A_63 = arith.truncf %get3A_62 : vector<128x1xf32> to vector<128x1xbf16>
    %dot_general3A_64 = arith.constant dense<0.000000e+00> : vector<1000x1xf32>
    %dot_general3A_65 = tpu.matmul %convert_element_type3A_59, %convert_element_type3A_63, %dot_general3A_64 {dimension_numbers = #tpu.dot_dimension_numbers<[1], [0], [0], [1], [0, 0, 1, 1], [], []>, transpose_lhs_hint = false} : vector<1000x128xbf16>, vector<128x1xbf16>, vector<1000x1xf32> -> vector<1000x1xf32>
    %swap3A_66 = arith.constant 0 : index
    %swap3A_67 = arith.constant 0 : index
    %swap3A_68 = vector.load %arg11[%swap3A_66, %swap3A_67] : memref<1000x1xf32, #tpu.memory_space<vmem>>, vector<1000x1xf32>
    tpu.vector_store %arg11[%swap3A_66, %swap3A_67], %dot_general3A_65 {strides = array<i32>} : memref<1000x1xf32, #tpu.memory_space<vmem>>, vector<1000x1xf32>,
    return
  }
  func.func @transform_0(%arg0: i32) -> (i32, i32) {
    %c0_i32 = arith.constant 0 : i32
    %c0_i32_0 = arith.constant 0 : i32
    return %arg0, %c0_i32 : i32, i32
  }
  func.func @transform_1(%arg0: i32) -> (i32, i32, i32) {
    %c0_i32 = arith.constant 0 : i32
    %c0_i32_0 = arith.constant 0 : i32
    %c0_i32_1 = arith.constant 0 : i32
    return %c0_i32, %arg0, %c0_i32_0 : i32, i32, i32
  }
  func.func @transform_2(%arg0: i32) -> (i32, i32, i32) {
    %c0_i32 = arith.constant 0 : i32
    %c0_i32_0 = arith.constant 0 : i32
    %c0_i32_1 = arith.constant 0 : i32
    return %c0_i32, %arg0, %c0_i32_0 : i32, i32, i32
  }
  func.func @transform_3(%arg0: i32) -> (i32, i32) {
    %c0_i32 = arith.constant 0 : i32
    %c0_i32_0 = arith.constant 0 : i32
    %c0_i32_1 = arith.constant 0 : i32
    return %c0_i32, %c0_i32_0 : i32, i32
  }
  func.func @transform_4(%arg0: i32) -> (i32, i32) {
    %c0_i32 = arith.constant 0 : i32
    %c0_i32_0 = arith.constant 0 : i32
    %c0_i32_1 = arith.constant 0 : i32
    return %c0_i32, %c0_i32_0 : i32, i32
  }
  func.func @transform_5(%arg0: i32) -> (i32, i32) {
    %c0_i32 = arith.constant 0 : i32
    %c0_i32_0 = arith.constant 0 : i32
    %c0_i32_1 = arith.constant 0 : i32
    return %c0_i32, %c0_i32_0 : i32, i32
  }
  func.func @transform_6(%arg0: i32) -> (i32, i32) {
    %c0_i32 = arith.constant 0 : i32
    %c0_i32_0 = arith.constant 0 : i32
    %c0_i32_1 = arith.constant 0 : i32
    return %c0_i32, %c0_i32_0 : i32, i32
  }
  func.func @transform_7(%arg0: i32) -> (i32, i32) {
    %c0_i32 = arith.constant 0 : i32
    %c0_i32_0 = arith.constant 0 : i32
    %c0_i32_1 = arith.constant 0 : i32
    return %c0_i32, %c0_i32_0 : i32, i32
  }
  func.func @transform_8(%arg0: i32) -> (i32, i32) {
    %c0_i32 = arith.constant 0 : i32
    %c0_i32_0 = arith.constant 0 : i32
    return %arg0, %c0_i32 : i32, i32
  }
  func.func @transform_9(%arg0: i32) -> (i32, i32) {
    %c0_i32 = arith.constant 0 : i32
    %c0_i32_0 = arith.constant 0 : i32
    return %arg0, %c0_i32 : i32, i32
  }
  func.func @transform_10(%arg0: i32) -> (i32, i32) {
    %c0_i32 = arith.constant 0 : i32
    %c0_i32_0 = arith.constant 0 : i32
    return %arg0, %c0_i32 : i32, i32
  }
}

module attributes {stable_mosaic.version = 14 : i64} {
  func.func @_tc_a2_body(%arg0: i32, %arg1: memref<2x1000x128xf32, #tpu.memory_space<vmem>>, %arg2: memref<128x1xf32, #tpu.memory_space<vmem>>, %arg3: memref<1000x1xf32, #tpu.memory_space<vmem>>) attributes {dimension_semantics = [#tpu.dimension_semantics<arbitrary>], iteration_bounds = array<i64: 10>, scalar_prefetch = 0 : i64, scratch_operands = 0 : i64, tpu.core_type = #tpu.core_type<tc>, window_params = [{transform_indices = @transform_0, window_bounds = array<i64: 2, 1000, 128>}, {pipeline_mode = #tpu.pipeline_mode<synchronous>, transform_indices = @transform_1, window_bounds = array<i64: 128, 1>}, {transform_indices = @transform_2, window_bounds = array<i64: 1000, 1>}]} {
    %get3A = arith.constant 0 : index
    %get3A_0 = arith.constant 0 : index
    %get3A_1 = arith.constant 0 : index
    %get3A_2 = vector.load %arg1[%get3A, %get3A_0, %get3A_1] : memref<2x1000x128xf32, #tpu.memory_space<vmem>>, vector<1x1000x128xf32>
    %get3A_3 = vector.shape_cast %get3A_2 : vector<1x1000x128xf32> to vector<1000x128xf32>
    %get3A_4 = arith.constant 1 : index
    %get3A_5 = arith.constant 0 : index
    %get3A_6 = arith.constant 0 : index
    %get3A_7 = vector.load %arg1[%get3A_4, %get3A_5, %get3A_6] : memref<2x1000x128xf32, #tpu.memory_space<vmem>>, vector<1x1000x128xf32>
    %get3A_8 = vector.shape_cast %get3A_7 : vector<1x1000x128xf32> to vector<1000x128xf32>
    %add3A = arith.addf %get3A_3, %get3A_8 : vector<1000x128xf32>
    %convert_element_type3A = arith.truncf %add3A : vector<1000x128xf32> to vector<1000x128xbf16>
    %get3A_9 = arith.constant 0 : index
    %get3A_10 = arith.constant 0 : index
    %get3A_11 = vector.load %arg2[%get3A_9, %get3A_10] : memref<128x1xf32, #tpu.memory_space<vmem>>, vector<128x1xf32>
    %convert_element_type3A_12 = arith.truncf %get3A_11 : vector<128x1xf32> to vector<128x1xbf16>
    %dot_general3A = arith.constant dense<0.000000e+00> : vector<1000x1xf32>
    %dot_general3A_13 = tpu.matmul %convert_element_type3A, %convert_element_type3A_12, %dot_general3A {dimension_numbers = #tpu.dot_dimension_numbers<[1], [0], [0], [1], [0, 0, 1, 1], [], []>, transpose_lhs_hint = false} : vector<1000x128xbf16>, vector<128x1xbf16>, vector<1000x1xf32> -> vector<1000x1xf32>
    %swap3A = arith.constant 0 : index
    %swap3A_14 = arith.constant 0 : index
    %swap3A_15 = vector.load %arg3[%swap3A, %swap3A_14] : memref<1000x1xf32, #tpu.memory_space<vmem>>, vector<1000x1xf32>
    tpu.vector_store %arg3[%swap3A, %swap3A_14], %dot_general3A_13 {strides = array<i32>} : memref<1000x1xf32, #tpu.memory_space<vmem>>, vector<1000x1xf32>,
    return
  }
  func.func @transform_0(%arg0: i32) -> (i32, i32, i32) {
    %c0_i32 = arith.constant 0 : i32
    %c0_i32_0 = arith.constant 0 : i32
    %c0_i32_1 = arith.constant 0 : i32
    return %c0_i32, %arg0, %c0_i32_0 : i32, i32, i32
  }
  func.func @transform_1(%arg0: i32) -> (i32, i32) {
    %c0_i32 = arith.constant 0 : i32
    %c0_i32_0 = arith.constant 0 : i32
    %c0_i32_1 = arith.constant 0 : i32
    return %c0_i32, %c0_i32_0 : i32, i32
  }
  func.func @transform_2(%arg0: i32) -> (i32, i32) {
    %c0_i32 = arith.constant 0 : i32
    %c0_i32_0 = arith.constant 0 : i32
    return %arg0, %c0_i32 : i32, i32
  }
}

module attributes {stable_mosaic.version = 14 : i64} {
  func.func @_tc_b_body(%arg0: memref<200x50x128xf32, #tpu.memory_space<vmem>>, %arg1: memref<200x50xf32, #tpu.memory_space<vmem>>, %arg2: memref<200x50xf32, #tpu.memory_space<vmem>>, %arg3: memref<1x1xf32, #tpu.memory_space<vmem>>, %arg4: memref<1x128xf32, #tpu.memory_space<vmem>>, %arg5: memref<1x128xf32, #tpu.memory_space<vmem>>, %arg6: memref<128x4xf32, #tpu.memory_space<vmem>>, %arg7: memref<1x4xf32, #tpu.memory_space<vmem>>, %arg8: memref<200x4xf32, #tpu.memory_space<vmem>>) attributes {dimension_semantics = [], scalar_prefetch = 0 : i64, scratch_operands = 0 : i64, tpu.core_type = #tpu.core_type<tc>} {
    %get3A = arith.constant 0 : index
    %get3A_0 = arith.constant 0 : index
    %get3A_1 = vector.load %arg1[%get3A, %get3A_0] : memref<200x50xf32, #tpu.memory_space<vmem>>, vector<200x50xf32>
    %get3A_2 = arith.constant 0 : index
    %get3A_3 = arith.constant 0 : index
    %get3A_4 = vector.load %arg2[%get3A_2, %get3A_3] : memref<200x50xf32, #tpu.memory_space<vmem>>, vector<200x50xf32>
    %add3A = arith.addf %get3A_1, %get3A_4 : vector<200x50xf32>
    %get3A_5 = arith.constant 0 : index
    %get3A_6 = arith.constant 0 : index
    %get3A_7 = vector.load %arg3[%get3A_5, %get3A_6] : memref<1x1xf32, #tpu.memory_space<vmem>>, vector<1x1xf32>
    %get3A_8 = vector.extract %get3A_7[0, 0] : f32 from vector<1x1xf32>
    %add3A_9 = vector.broadcast %get3A_8 : f32 to vector<200x50xf32>
    %add3A_10 = arith.addf %add3A, %add3A_9 : vector<200x50xf32>
    %iota3A = tpu.iota {dimensions = array<i32: 1>} : vector<200x50xi32>
    %broadcast_in_dim3A = arith.constant false
    %broadcast_in_dim3A_11 = vector.broadcast %broadcast_in_dim3A : i1 to vector<200x50xi1>
    %jit3A = arith.constant 0xFF800000 : f32
    %broadcast_in_dim3A_12 = vector.broadcast %jit3A : f32 to vector<200x50xf32>
    %select_n3A = arith.select %broadcast_in_dim3A_11, %broadcast_in_dim3A_12, %add3A_10 : vector<200x50xi1>, vector<200x50xf32>
    %reduce_max3A = arith.constant dense<0xFF800000> : vector<200xf32>
    %reduce_max3A_13 = vector.multi_reduction <maximumf>, %select_n3A, %reduce_max3A [1] : vector<200x50xf32> to vector<200xf32>
    %broadcast_in_dim3A_14 = vector.shape_cast %reduce_max3A_13 : vector<200xf32> to vector<200x1xf32>
    %eq3A = vector.broadcast %broadcast_in_dim3A_14 : vector<200x1xf32> to vector<200x50xf32>
    %eq3A_15 = arith.cmpf oeq, %select_n3A, %eq3A : vector<200x50xf32>
    %jit3A_16 = arith.constant 50 : i32
    %broadcast_in_dim3A_17 = vector.broadcast %jit3A_16 : i32 to vector<200x50xi32>
    %select_n3A_18 = arith.select %eq3A_15, %iota3A, %broadcast_in_dim3A_17 : vector<200x50xi1>, vector<200x50xi32>
    %reduce_min3A = arith.constant dense<2147483647> : vector<200xi32>
    %reduce_min3A_19 = vector.multi_reduction <minsi>, %select_n3A_18, %reduce_min3A [1] : vector<200x50xi32> to vector<200xi32>
    %broadcast_in_dim3A_20 = vector.shape_cast %reduce_min3A_19 : vector<200xi32> to vector<200x1xi32>
    %eq3A_21 = vector.broadcast %broadcast_in_dim3A_20 : vector<200x1xi32> to vector<200x50xi32>
    %eq3A_22 = arith.cmpi eq, %iota3A, %eq3A_21 : vector<200x50xi32>
    %or3A = arith.ori %broadcast_in_dim3A_11, %eq3A_22 : vector<200x50xi1>
    %jit3A_23 = arith.constant 0xFF800000 : f32
    %broadcast_in_dim3A_24 = vector.broadcast %jit3A_23 : f32 to vector<200x50xf32>
    %select_n3A_25 = arith.select %or3A, %broadcast_in_dim3A_24, %add3A_10 : vector<200x50xi1>, vector<200x50xf32>
    %reduce_max3A_26 = arith.constant dense<0xFF800000> : vector<200xf32>
    %reduce_max3A_27 = vector.multi_reduction <maximumf>, %select_n3A_25, %reduce_max3A_26 [1] : vector<200x50xf32> to vector<200xf32>
    %broadcast_in_dim3A_28 = vector.shape_cast %reduce_max3A_27 : vector<200xf32> to vector<200x1xf32>
    %eq3A_29 = vector.broadcast %broadcast_in_dim3A_28 : vector<200x1xf32> to vector<200x50xf32>
    %eq3A_30 = arith.cmpf oeq, %select_n3A_25, %eq3A_29 : vector<200x50xf32>
    %jit3A_31 = arith.constant 50 : i32
    %broadcast_in_dim3A_32 = vector.broadcast %jit3A_31 : i32 to vector<200x50xi32>
    %select_n3A_33 = arith.select %eq3A_30, %iota3A, %broadcast_in_dim3A_32 : vector<200x50xi1>, vector<200x50xi32>
    %reduce_min3A_34 = arith.constant dense<2147483647> : vector<200xi32>
    %reduce_min3A_35 = vector.multi_reduction <minsi>, %select_n3A_33, %reduce_min3A_34 [1] : vector<200x50xi32> to vector<200xi32>
    %broadcast_in_dim3A_36 = vector.shape_cast %reduce_min3A_35 : vector<200xi32> to vector<200x1xi32>
    %eq3A_37 = vector.broadcast %broadcast_in_dim3A_36 : vector<200x1xi32> to vector<200x50xi32>
    %eq3A_38 = arith.cmpi eq, %iota3A, %eq3A_37 : vector<200x50xi32>
    %or3A_39 = arith.ori %or3A, %eq3A_38 : vector<200x50xi1>
    %jit3A_40 = arith.constant 0xFF800000 : f32
    %broadcast_in_dim3A_41 = vector.broadcast %jit3A_40 : f32 to vector<200x50xf32>
    %select_n3A_42 = arith.select %or3A_39, %broadcast_in_dim3A_41, %add3A_10 : vector<200x50xi1>, vector<200x50xf32>
    %reduce_max3A_43 = arith.constant dense<0xFF800000> : vector<200xf32>
    %reduce_max3A_44 = vector.multi_reduction <maximumf>, %select_n3A_42, %reduce_max3A_43 [1] : vector<200x50xf32> to vector<200xf32>
    %broadcast_in_dim3A_45 = vector.shape_cast %reduce_max3A_44 : vector<200xf32> to vector<200x1xf32>
    %eq3A_46 = vector.broadcast %broadcast_in_dim3A_45 : vector<200x1xf32> to vector<200x50xf32>
    %eq3A_47 = arith.cmpf oeq, %select_n3A_42, %eq3A_46 : vector<200x50xf32>
    %jit3A_48 = arith.constant 50 : i32
    %broadcast_in_dim3A_49 = vector.broadcast %jit3A_48 : i32 to vector<200x50xi32>
    %select_n3A_50 = arith.select %eq3A_47, %iota3A, %broadcast_in_dim3A_49 : vector<200x50xi1>, vector<200x50xi32>
    %reduce_min3A_51 = arith.constant dense<2147483647> : vector<200xi32>
    %reduce_min3A_52 = vector.multi_reduction <minsi>, %select_n3A_50, %reduce_min3A_51 [1] : vector<200x50xi32> to vector<200xi32>
    %broadcast_in_dim3A_53 = vector.shape_cast %reduce_min3A_52 : vector<200xi32> to vector<200x1xi32>
    %eq3A_54 = vector.broadcast %broadcast_in_dim3A_53 : vector<200x1xi32> to vector<200x50xi32>
    %eq3A_55 = arith.cmpi eq, %iota3A, %eq3A_54 : vector<200x50xi32>
    %or3A_56 = arith.ori %or3A_39, %eq3A_55 : vector<200x50xi1>
    %jit3A_57 = arith.constant 0xFF800000 : f32
    %broadcast_in_dim3A_58 = vector.broadcast %jit3A_57 : f32 to vector<200x50xf32>
    %select_n3A_59 = arith.select %or3A_56, %broadcast_in_dim3A_58, %add3A_10 : vector<200x50xi1>, vector<200x50xf32>
    %reduce_max3A_60 = arith.constant dense<0xFF800000> : vector<200xf32>
    %reduce_max3A_61 = vector.multi_reduction <maximumf>, %select_n3A_59, %reduce_max3A_60 [1] : vector<200x50xf32> to vector<200xf32>
    %broadcast_in_dim3A_62 = vector.shape_cast %reduce_max3A_61 : vector<200xf32> to vector<200x1xf32>
    %eq3A_63 = vector.broadcast %broadcast_in_dim3A_62 : vector<200x1xf32> to vector<200x50xf32>
    %eq3A_64 = arith.cmpf oeq, %select_n3A_59, %eq3A_63 : vector<200x50xf32>
    %jit3A_65 = arith.constant 50 : i32
    %broadcast_in_dim3A_66 = vector.broadcast %jit3A_65 : i32 to vector<200x50xi32>
    %select_n3A_67 = arith.select %eq3A_64, %iota3A, %broadcast_in_dim3A_66 : vector<200x50xi1>, vector<200x50xi32>
    %reduce_min3A_68 = arith.constant dense<2147483647> : vector<200xi32>
    %reduce_min3A_69 = vector.multi_reduction <minsi>, %select_n3A_67, %reduce_min3A_68 [1] : vector<200x50xi32> to vector<200xi32>
    %broadcast_in_dim3A_70 = vector.shape_cast %reduce_min3A_69 : vector<200xi32> to vector<200x1xi32>
    %eq3A_71 = vector.broadcast %broadcast_in_dim3A_70 : vector<200x1xi32> to vector<200x50xi32>
    %eq3A_72 = arith.cmpi eq, %iota3A, %eq3A_71 : vector<200x50xi32>
    %or3A_73 = arith.ori %or3A_56, %eq3A_72 : vector<200x50xi1>
    %jit3A_74 = arith.constant 0xFF800000 : f32
    %broadcast_in_dim3A_75 = vector.broadcast %jit3A_74 : f32 to vector<200x50xf32>
    %select_n3A_76 = arith.select %or3A_73, %broadcast_in_dim3A_75, %add3A_10 : vector<200x50xi1>, vector<200x50xf32>
    %reduce_max3A_77 = arith.constant dense<0xFF800000> : vector<200xf32>
    %reduce_max3A_78 = vector.multi_reduction <maximumf>, %select_n3A_76, %reduce_max3A_77 [1] : vector<200x50xf32> to vector<200xf32>
    %broadcast_in_dim3A_79 = vector.shape_cast %reduce_max3A_78 : vector<200xf32> to vector<200x1xf32>
    %eq3A_80 = vector.broadcast %broadcast_in_dim3A_79 : vector<200x1xf32> to vector<200x50xf32>
    %eq3A_81 = arith.cmpf oeq, %select_n3A_76, %eq3A_80 : vector<200x50xf32>
    %jit3A_82 = arith.constant 50 : i32
    %broadcast_in_dim3A_83 = vector.broadcast %jit3A_82 : i32 to vector<200x50xi32>
    %select_n3A_84 = arith.select %eq3A_81, %iota3A, %broadcast_in_dim3A_83 : vector<200x50xi1>, vector<200x50xi32>
    %reduce_min3A_85 = arith.constant dense<2147483647> : vector<200xi32>
    %reduce_min3A_86 = vector.multi_reduction <minsi>, %select_n3A_84, %reduce_min3A_85 [1] : vector<200x50xi32> to vector<200xi32>
    %broadcast_in_dim3A_87 = vector.shape_cast %reduce_min3A_86 : vector<200xi32> to vector<200x1xi32>
    %eq3A_88 = vector.broadcast %broadcast_in_dim3A_87 : vector<200x1xi32> to vector<200x50xi32>
    %eq3A_89 = arith.cmpi eq, %iota3A, %eq3A_88 : vector<200x50xi32>
    %or3A_90 = arith.ori %or3A_73, %eq3A_89 : vector<200x50xi1>
    %jit3A_91 = arith.constant 0xFF800000 : f32
    %broadcast_in_dim3A_92 = vector.broadcast %jit3A_91 : f32 to vector<200x50xf32>
    %select_n3A_93 = arith.select %or3A_90, %broadcast_in_dim3A_92, %add3A_10 : vector<200x50xi1>, vector<200x50xf32>
    %reduce_max3A_94 = arith.constant dense<0xFF800000> : vector<200xf32>
    %reduce_max3A_95 = vector.multi_reduction <maximumf>, %select_n3A_93, %reduce_max3A_94 [1] : vector<200x50xf32> to vector<200xf32>
    %broadcast_in_dim3A_96 = vector.shape_cast %reduce_max3A_95 : vector<200xf32> to vector<200x1xf32>
    %eq3A_97 = vector.broadcast %broadcast_in_dim3A_96 : vector<200x1xf32> to vector<200x50xf32>
    %eq3A_98 = arith.cmpf oeq, %select_n3A_93, %eq3A_97 : vector<200x50xf32>
    %jit3A_99 = arith.constant 50 : i32
    %broadcast_in_dim3A_100 = vector.broadcast %jit3A_99 : i32 to vector<200x50xi32>
    %select_n3A_101 = arith.select %eq3A_98, %iota3A, %broadcast_in_dim3A_100 : vector<200x50xi1>, vector<200x50xi32>
    %reduce_min3A_102 = arith.constant dense<2147483647> : vector<200xi32>
    %reduce_min3A_103 = vector.multi_reduction <minsi>, %select_n3A_101, %reduce_min3A_102 [1] : vector<200x50xi32> to vector<200xi32>
    %broadcast_in_dim3A_104 = vector.shape_cast %reduce_min3A_103 : vector<200xi32> to vector<200x1xi32>
    %eq3A_105 = vector.broadcast %broadcast_in_dim3A_104 : vector<200x1xi32> to vector<200x50xi32>
    %eq3A_106 = arith.cmpi eq, %iota3A, %eq3A_105 : vector<200x50xi32>
    %or3A_107 = arith.ori %or3A_90, %eq3A_106 : vector<200x50xi1>
    %jit3A_108 = arith.constant 0xFF800000 : f32
    %broadcast_in_dim3A_109 = vector.broadcast %jit3A_108 : f32 to vector<200x50xf32>
    %select_n3A_110 = arith.select %or3A_107, %broadcast_in_dim3A_109, %add3A_10 : vector<200x50xi1>, vector<200x50xf32>
    %reduce_max3A_111 = arith.constant dense<0xFF800000> : vector<200xf32>
    %reduce_max3A_112 = vector.multi_reduction <maximumf>, %select_n3A_110, %reduce_max3A_111 [1] : vector<200x50xf32> to vector<200xf32>
    %broadcast_in_dim3A_113 = vector.shape_cast %reduce_max3A_112 : vector<200xf32> to vector<200x1xf32>
    %eq3A_114 = vector.broadcast %broadcast_in_dim3A_113 : vector<200x1xf32> to vector<200x50xf32>
    %eq3A_115 = arith.cmpf oeq, %select_n3A_110, %eq3A_114 : vector<200x50xf32>
    %jit3A_116 = arith.constant 50 : i32
    %broadcast_in_dim3A_117 = vector.broadcast %jit3A_116 : i32 to vector<200x50xi32>
    %select_n3A_118 = arith.select %eq3A_115, %iota3A, %broadcast_in_dim3A_117 : vector<200x50xi1>, vector<200x50xi32>
    %reduce_min3A_119 = arith.constant dense<2147483647> : vector<200xi32>
    %reduce_min3A_120 = vector.multi_reduction <minsi>, %select_n3A_118, %reduce_min3A_119 [1] : vector<200x50xi32> to vector<200xi32>
    %broadcast_in_dim3A_121 = vector.shape_cast %reduce_min3A_120 : vector<200xi32> to vector<200x1xi32>
    %eq3A_122 = vector.broadcast %broadcast_in_dim3A_121 : vector<200x1xi32> to vector<200x50xi32>
    %eq3A_123 = arith.cmpi eq, %iota3A, %eq3A_122 : vector<200x50xi32>
    %or3A_124 = arith.ori %or3A_107, %eq3A_123 : vector<200x50xi1>
    %jit3A_125 = arith.constant 0xFF800000 : f32
    %broadcast_in_dim3A_126 = vector.broadcast %jit3A_125 : f32 to vector<200x50xf32>
    %select_n3A_127 = arith.select %or3A_124, %broadcast_in_dim3A_126, %add3A_10 : vector<200x50xi1>, vector<200x50xf32>
    %reduce_max3A_128 = arith.constant dense<0xFF800000> : vector<200xf32>
    %reduce_max3A_129 = vector.multi_reduction <maximumf>, %select_n3A_127, %reduce_max3A_128 [1] : vector<200x50xf32> to vector<200xf32>
    %broadcast_in_dim3A_130 = vector.shape_cast %reduce_max3A_129 : vector<200xf32> to vector<200x1xf32>
    %eq3A_131 = vector.broadcast %broadcast_in_dim3A_130 : vector<200x1xf32> to vector<200x50xf32>
    %eq3A_132 = arith.cmpf oeq, %select_n3A_127, %eq3A_131 : vector<200x50xf32>
    %jit3A_133 = arith.constant 50 : i32
    %broadcast_in_dim3A_134 = vector.broadcast %jit3A_133 : i32 to vector<200x50xi32>
    %select_n3A_135 = arith.select %eq3A_132, %iota3A, %broadcast_in_dim3A_134 : vector<200x50xi1>, vector<200x50xi32>
    %reduce_min3A_136 = arith.constant dense<2147483647> : vector<200xi32>
    %reduce_min3A_137 = vector.multi_reduction <minsi>, %select_n3A_135, %reduce_min3A_136 [1] : vector<200x50xi32> to vector<200xi32>
    %broadcast_in_dim3A_138 = vector.shape_cast %reduce_min3A_137 : vector<200xi32> to vector<200x1xi32>
    %eq3A_139 = vector.broadcast %broadcast_in_dim3A_138 : vector<200x1xi32> to vector<200x50xi32>
    %eq3A_140 = arith.cmpi eq, %iota3A, %eq3A_139 : vector<200x50xi32>
    %or3A_141 = arith.ori %or3A_124, %eq3A_140 : vector<200x50xi1>
    %jit3A_142 = arith.constant 0xFF800000 : f32
    %broadcast_in_dim3A_143 = vector.broadcast %jit3A_142 : f32 to vector<200x50xf32>
    %select_n3A_144 = arith.select %or3A_141, %broadcast_in_dim3A_143, %add3A_10 : vector<200x50xi1>, vector<200x50xf32>
    %reduce_max3A_145 = arith.constant dense<0xFF800000> : vector<200xf32>
    %reduce_max3A_146 = vector.multi_reduction <maximumf>, %select_n3A_144, %reduce_max3A_145 [1] : vector<200x50xf32> to vector<200xf32>
    %broadcast_in_dim3A_147 = vector.shape_cast %reduce_max3A_146 : vector<200xf32> to vector<200x1xf32>
    %eq3A_148 = vector.broadcast %broadcast_in_dim3A_147 : vector<200x1xf32> to vector<200x50xf32>
    %eq3A_149 = arith.cmpf oeq, %select_n3A_144, %eq3A_148 : vector<200x50xf32>
    %jit3A_150 = arith.constant 50 : i32
    %broadcast_in_dim3A_151 = vector.broadcast %jit3A_150 : i32 to vector<200x50xi32>
    %select_n3A_152 = arith.select %eq3A_149, %iota3A, %broadcast_in_dim3A_151 : vector<200x50xi1>, vector<200x50xi32>
    %reduce_min3A_153 = arith.constant dense<2147483647> : vector<200xi32>
    %reduce_min3A_154 = vector.multi_reduction <minsi>, %select_n3A_152, %reduce_min3A_153 [1] : vector<200x50xi32> to vector<200xi32>
    %broadcast_in_dim3A_155 = vector.shape_cast %reduce_min3A_154 : vector<200xi32> to vector<200x1xi32>
    %eq3A_156 = vector.broadcast %broadcast_in_dim3A_155 : vector<200x1xi32> to vector<200x50xi32>
    %eq3A_157 = arith.cmpi eq, %iota3A, %eq3A_156 : vector<200x50xi32>
    %or3A_158 = arith.ori %or3A_141, %eq3A_157 : vector<200x50xi1>
    %jit3A_159 = arith.constant 0xFF800000 : f32
    %broadcast_in_dim3A_160 = vector.broadcast %jit3A_159 : f32 to vector<200x50xf32>
    %select_n3A_161 = arith.select %or3A_158, %broadcast_in_dim3A_160, %add3A_10 : vector<200x50xi1>, vector<200x50xf32>
    %reduce_max3A_162 = arith.constant dense<0xFF800000> : vector<200xf32>
    %reduce_max3A_163 = vector.multi_reduction <maximumf>, %select_n3A_161, %reduce_max3A_162 [1] : vector<200x50xf32> to vector<200xf32>
    %broadcast_in_dim3A_164 = vector.shape_cast %reduce_max3A_163 : vector<200xf32> to vector<200x1xf32>
    %eq3A_165 = vector.broadcast %broadcast_in_dim3A_164 : vector<200x1xf32> to vector<200x50xf32>
    %eq3A_166 = arith.cmpf oeq, %select_n3A_161, %eq3A_165 : vector<200x50xf32>
    %jit3A_167 = arith.constant 50 : i32
    %broadcast_in_dim3A_168 = vector.broadcast %jit3A_167 : i32 to vector<200x50xi32>
    %select_n3A_169 = arith.select %eq3A_166, %iota3A, %broadcast_in_dim3A_168 : vector<200x50xi1>, vector<200x50xi32>
    %reduce_min3A_170 = arith.constant dense<2147483647> : vector<200xi32>
    %reduce_min3A_171 = vector.multi_reduction <minsi>, %select_n3A_169, %reduce_min3A_170 [1] : vector<200x50xi32> to vector<200xi32>
    %broadcast_in_dim3A_172 = vector.shape_cast %reduce_min3A_171 : vector<200xi32> to vector<200x1xi32>
    %eq3A_173 = vector.broadcast %broadcast_in_dim3A_172 : vector<200x1xi32> to vector<200x50xi32>
    %eq3A_174 = arith.cmpi eq, %iota3A, %eq3A_173 : vector<200x50xi32>
    %or3A_175 = arith.ori %or3A_158, %eq3A_174 : vector<200x50xi1>
    %jit3A_176 = arith.constant 0xFF800000 : f32
    %broadcast_in_dim3A_177 = vector.broadcast %jit3A_176 : f32 to vector<200x50xf32>
    %select_n3A_178 = arith.select %or3A_175, %broadcast_in_dim3A_177, %add3A_10 : vector<200x50xi1>, vector<200x50xf32>
    %reduce_max3A_179 = arith.constant dense<0xFF800000> : vector<200xf32>
    %reduce_max3A_180 = vector.multi_reduction <maximumf>, %select_n3A_178, %reduce_max3A_179 [1] : vector<200x50xf32> to vector<200xf32>
    %broadcast_in_dim3A_181 = vector.shape_cast %reduce_max3A_180 : vector<200xf32> to vector<200x1xf32>
    %eq3A_182 = vector.broadcast %broadcast_in_dim3A_181 : vector<200x1xf32> to vector<200x50xf32>
    %eq3A_183 = arith.cmpf oeq, %select_n3A_178, %eq3A_182 : vector<200x50xf32>
    %jit3A_184 = arith.constant 50 : i32
    %broadcast_in_dim3A_185 = vector.broadcast %jit3A_184 : i32 to vector<200x50xi32>
    %select_n3A_186 = arith.select %eq3A_183, %iota3A, %broadcast_in_dim3A_185 : vector<200x50xi1>, vector<200x50xi32>
    %reduce_min3A_187 = arith.constant dense<2147483647> : vector<200xi32>
    %reduce_min3A_188 = vector.multi_reduction <minsi>, %select_n3A_186, %reduce_min3A_187 [1] : vector<200x50xi32> to vector<200xi32>
    %broadcast_in_dim3A_189 = vector.shape_cast %reduce_min3A_188 : vector<200xi32> to vector<200x1xi32>
    %eq3A_190 = vector.broadcast %broadcast_in_dim3A_189 : vector<200x1xi32> to vector<200x50xi32>
    %eq3A_191 = arith.cmpi eq, %iota3A, %eq3A_190 : vector<200x50xi32>
    %or3A_192 = arith.ori %or3A_175, %eq3A_191 : vector<200x50xi1>
    %jit3A_193 = arith.constant 0xFF800000 : f32
    %broadcast_in_dim3A_194 = vector.broadcast %jit3A_193 : f32 to vector<200x50xf32>
    %select_n3A_195 = arith.select %or3A_192, %broadcast_in_dim3A_194, %add3A_10 : vector<200x50xi1>, vector<200x50xf32>
    %reduce_max3A_196 = arith.constant dense<0xFF800000> : vector<200xf32>
    %reduce_max3A_197 = vector.multi_reduction <maximumf>, %select_n3A_195, %reduce_max3A_196 [1] : vector<200x50xf32> to vector<200xf32>
    %broadcast_in_dim3A_198 = vector.shape_cast %reduce_max3A_197 : vector<200xf32> to vector<200x1xf32>
    %eq3A_199 = vector.broadcast %broadcast_in_dim3A_198 : vector<200x1xf32> to vector<200x50xf32>
    %eq3A_200 = arith.cmpf oeq, %select_n3A_195, %eq3A_199 : vector<200x50xf32>
    %jit3A_201 = arith.constant 50 : i32
    %broadcast_in_dim3A_202 = vector.broadcast %jit3A_201 : i32 to vector<200x50xi32>
    %select_n3A_203 = arith.select %eq3A_200, %iota3A, %broadcast_in_dim3A_202 : vector<200x50xi1>, vector<200x50xi32>
    %reduce_min3A_204 = arith.constant dense<2147483647> : vector<200xi32>
    %reduce_min3A_205 = vector.multi_reduction <minsi>, %select_n3A_203, %reduce_min3A_204 [1] : vector<200x50xi32> to vector<200xi32>
    %broadcast_in_dim3A_206 = vector.shape_cast %reduce_min3A_205 : vector<200xi32> to vector<200x1xi32>
    %eq3A_207 = vector.broadcast %broadcast_in_dim3A_206 : vector<200x1xi32> to vector<200x50xi32>
    %eq3A_208 = arith.cmpi eq, %iota3A, %eq3A_207 : vector<200x50xi32>
    %or3A_209 = arith.ori %or3A_192, %eq3A_208 : vector<200x50xi1>
    %jit3A_210 = arith.constant 0xFF800000 : f32
    %broadcast_in_dim3A_211 = vector.broadcast %jit3A_210 : f32 to vector<200x50xf32>
    %select_n3A_212 = arith.select %or3A_209, %broadcast_in_dim3A_211, %add3A_10 : vector<200x50xi1>, vector<200x50xf32>
    %reduce_max3A_213 = arith.constant dense<0xFF800000> : vector<200xf32>
    %reduce_max3A_214 = vector.multi_reduction <maximumf>, %select_n3A_212, %reduce_max3A_213 [1] : vector<200x50xf32> to vector<200xf32>
    %broadcast_in_dim3A_215 = vector.shape_cast %reduce_max3A_214 : vector<200xf32> to vector<200x1xf32>
    %eq3A_216 = vector.broadcast %broadcast_in_dim3A_215 : vector<200x1xf32> to vector<200x50xf32>
    %eq3A_217 = arith.cmpf oeq, %select_n3A_212, %eq3A_216 : vector<200x50xf32>
    %jit3A_218 = arith.constant 50 : i32
    %broadcast_in_dim3A_219 = vector.broadcast %jit3A_218 : i32 to vector<200x50xi32>
    %select_n3A_220 = arith.select %eq3A_217, %iota3A, %broadcast_in_dim3A_219 : vector<200x50xi1>, vector<200x50xi32>
    %reduce_min3A_221 = arith.constant dense<2147483647> : vector<200xi32>
    %reduce_min3A_222 = vector.multi_reduction <minsi>, %select_n3A_220, %reduce_min3A_221 [1] : vector<200x50xi32> to vector<200xi32>
    %broadcast_in_dim3A_223 = vector.shape_cast %reduce_min3A_222 : vector<200xi32> to vector<200x1xi32>
    %eq3A_224 = vector.broadcast %broadcast_in_dim3A_223 : vector<200x1xi32> to vector<200x50xi32>
    %eq3A_225 = arith.cmpi eq, %iota3A, %eq3A_224 : vector<200x50xi32>
    %or3A_226 = arith.ori %or3A_209, %eq3A_225 : vector<200x50xi1>
    %jit3A_227 = arith.constant 0xFF800000 : f32
    %broadcast_in_dim3A_228 = vector.broadcast %jit3A_227 : f32 to vector<200x50xf32>
    %select_n3A_229 = arith.select %or3A_226, %broadcast_in_dim3A_228, %add3A_10 : vector<200x50xi1>, vector<200x50xf32>
    %reduce_max3A_230 = arith.constant dense<0xFF800000> : vector<200xf32>
    %reduce_max3A_231 = vector.multi_reduction <maximumf>, %select_n3A_229, %reduce_max3A_230 [1] : vector<200x50xf32> to vector<200xf32>
    %broadcast_in_dim3A_232 = vector.shape_cast %reduce_max3A_231 : vector<200xf32> to vector<200x1xf32>
    %eq3A_233 = vector.broadcast %broadcast_in_dim3A_232 : vector<200x1xf32> to vector<200x50xf32>
    %eq3A_234 = arith.cmpf oeq, %select_n3A_229, %eq3A_233 : vector<200x50xf32>
    %jit3A_235 = arith.constant 50 : i32
    %broadcast_in_dim3A_236 = vector.broadcast %jit3A_235 : i32 to vector<200x50xi32>
    %select_n3A_237 = arith.select %eq3A_234, %iota3A, %broadcast_in_dim3A_236 : vector<200x50xi1>, vector<200x50xi32>
    %reduce_min3A_238 = arith.constant dense<2147483647> : vector<200xi32>
    %reduce_min3A_239 = vector.multi_reduction <minsi>, %select_n3A_237, %reduce_min3A_238 [1] : vector<200x50xi32> to vector<200xi32>
    %broadcast_in_dim3A_240 = vector.shape_cast %reduce_min3A_239 : vector<200xi32> to vector<200x1xi32>
    %eq3A_241 = vector.broadcast %broadcast_in_dim3A_240 : vector<200x1xi32> to vector<200x50xi32>
    %eq3A_242 = arith.cmpi eq, %iota3A, %eq3A_241 : vector<200x50xi32>
    %or3A_243 = arith.ori %or3A_226, %eq3A_242 : vector<200x50xi1>
    %jit3A_244 = arith.constant 0xFF800000 : f32
    %broadcast_in_dim3A_245 = vector.broadcast %jit3A_244 : f32 to vector<200x50xf32>
    %select_n3A_246 = arith.select %or3A_243, %broadcast_in_dim3A_245, %add3A_10 : vector<200x50xi1>, vector<200x50xf32>
    %reduce_max3A_247 = arith.constant dense<0xFF800000> : vector<200xf32>
    %reduce_max3A_248 = vector.multi_reduction <maximumf>, %select_n3A_246, %reduce_max3A_247 [1] : vector<200x50xf32> to vector<200xf32>
    %broadcast_in_dim3A_249 = vector.shape_cast %reduce_max3A_248 : vector<200xf32> to vector<200x1xf32>
    %eq3A_250 = vector.broadcast %broadcast_in_dim3A_249 : vector<200x1xf32> to vector<200x50xf32>
    %eq3A_251 = arith.cmpf oeq, %select_n3A_246, %eq3A_250 : vector<200x50xf32>
    %jit3A_252 = arith.constant 50 : i32
    %broadcast_in_dim3A_253 = vector.broadcast %jit3A_252 : i32 to vector<200x50xi32>
    %select_n3A_254 = arith.select %eq3A_251, %iota3A, %broadcast_in_dim3A_253 : vector<200x50xi1>, vector<200x50xi32>
    %reduce_min3A_255 = arith.constant dense<2147483647> : vector<200xi32>
    %reduce_min3A_256 = vector.multi_reduction <minsi>, %select_n3A_254, %reduce_min3A_255 [1] : vector<200x50xi32> to vector<200xi32>
    %broadcast_in_dim3A_257 = vector.shape_cast %reduce_min3A_256 : vector<200xi32> to vector<200x1xi32>
    %eq3A_258 = vector.broadcast %broadcast_in_dim3A_257 : vector<200x1xi32> to vector<200x50xi32>
    %eq3A_259 = arith.cmpi eq, %iota3A, %eq3A_258 : vector<200x50xi32>
    %or3A_260 = arith.ori %or3A_243, %eq3A_259 : vector<200x50xi1>
    %jit3A_261 = arith.constant 0xFF800000 : f32
    %broadcast_in_dim3A_262 = vector.broadcast %jit3A_261 : f32 to vector<200x50xf32>
    %select_n3A_263 = arith.select %or3A_260, %broadcast_in_dim3A_262, %add3A_10 : vector<200x50xi1>, vector<200x50xf32>
    %reduce_max3A_264 = arith.constant dense<0xFF800000> : vector<200xf32>
    %reduce_max3A_265 = vector.multi_reduction <maximumf>, %select_n3A_263, %reduce_max3A_264 [1] : vector<200x50xf32> to vector<200xf32>
    %broadcast_in_dim3A_266 = vector.shape_cast %reduce_max3A_265 : vector<200xf32> to vector<200x1xf32>
    %eq3A_267 = vector.broadcast %broadcast_in_dim3A_266 : vector<200x1xf32> to vector<200x50xf32>
    %eq3A_268 = arith.cmpf oeq, %select_n3A_263, %eq3A_267 : vector<200x50xf32>
    %jit3A_269 = arith.constant 50 : i32
    %broadcast_in_dim3A_270 = vector.broadcast %jit3A_269 : i32 to vector<200x50xi32>
    %select_n3A_271 = arith.select %eq3A_268, %iota3A, %broadcast_in_dim3A_270 : vector<200x50xi1>, vector<200x50xi32>
    %reduce_min3A_272 = arith.constant dense<2147483647> : vector<200xi32>
    %reduce_min3A_273 = vector.multi_reduction <minsi>, %select_n3A_271, %reduce_min3A_272 [1] : vector<200x50xi32> to vector<200xi32>
    %broadcast_in_dim3A_274 = vector.shape_cast %reduce_min3A_273 : vector<200xi32> to vector<200x1xi32>
    %eq3A_275 = vector.broadcast %broadcast_in_dim3A_274 : vector<200x1xi32> to vector<200x50xi32>
    %eq3A_276 = arith.cmpi eq, %iota3A, %eq3A_275 : vector<200x50xi32>
    %or3A_277 = arith.ori %or3A_260, %eq3A_276 : vector<200x50xi1>
    %jit3A_278 = arith.constant 0xFF800000 : f32
    %broadcast_in_dim3A_279 = vector.broadcast %jit3A_278 : f32 to vector<200x50xf32>
    %select_n3A_280 = arith.select %or3A_277, %broadcast_in_dim3A_279, %add3A_10 : vector<200x50xi1>, vector<200x50xf32>
    %reduce_max3A_281 = arith.constant dense<0xFF800000> : vector<200xf32>
    %reduce_max3A_282 = vector.multi_reduction <maximumf>, %select_n3A_280, %reduce_max3A_281 [1] : vector<200x50xf32> to vector<200xf32>
    %broadcast_in_dim3A_283 = vector.shape_cast %reduce_max3A_282 : vector<200xf32> to vector<200x1xf32>
    %eq3A_284 = vector.broadcast %broadcast_in_dim3A_283 : vector<200x1xf32> to vector<200x50xf32>
    %eq3A_285 = arith.cmpf oeq, %select_n3A_280, %eq3A_284 : vector<200x50xf32>
    %jit3A_286 = arith.constant 50 : i32
    %broadcast_in_dim3A_287 = vector.broadcast %jit3A_286 : i32 to vector<200x50xi32>
    %select_n3A_288 = arith.select %eq3A_285, %iota3A, %broadcast_in_dim3A_287 : vector<200x50xi1>, vector<200x50xi32>
    %reduce_min3A_289 = arith.constant dense<2147483647> : vector<200xi32>
    %reduce_min3A_290 = vector.multi_reduction <minsi>, %select_n3A_288, %reduce_min3A_289 [1] : vector<200x50xi32> to vector<200xi32>
    %broadcast_in_dim3A_291 = vector.shape_cast %reduce_min3A_290 : vector<200xi32> to vector<200x1xi32>
    %eq3A_292 = vector.broadcast %broadcast_in_dim3A_291 : vector<200x1xi32> to vector<200x50xi32>
    %eq3A_293 = arith.cmpi eq, %iota3A, %eq3A_292 : vector<200x50xi32>
    %or3A_294 = arith.ori %or3A_277, %eq3A_293 : vector<200x50xi1>
    %jit3A_295 = arith.constant 0xFF800000 : f32
    %broadcast_in_dim3A_296 = vector.broadcast %jit3A_295 : f32 to vector<200x50xf32>
    %select_n3A_297 = arith.select %or3A_294, %broadcast_in_dim3A_296, %add3A_10 : vector<200x50xi1>, vector<200x50xf32>
    %reduce_max3A_298 = arith.constant dense<0xFF800000> : vector<200xf32>
    %reduce_max3A_299 = vector.multi_reduction <maximumf>, %select_n3A_297, %reduce_max3A_298 [1] : vector<200x50xf32> to vector<200xf32>
    %broadcast_in_dim3A_300 = vector.shape_cast %reduce_max3A_299 : vector<200xf32> to vector<200x1xf32>
    %eq3A_301 = vector.broadcast %broadcast_in_dim3A_300 : vector<200x1xf32> to vector<200x50xf32>
    %eq3A_302 = arith.cmpf oeq, %select_n3A_297, %eq3A_301 : vector<200x50xf32>
    %jit3A_303 = arith.constant 50 : i32
    %broadcast_in_dim3A_304 = vector.broadcast %jit3A_303 : i32 to vector<200x50xi32>
    %select_n3A_305 = arith.select %eq3A_302, %iota3A, %broadcast_in_dim3A_304 : vector<200x50xi1>, vector<200x50xi32>
    %reduce_min3A_306 = arith.constant dense<2147483647> : vector<200xi32>
    %reduce_min3A_307 = vector.multi_reduction <minsi>, %select_n3A_305, %reduce_min3A_306 [1] : vector<200x50xi32> to vector<200xi32>
    %broadcast_in_dim3A_308 = vector.shape_cast %reduce_min3A_307 : vector<200xi32> to vector<200x1xi32>
    %eq3A_309 = vector.broadcast %broadcast_in_dim3A_308 : vector<200x1xi32> to vector<200x50xi32>
    %eq3A_310 = arith.cmpi eq, %iota3A, %eq3A_309 : vector<200x50xi32>
    %or3A_311 = arith.ori %or3A_294, %eq3A_310 : vector<200x50xi1>
    %jit3A_312 = arith.constant 0xFF800000 : f32
    %broadcast_in_dim3A_313 = vector.broadcast %jit3A_312 : f32 to vector<200x50xf32>
    %select_n3A_314 = arith.select %or3A_311, %broadcast_in_dim3A_313, %add3A_10 : vector<200x50xi1>, vector<200x50xf32>
    %reduce_max3A_315 = arith.constant dense<0xFF800000> : vector<200xf32>
    %reduce_max3A_316 = vector.multi_reduction <maximumf>, %select_n3A_314, %reduce_max3A_315 [1] : vector<200x50xf32> to vector<200xf32>
    %broadcast_in_dim3A_317 = vector.shape_cast %reduce_max3A_316 : vector<200xf32> to vector<200x1xf32>
    %eq3A_318 = vector.broadcast %broadcast_in_dim3A_317 : vector<200x1xf32> to vector<200x50xf32>
    %eq3A_319 = arith.cmpf oeq, %select_n3A_314, %eq3A_318 : vector<200x50xf32>
    %jit3A_320 = arith.constant 50 : i32
    %broadcast_in_dim3A_321 = vector.broadcast %jit3A_320 : i32 to vector<200x50xi32>
    %select_n3A_322 = arith.select %eq3A_319, %iota3A, %broadcast_in_dim3A_321 : vector<200x50xi1>, vector<200x50xi32>
    %reduce_min3A_323 = arith.constant dense<2147483647> : vector<200xi32>
    %reduce_min3A_324 = vector.multi_reduction <minsi>, %select_n3A_322, %reduce_min3A_323 [1] : vector<200x50xi32> to vector<200xi32>
    %broadcast_in_dim3A_325 = vector.shape_cast %reduce_min3A_324 : vector<200xi32> to vector<200x1xi32>
    %eq3A_326 = vector.broadcast %broadcast_in_dim3A_325 : vector<200x1xi32> to vector<200x50xi32>
    %eq3A_327 = arith.cmpi eq, %iota3A, %eq3A_326 : vector<200x50xi32>
    %or3A_328 = arith.ori %or3A_311, %eq3A_327 : vector<200x50xi1>
    %jit3A_329 = arith.constant 0xFF800000 : f32
    %broadcast_in_dim3A_330 = vector.broadcast %jit3A_329 : f32 to vector<200x50xf32>
    %select_n3A_331 = arith.select %or3A_328, %broadcast_in_dim3A_330, %add3A_10 : vector<200x50xi1>, vector<200x50xf32>
    %reduce_max3A_332 = arith.constant dense<0xFF800000> : vector<200xf32>
    %reduce_max3A_333 = vector.multi_reduction <maximumf>, %select_n3A_331, %reduce_max3A_332 [1] : vector<200x50xf32> to vector<200xf32>
    %broadcast_in_dim3A_334 = vector.shape_cast %reduce_max3A_333 : vector<200xf32> to vector<200x1xf32>
    %eq3A_335 = vector.broadcast %broadcast_in_dim3A_334 : vector<200x1xf32> to vector<200x50xf32>
    %eq3A_336 = arith.cmpf oeq, %select_n3A_331, %eq3A_335 : vector<200x50xf32>
    %jit3A_337 = arith.constant 50 : i32
    %broadcast_in_dim3A_338 = vector.broadcast %jit3A_337 : i32 to vector<200x50xi32>
    %select_n3A_339 = arith.select %eq3A_336, %iota3A, %broadcast_in_dim3A_338 : vector<200x50xi1>, vector<200x50xi32>
    %reduce_min3A_340 = arith.constant dense<2147483647> : vector<200xi32>
    %reduce_min3A_341 = vector.multi_reduction <minsi>, %select_n3A_339, %reduce_min3A_340 [1] : vector<200x50xi32> to vector<200xi32>
    %broadcast_in_dim3A_342 = vector.shape_cast %reduce_min3A_341 : vector<200xi32> to vector<200x1xi32>
    %eq3A_343 = vector.broadcast %broadcast_in_dim3A_342 : vector<200x1xi32> to vector<200x50xi32>
    %eq3A_344 = arith.cmpi eq, %iota3A, %eq3A_343 : vector<200x50xi32>
    %or3A_345 = arith.ori %or3A_328, %eq3A_344 : vector<200x50xi1>
    %jit3A_346 = arith.constant 0xFF800000 : f32
    %broadcast_in_dim3A_347 = vector.broadcast %jit3A_346 : f32 to vector<200x50xf32>
    %select_n3A_348 = arith.select %or3A_345, %broadcast_in_dim3A_347, %add3A_10 : vector<200x50xi1>, vector<200x50xf32>
    %reduce_max3A_349 = arith.constant dense<0xFF800000> : vector<200xf32>
    %reduce_max3A_350 = vector.multi_reduction <maximumf>, %select_n3A_348, %reduce_max3A_349 [1] : vector<200x50xf32> to vector<200xf32>
    %broadcast_in_dim3A_351 = vector.shape_cast %reduce_max3A_350 : vector<200xf32> to vector<200x1xf32>
    %eq3A_352 = vector.broadcast %broadcast_in_dim3A_351 : vector<200x1xf32> to vector<200x50xf32>
    %eq3A_353 = arith.cmpf oeq, %select_n3A_348, %eq3A_352 : vector<200x50xf32>
    %jit3A_354 = arith.constant 50 : i32
    %broadcast_in_dim3A_355 = vector.broadcast %jit3A_354 : i32 to vector<200x50xi32>
    %select_n3A_356 = arith.select %eq3A_353, %iota3A, %broadcast_in_dim3A_355 : vector<200x50xi1>, vector<200x50xi32>
    %reduce_min3A_357 = arith.constant dense<2147483647> : vector<200xi32>
    %reduce_min3A_358 = vector.multi_reduction <minsi>, %select_n3A_356, %reduce_min3A_357 [1] : vector<200x50xi32> to vector<200xi32>
    %broadcast_in_dim3A_359 = vector.shape_cast %reduce_min3A_358 : vector<200xi32> to vector<200x1xi32>
    %eq3A_360 = vector.broadcast %broadcast_in_dim3A_359 : vector<200x1xi32> to vector<200x50xi32>
    %eq3A_361 = arith.cmpi eq, %iota3A, %eq3A_360 : vector<200x50xi32>
    %or3A_362 = arith.ori %or3A_345, %eq3A_361 : vector<200x50xi1>
    %jit3A_363 = arith.constant 0xFF800000 : f32
    %broadcast_in_dim3A_364 = vector.broadcast %jit3A_363 : f32 to vector<200x50xf32>
    %select_n3A_365 = arith.select %or3A_362, %broadcast_in_dim3A_364, %add3A_10 : vector<200x50xi1>, vector<200x50xf32>
    %reduce_max3A_366 = arith.constant dense<0xFF800000> : vector<200xf32>
    %reduce_max3A_367 = vector.multi_reduction <maximumf>, %select_n3A_365, %reduce_max3A_366 [1] : vector<200x50xf32> to vector<200xf32>
    %broadcast_in_dim3A_368 = vector.shape_cast %reduce_max3A_367 : vector<200xf32> to vector<200x1xf32>
    %eq3A_369 = vector.broadcast %broadcast_in_dim3A_368 : vector<200x1xf32> to vector<200x50xf32>
    %eq3A_370 = arith.cmpf oeq, %select_n3A_365, %eq3A_369 : vector<200x50xf32>
    %jit3A_371 = arith.constant 50 : i32
    %broadcast_in_dim3A_372 = vector.broadcast %jit3A_371 : i32 to vector<200x50xi32>
    %select_n3A_373 = arith.select %eq3A_370, %iota3A, %broadcast_in_dim3A_372 : vector<200x50xi1>, vector<200x50xi32>
    %reduce_min3A_374 = arith.constant dense<2147483647> : vector<200xi32>
    %reduce_min3A_375 = vector.multi_reduction <minsi>, %select_n3A_373, %reduce_min3A_374 [1] : vector<200x50xi32> to vector<200xi32>
    %broadcast_in_dim3A_376 = vector.shape_cast %reduce_min3A_375 : vector<200xi32> to vector<200x1xi32>
    %eq3A_377 = vector.broadcast %broadcast_in_dim3A_376 : vector<200x1xi32> to vector<200x50xi32>
    %eq3A_378 = arith.cmpi eq, %iota3A, %eq3A_377 : vector<200x50xi32>
    %or3A_379 = arith.ori %or3A_362, %eq3A_378 : vector<200x50xi1>
    %jit3A_380 = arith.constant 0xFF800000 : f32
    %broadcast_in_dim3A_381 = vector.broadcast %jit3A_380 : f32 to vector<200x50xf32>
    %select_n3A_382 = arith.select %or3A_379, %broadcast_in_dim3A_381, %add3A_10 : vector<200x50xi1>, vector<200x50xf32>
    %reduce_max3A_383 = arith.constant dense<0xFF800000> : vector<200xf32>
    %reduce_max3A_384 = vector.multi_reduction <maximumf>, %select_n3A_382, %reduce_max3A_383 [1] : vector<200x50xf32> to vector<200xf32>
    %broadcast_in_dim3A_385 = vector.shape_cast %reduce_max3A_384 : vector<200xf32> to vector<200x1xf32>
    %eq3A_386 = vector.broadcast %broadcast_in_dim3A_385 : vector<200x1xf32> to vector<200x50xf32>
    %eq3A_387 = arith.cmpf oeq, %select_n3A_382, %eq3A_386 : vector<200x50xf32>
    %jit3A_388 = arith.constant 50 : i32
    %broadcast_in_dim3A_389 = vector.broadcast %jit3A_388 : i32 to vector<200x50xi32>
    %select_n3A_390 = arith.select %eq3A_387, %iota3A, %broadcast_in_dim3A_389 : vector<200x50xi1>, vector<200x50xi32>
    %reduce_min3A_391 = arith.constant dense<2147483647> : vector<200xi32>
    %reduce_min3A_392 = vector.multi_reduction <minsi>, %select_n3A_390, %reduce_min3A_391 [1] : vector<200x50xi32> to vector<200xi32>
    %broadcast_in_dim3A_393 = vector.shape_cast %reduce_min3A_392 : vector<200xi32> to vector<200x1xi32>
    %eq3A_394 = vector.broadcast %broadcast_in_dim3A_393 : vector<200x1xi32> to vector<200x50xi32>
    %eq3A_395 = arith.cmpi eq, %iota3A, %eq3A_394 : vector<200x50xi32>
    %or3A_396 = arith.ori %or3A_379, %eq3A_395 : vector<200x50xi1>
    %jit3A_397 = arith.constant 0xFF800000 : f32
    %broadcast_in_dim3A_398 = vector.broadcast %jit3A_397 : f32 to vector<200x50xf32>
    %select_n3A_399 = arith.select %or3A_396, %broadcast_in_dim3A_398, %add3A_10 : vector<200x50xi1>, vector<200x50xf32>
    %reduce_max3A_400 = arith.constant dense<0xFF800000> : vector<200xf32>
    %reduce_max3A_401 = vector.multi_reduction <maximumf>, %select_n3A_399, %reduce_max3A_400 [1] : vector<200x50xf32> to vector<200xf32>
    %broadcast_in_dim3A_402 = vector.shape_cast %reduce_max3A_401 : vector<200xf32> to vector<200x1xf32>
    %eq3A_403 = vector.broadcast %broadcast_in_dim3A_402 : vector<200x1xf32> to vector<200x50xf32>
    %eq3A_404 = arith.cmpf oeq, %select_n3A_399, %eq3A_403 : vector<200x50xf32>
    %jit3A_405 = arith.constant 50 : i32
    %broadcast_in_dim3A_406 = vector.broadcast %jit3A_405 : i32 to vector<200x50xi32>
    %select_n3A_407 = arith.select %eq3A_404, %iota3A, %broadcast_in_dim3A_406 : vector<200x50xi1>, vector<200x50xi32>
    %reduce_min3A_408 = arith.constant dense<2147483647> : vector<200xi32>
    %reduce_min3A_409 = vector.multi_reduction <minsi>, %select_n3A_407, %reduce_min3A_408 [1] : vector<200x50xi32> to vector<200xi32>
    %broadcast_in_dim3A_410 = vector.shape_cast %reduce_min3A_409 : vector<200xi32> to vector<200x1xi32>
    %eq3A_411 = vector.broadcast %broadcast_in_dim3A_410 : vector<200x1xi32> to vector<200x50xi32>
    %eq3A_412 = arith.cmpi eq, %iota3A, %eq3A_411 : vector<200x50xi32>
    %or3A_413 = arith.ori %or3A_396, %eq3A_412 : vector<200x50xi1>
    %jit3A_414 = arith.constant 0xFF800000 : f32
    %broadcast_in_dim3A_415 = vector.broadcast %jit3A_414 : f32 to vector<200x50xf32>
    %select_n3A_416 = arith.select %or3A_413, %broadcast_in_dim3A_415, %add3A_10 : vector<200x50xi1>, vector<200x50xf32>
    %reduce_max3A_417 = arith.constant dense<0xFF800000> : vector<200xf32>
    %reduce_max3A_418 = vector.multi_reduction <maximumf>, %select_n3A_416, %reduce_max3A_417 [1] : vector<200x50xf32> to vector<200xf32>
    %broadcast_in_dim3A_419 = vector.shape_cast %reduce_max3A_418 : vector<200xf32> to vector<200x1xf32>
    %eq3A_420 = vector.broadcast %broadcast_in_dim3A_419 : vector<200x1xf32> to vector<200x50xf32>
    %eq3A_421 = arith.cmpf oeq, %select_n3A_416, %eq3A_420 : vector<200x50xf32>
    %jit3A_422 = arith.constant 50 : i32
    %broadcast_in_dim3A_423 = vector.broadcast %jit3A_422 : i32 to vector<200x50xi32>
    %select_n3A_424 = arith.select %eq3A_421, %iota3A, %broadcast_in_dim3A_423 : vector<200x50xi1>, vector<200x50xi32>
    %reduce_min3A_425 = arith.constant dense<2147483647> : vector<200xi32>
    %reduce_min3A_426 = vector.multi_reduction <minsi>, %select_n3A_424, %reduce_min3A_425 [1] : vector<200x50xi32> to vector<200xi32>
    %broadcast_in_dim3A_427 = vector.shape_cast %reduce_min3A_426 : vector<200xi32> to vector<200x1xi32>
    %eq3A_428 = vector.broadcast %broadcast_in_dim3A_427 : vector<200x1xi32> to vector<200x50xi32>
    %eq3A_429 = arith.cmpi eq, %iota3A, %eq3A_428 : vector<200x50xi32>
    %or3A_430 = arith.ori %or3A_413, %eq3A_429 : vector<200x50xi1>
    %tanh3A = math.tanh %add3A_10 : vector<200x50xf32>
    %jit3A_431 = arith.constant 0.000000e+00 : f32
    %broadcast_in_dim3A_432 = vector.broadcast %jit3A_431 : f32 to vector<200x50xf32>
    %select_n3A_433 = arith.select %or3A_430, %tanh3A, %broadcast_in_dim3A_432 : vector<200x50xi1>, vector<200x50xf32>
    %get3A_434 = arith.constant 0 : index
    %get3A_435 = arith.constant 0 : index
    %get3A_436 = arith.constant 0 : index
    %get3A_437 = vector.load %arg0[%get3A_434, %get3A_435, %get3A_436] : memref<200x50x128xf32, #tpu.memory_space<vmem>>, vector<200x50x128xf32>
    %broadcast_in_dim3A_438 = arith.constant 0.000000e+00 : f32
    %broadcast_in_dim3A_439 = vector.broadcast %broadcast_in_dim3A_438 : f32 to vector<200x128xf32>
    %broadcast_in_dim3A_440 = arith.constant 0.000000e+00 : f32
    %broadcast_in_dim3A_441 = vector.broadcast %broadcast_in_dim3A_440 : f32 to vector<200x128xf32>
    %mul3A = arith.mulf %select_n3A_433, %select_n3A_433 : vector<200x50xf32>
    %slice3A = vector.extract_strided_slice %get3A_437 {offsets = [0, 0, 0], sizes = [200, 1, 128], strides = [1, 1, 1]} : vector<200x50x128xf32> to vector<200x1x128xf32>
    %squeeze3A = vector.shape_cast %slice3A : vector<200x1x128xf32> to vector<200x128xf32>
    %slice3A_442 = vector.extract_strided_slice %select_n3A_433 {offsets = [0, 0], sizes = [200, 1], strides = [1, 1]} : vector<200x50xf32> to vector<200x1xf32>
    %mul3A_443 = vector.broadcast %slice3A_442 : vector<200x1xf32> to vector<200x128xf32>
    %mul3A_444 = arith.mulf %mul3A_443, %squeeze3A : vector<200x128xf32>
    %add3A_445 = arith.addf %broadcast_in_dim3A_439, %mul3A_444 : vector<200x128xf32>
    %slice3A_446 = vector.extract_strided_slice %mul3A {offsets = [0, 0], sizes = [200, 1], strides = [1, 1]} : vector<200x50xf32> to vector<200x1xf32>
    %mul3A_447 = arith.mulf %squeeze3A, %squeeze3A : vector<200x128xf32>
    %mul3A_448 = vector.broadcast %slice3A_446 : vector<200x1xf32> to vector<200x128xf32>
    %mul3A_449 = arith.mulf %mul3A_448, %mul3A_447 : vector<200x128xf32>
    %add3A_450 = arith.addf %broadcast_in_dim3A_441, %mul3A_449 : vector<200x128xf32>
    %slice3A_451 = vector.extract_strided_slice %get3A_437 {offsets = [0, 1, 0], sizes = [200, 1, 128], strides = [1, 1, 1]} : vector<200x50x128xf32> to vector<200x1x128xf32>
    %squeeze3A_452 = vector.shape_cast %slice3A_451 : vector<200x1x128xf32> to vector<200x128xf32>
    %slice3A_453 = vector.extract_strided_slice %select_n3A_433 {offsets = [0, 1], sizes = [200, 1], strides = [1, 1]} : vector<200x50xf32> to vector<200x1xf32>
    %mul3A_454 = vector.broadcast %slice3A_453 : vector<200x1xf32> to vector<200x128xf32>
    %mul3A_455 = arith.mulf %mul3A_454, %squeeze3A_452 : vector<200x128xf32>
    %add3A_456 = arith.addf %add3A_445, %mul3A_455 : vector<200x128xf32>
    %slice3A_457 = vector.extract_strided_slice %mul3A {offsets = [0, 1], sizes = [200, 1], strides = [1, 1]} : vector<200x50xf32> to vector<200x1xf32>
    %mul3A_458 = arith.mulf %squeeze3A_452, %squeeze3A_452 : vector<200x128xf32>
    %mul3A_459 = vector.broadcast %slice3A_457 : vector<200x1xf32> to vector<200x128xf32>
    %mul3A_460 = arith.mulf %mul3A_459, %mul3A_458 : vector<200x128xf32>
    %add3A_461 = arith.addf %add3A_450, %mul3A_460 : vector<200x128xf32>
    %slice3A_462 = vector.extract_strided_slice %get3A_437 {offsets = [0, 2, 0], sizes = [200, 1, 128], strides = [1, 1, 1]} : vector<200x50x128xf32> to vector<200x1x128xf32>
    %squeeze3A_463 = vector.shape_cast %slice3A_462 : vector<200x1x128xf32> to vector<200x128xf32>
    %slice3A_464 = vector.extract_strided_slice %select_n3A_433 {offsets = [0, 2], sizes = [200, 1], strides = [1, 1]} : vector<200x50xf32> to vector<200x1xf32>
    %mul3A_465 = vector.broadcast %slice3A_464 : vector<200x1xf32> to vector<200x128xf32>
    %mul3A_466 = arith.mulf %mul3A_465, %squeeze3A_463 : vector<200x128xf32>
    %add3A_467 = arith.addf %add3A_456, %mul3A_466 : vector<200x128xf32>
    %slice3A_468 = vector.extract_strided_slice %mul3A {offsets = [0, 2], sizes = [200, 1], strides = [1, 1]} : vector<200x50xf32> to vector<200x1xf32>
    %mul3A_469 = arith.mulf %squeeze3A_463, %squeeze3A_463 : vector<200x128xf32>
    %mul3A_470 = vector.broadcast %slice3A_468 : vector<200x1xf32> to vector<200x128xf32>
    %mul3A_471 = arith.mulf %mul3A_470, %mul3A_469 : vector<200x128xf32>
    %add3A_472 = arith.addf %add3A_461, %mul3A_471 : vector<200x128xf32>
    %slice3A_473 = vector.extract_strided_slice %get3A_437 {offsets = [0, 3, 0], sizes = [200, 1, 128], strides = [1, 1, 1]} : vector<200x50x128xf32> to vector<200x1x128xf32>
    %squeeze3A_474 = vector.shape_cast %slice3A_473 : vector<200x1x128xf32> to vector<200x128xf32>
    %slice3A_475 = vector.extract_strided_slice %select_n3A_433 {offsets = [0, 3], sizes = [200, 1], strides = [1, 1]} : vector<200x50xf32> to vector<200x1xf32>
    %mul3A_476 = vector.broadcast %slice3A_475 : vector<200x1xf32> to vector<200x128xf32>
    %mul3A_477 = arith.mulf %mul3A_476, %squeeze3A_474 : vector<200x128xf32>
    %add3A_478 = arith.addf %add3A_467, %mul3A_477 : vector<200x128xf32>
    %slice3A_479 = vector.extract_strided_slice %mul3A {offsets = [0, 3], sizes = [200, 1], strides = [1, 1]} : vector<200x50xf32> to vector<200x1xf32>
    %mul3A_480 = arith.mulf %squeeze3A_474, %squeeze3A_474 : vector<200x128xf32>
    %mul3A_481 = vector.broadcast %slice3A_479 : vector<200x1xf32> to vector<200x128xf32>
    %mul3A_482 = arith.mulf %mul3A_481, %mul3A_480 : vector<200x128xf32>
    %add3A_483 = arith.addf %add3A_472, %mul3A_482 : vector<200x128xf32>
    %slice3A_484 = vector.extract_strided_slice %get3A_437 {offsets = [0, 4, 0], sizes = [200, 1, 128], strides = [1, 1, 1]} : vector<200x50x128xf32> to vector<200x1x128xf32>
    %squeeze3A_485 = vector.shape_cast %slice3A_484 : vector<200x1x128xf32> to vector<200x128xf32>
    %slice3A_486 = vector.extract_strided_slice %select_n3A_433 {offsets = [0, 4], sizes = [200, 1], strides = [1, 1]} : vector<200x50xf32> to vector<200x1xf32>
    %mul3A_487 = vector.broadcast %slice3A_486 : vector<200x1xf32> to vector<200x128xf32>
    %mul3A_488 = arith.mulf %mul3A_487, %squeeze3A_485 : vector<200x128xf32>
    %add3A_489 = arith.addf %add3A_478, %mul3A_488 : vector<200x128xf32>
    %slice3A_490 = vector.extract_strided_slice %mul3A {offsets = [0, 4], sizes = [200, 1], strides = [1, 1]} : vector<200x50xf32> to vector<200x1xf32>
    %mul3A_491 = arith.mulf %squeeze3A_485, %squeeze3A_485 : vector<200x128xf32>
    %mul3A_492 = vector.broadcast %slice3A_490 : vector<200x1xf32> to vector<200x128xf32>
    %mul3A_493 = arith.mulf %mul3A_492, %mul3A_491 : vector<200x128xf32>
    %add3A_494 = arith.addf %add3A_483, %mul3A_493 : vector<200x128xf32>
    %slice3A_495 = vector.extract_strided_slice %get3A_437 {offsets = [0, 5, 0], sizes = [200, 1, 128], strides = [1, 1, 1]} : vector<200x50x128xf32> to vector<200x1x128xf32>
    %squeeze3A_496 = vector.shape_cast %slice3A_495 : vector<200x1x128xf32> to vector<200x128xf32>
    %slice3A_497 = vector.extract_strided_slice %select_n3A_433 {offsets = [0, 5], sizes = [200, 1], strides = [1, 1]} : vector<200x50xf32> to vector<200x1xf32>
    %mul3A_498 = vector.broadcast %slice3A_497 : vector<200x1xf32> to vector<200x128xf32>
    %mul3A_499 = arith.mulf %mul3A_498, %squeeze3A_496 : vector<200x128xf32>
    %add3A_500 = arith.addf %add3A_489, %mul3A_499 : vector<200x128xf32>
    %slice3A_501 = vector.extract_strided_slice %mul3A {offsets = [0, 5], sizes = [200, 1], strides = [1, 1]} : vector<200x50xf32> to vector<200x1xf32>
    %mul3A_502 = arith.mulf %squeeze3A_496, %squeeze3A_496 : vector<200x128xf32>
    %mul3A_503 = vector.broadcast %slice3A_501 : vector<200x1xf32> to vector<200x128xf32>
    %mul3A_504 = arith.mulf %mul3A_503, %mul3A_502 : vector<200x128xf32>
    %add3A_505 = arith.addf %add3A_494, %mul3A_504 : vector<200x128xf32>
    %slice3A_506 = vector.extract_strided_slice %get3A_437 {offsets = [0, 6, 0], sizes = [200, 1, 128], strides = [1, 1, 1]} : vector<200x50x128xf32> to vector<200x1x128xf32>
    %squeeze3A_507 = vector.shape_cast %slice3A_506 : vector<200x1x128xf32> to vector<200x128xf32>
    %slice3A_508 = vector.extract_strided_slice %select_n3A_433 {offsets = [0, 6], sizes = [200, 1], strides = [1, 1]} : vector<200x50xf32> to vector<200x1xf32>
    %mul3A_509 = vector.broadcast %slice3A_508 : vector<200x1xf32> to vector<200x128xf32>
    %mul3A_510 = arith.mulf %mul3A_509, %squeeze3A_507 : vector<200x128xf32>
    %add3A_511 = arith.addf %add3A_500, %mul3A_510 : vector<200x128xf32>
    %slice3A_512 = vector.extract_strided_slice %mul3A {offsets = [0, 6], sizes = [200, 1], strides = [1, 1]} : vector<200x50xf32> to vector<200x1xf32>
    %mul3A_513 = arith.mulf %squeeze3A_507, %squeeze3A_507 : vector<200x128xf32>
    %mul3A_514 = vector.broadcast %slice3A_512 : vector<200x1xf32> to vector<200x128xf32>
    %mul3A_515 = arith.mulf %mul3A_514, %mul3A_513 : vector<200x128xf32>
    %add3A_516 = arith.addf %add3A_505, %mul3A_515 : vector<200x128xf32>
    %slice3A_517 = vector.extract_strided_slice %get3A_437 {offsets = [0, 7, 0], sizes = [200, 1, 128], strides = [1, 1, 1]} : vector<200x50x128xf32> to vector<200x1x128xf32>
    %squeeze3A_518 = vector.shape_cast %slice3A_517 : vector<200x1x128xf32> to vector<200x128xf32>
    %slice3A_519 = vector.extract_strided_slice %select_n3A_433 {offsets = [0, 7], sizes = [200, 1], strides = [1, 1]} : vector<200x50xf32> to vector<200x1xf32>
    %mul3A_520 = vector.broadcast %slice3A_519 : vector<200x1xf32> to vector<200x128xf32>
    %mul3A_521 = arith.mulf %mul3A_520, %squeeze3A_518 : vector<200x128xf32>
    %add3A_522 = arith.addf %add3A_511, %mul3A_521 : vector<200x128xf32>
    %slice3A_523 = vector.extract_strided_slice %mul3A {offsets = [0, 7], sizes = [200, 1], strides = [1, 1]} : vector<200x50xf32> to vector<200x1xf32>
    %mul3A_524 = arith.mulf %squeeze3A_518, %squeeze3A_518 : vector<200x128xf32>
    %mul3A_525 = vector.broadcast %slice3A_523 : vector<200x1xf32> to vector<200x128xf32>
    %mul3A_526 = arith.mulf %mul3A_525, %mul3A_524 : vector<200x128xf32>
    %add3A_527 = arith.addf %add3A_516, %mul3A_526 : vector<200x128xf32>
    %slice3A_528 = vector.extract_strided_slice %get3A_437 {offsets = [0, 8, 0], sizes = [200, 1, 128], strides = [1, 1, 1]} : vector<200x50x128xf32> to vector<200x1x128xf32>
    %squeeze3A_529 = vector.shape_cast %slice3A_528 : vector<200x1x128xf32> to vector<200x128xf32>
    %slice3A_530 = vector.extract_strided_slice %select_n3A_433 {offsets = [0, 8], sizes = [200, 1], strides = [1, 1]} : vector<200x50xf32> to vector<200x1xf32>
    %mul3A_531 = vector.broadcast %slice3A_530 : vector<200x1xf32> to vector<200x128xf32>
    %mul3A_532 = arith.mulf %mul3A_531, %squeeze3A_529 : vector<200x128xf32>
    %add3A_533 = arith.addf %add3A_522, %mul3A_532 : vector<200x128xf32>
    %slice3A_534 = vector.extract_strided_slice %mul3A {offsets = [0, 8], sizes = [200, 1], strides = [1, 1]} : vector<200x50xf32> to vector<200x1xf32>
    %mul3A_535 = arith.mulf %squeeze3A_529, %squeeze3A_529 : vector<200x128xf32>
    %mul3A_536 = vector.broadcast %slice3A_534 : vector<200x1xf32> to vector<200x128xf32>
    %mul3A_537 = arith.mulf %mul3A_536, %mul3A_535 : vector<200x128xf32>
    %add3A_538 = arith.addf %add3A_527, %mul3A_537 : vector<200x128xf32>
    %slice3A_539 = vector.extract_strided_slice %get3A_437 {offsets = [0, 9, 0], sizes = [200, 1, 128], strides = [1, 1, 1]} : vector<200x50x128xf32> to vector<200x1x128xf32>
    %squeeze3A_540 = vector.shape_cast %slice3A_539 : vector<200x1x128xf32> to vector<200x128xf32>
    %slice3A_541 = vector.extract_strided_slice %select_n3A_433 {offsets = [0, 9], sizes = [200, 1], strides = [1, 1]} : vector<200x50xf32> to vector<200x1xf32>
    %mul3A_542 = vector.broadcast %slice3A_541 : vector<200x1xf32> to vector<200x128xf32>
    %mul3A_543 = arith.mulf %mul3A_542, %squeeze3A_540 : vector<200x128xf32>
    %add3A_544 = arith.addf %add3A_533, %mul3A_543 : vector<200x128xf32>
    %slice3A_545 = vector.extract_strided_slice %mul3A {offsets = [0, 9], sizes = [200, 1], strides = [1, 1]} : vector<200x50xf32> to vector<200x1xf32>
    %mul3A_546 = arith.mulf %squeeze3A_540, %squeeze3A_540 : vector<200x128xf32>
    %mul3A_547 = vector.broadcast %slice3A_545 : vector<200x1xf32> to vector<200x128xf32>
    %mul3A_548 = arith.mulf %mul3A_547, %mul3A_546 : vector<200x128xf32>
    %add3A_549 = arith.addf %add3A_538, %mul3A_548 : vector<200x128xf32>
    %slice3A_550 = vector.extract_strided_slice %get3A_437 {offsets = [0, 10, 0], sizes = [200, 1, 128], strides = [1, 1, 1]} : vector<200x50x128xf32> to vector<200x1x128xf32>
    %squeeze3A_551 = vector.shape_cast %slice3A_550 : vector<200x1x128xf32> to vector<200x128xf32>
    %slice3A_552 = vector.extract_strided_slice %select_n3A_433 {offsets = [0, 10], sizes = [200, 1], strides = [1, 1]} : vector<200x50xf32> to vector<200x1xf32>
    %mul3A_553 = vector.broadcast %slice3A_552 : vector<200x1xf32> to vector<200x128xf32>
    %mul3A_554 = arith.mulf %mul3A_553, %squeeze3A_551 : vector<200x128xf32>
    %add3A_555 = arith.addf %add3A_544, %mul3A_554 : vector<200x128xf32>
    %slice3A_556 = vector.extract_strided_slice %mul3A {offsets = [0, 10], sizes = [200, 1], strides = [1, 1]} : vector<200x50xf32> to vector<200x1xf32>
    %mul3A_557 = arith.mulf %squeeze3A_551, %squeeze3A_551 : vector<200x128xf32>
    %mul3A_558 = vector.broadcast %slice3A_556 : vector<200x1xf32> to vector<200x128xf32>
    %mul3A_559 = arith.mulf %mul3A_558, %mul3A_557 : vector<200x128xf32>
    %add3A_560 = arith.addf %add3A_549, %mul3A_559 : vector<200x128xf32>
    %slice3A_561 = vector.extract_strided_slice %get3A_437 {offsets = [0, 11, 0], sizes = [200, 1, 128], strides = [1, 1, 1]} : vector<200x50x128xf32> to vector<200x1x128xf32>
    %squeeze3A_562 = vector.shape_cast %slice3A_561 : vector<200x1x128xf32> to vector<200x128xf32>
    %slice3A_563 = vector.extract_strided_slice %select_n3A_433 {offsets = [0, 11], sizes = [200, 1], strides = [1, 1]} : vector<200x50xf32> to vector<200x1xf32>
    %mul3A_564 = vector.broadcast %slice3A_563 : vector<200x1xf32> to vector<200x128xf32>
    %mul3A_565 = arith.mulf %mul3A_564, %squeeze3A_562 : vector<200x128xf32>
    %add3A_566 = arith.addf %add3A_555, %mul3A_565 : vector<200x128xf32>
    %slice3A_567 = vector.extract_strided_slice %mul3A {offsets = [0, 11], sizes = [200, 1], strides = [1, 1]} : vector<200x50xf32> to vector<200x1xf32>
    %mul3A_568 = arith.mulf %squeeze3A_562, %squeeze3A_562 : vector<200x128xf32>
    %mul3A_569 = vector.broadcast %slice3A_567 : vector<200x1xf32> to vector<200x128xf32>
    %mul3A_570 = arith.mulf %mul3A_569, %mul3A_568 : vector<200x128xf32>
    %add3A_571 = arith.addf %add3A_560, %mul3A_570 : vector<200x128xf32>
    %slice3A_572 = vector.extract_strided_slice %get3A_437 {offsets = [0, 12, 0], sizes = [200, 1, 128], strides = [1, 1, 1]} : vector<200x50x128xf32> to vector<200x1x128xf32>
    %squeeze3A_573 = vector.shape_cast %slice3A_572 : vector<200x1x128xf32> to vector<200x128xf32>
    %slice3A_574 = vector.extract_strided_slice %select_n3A_433 {offsets = [0, 12], sizes = [200, 1], strides = [1, 1]} : vector<200x50xf32> to vector<200x1xf32>
    %mul3A_575 = vector.broadcast %slice3A_574 : vector<200x1xf32> to vector<200x128xf32>
    %mul3A_576 = arith.mulf %mul3A_575, %squeeze3A_573 : vector<200x128xf32>
    %add3A_577 = arith.addf %add3A_566, %mul3A_576 : vector<200x128xf32>
    %slice3A_578 = vector.extract_strided_slice %mul3A {offsets = [0, 12], sizes = [200, 1], strides = [1, 1]} : vector<200x50xf32> to vector<200x1xf32>
    %mul3A_579 = arith.mulf %squeeze3A_573, %squeeze3A_573 : vector<200x128xf32>
    %mul3A_580 = vector.broadcast %slice3A_578 : vector<200x1xf32> to vector<200x128xf32>
    %mul3A_581 = arith.mulf %mul3A_580, %mul3A_579 : vector<200x128xf32>
    %add3A_582 = arith.addf %add3A_571, %mul3A_581 : vector<200x128xf32>
    %slice3A_583 = vector.extract_strided_slice %get3A_437 {offsets = [0, 13, 0], sizes = [200, 1, 128], strides = [1, 1, 1]} : vector<200x50x128xf32> to vector<200x1x128xf32>
    %squeeze3A_584 = vector.shape_cast %slice3A_583 : vector<200x1x128xf32> to vector<200x128xf32>
    %slice3A_585 = vector.extract_strided_slice %select_n3A_433 {offsets = [0, 13], sizes = [200, 1], strides = [1, 1]} : vector<200x50xf32> to vector<200x1xf32>
    %mul3A_586 = vector.broadcast %slice3A_585 : vector<200x1xf32> to vector<200x128xf32>
    %mul3A_587 = arith.mulf %mul3A_586, %squeeze3A_584 : vector<200x128xf32>
    %add3A_588 = arith.addf %add3A_577, %mul3A_587 : vector<200x128xf32>
    %slice3A_589 = vector.extract_strided_slice %mul3A {offsets = [0, 13], sizes = [200, 1], strides = [1, 1]} : vector<200x50xf32> to vector<200x1xf32>
    %mul3A_590 = arith.mulf %squeeze3A_584, %squeeze3A_584 : vector<200x128xf32>
    %mul3A_591 = vector.broadcast %slice3A_589 : vector<200x1xf32> to vector<200x128xf32>
    %mul3A_592 = arith.mulf %mul3A_591, %mul3A_590 : vector<200x128xf32>
    %add3A_593 = arith.addf %add3A_582, %mul3A_592 : vector<200x128xf32>
    %slice3A_594 = vector.extract_strided_slice %get3A_437 {offsets = [0, 14, 0], sizes = [200, 1, 128], strides = [1, 1, 1]} : vector<200x50x128xf32> to vector<200x1x128xf32>
    %squeeze3A_595 = vector.shape_cast %slice3A_594 : vector<200x1x128xf32> to vector<200x128xf32>
    %slice3A_596 = vector.extract_strided_slice %select_n3A_433 {offsets = [0, 14], sizes = [200, 1], strides = [1, 1]} : vector<200x50xf32> to vector<200x1xf32>
    %mul3A_597 = vector.broadcast %slice3A_596 : vector<200x1xf32> to vector<200x128xf32>
    %mul3A_598 = arith.mulf %mul3A_597, %squeeze3A_595 : vector<200x128xf32>
    %add3A_599 = arith.addf %add3A_588, %mul3A_598 : vector<200x128xf32>
    %slice3A_600 = vector.extract_strided_slice %mul3A {offsets = [0, 14], sizes = [200, 1], strides = [1, 1]} : vector<200x50xf32> to vector<200x1xf32>
    %mul3A_601 = arith.mulf %squeeze3A_595, %squeeze3A_595 : vector<200x128xf32>
    %mul3A_602 = vector.broadcast %slice3A_600 : vector<200x1xf32> to vector<200x128xf32>
    %mul3A_603 = arith.mulf %mul3A_602, %mul3A_601 : vector<200x128xf32>
    %add3A_604 = arith.addf %add3A_593, %mul3A_603 : vector<200x128xf32>
    %slice3A_605 = vector.extract_strided_slice %get3A_437 {offsets = [0, 15, 0], sizes = [200, 1, 128], strides = [1, 1, 1]} : vector<200x50x128xf32> to vector<200x1x128xf32>
    %squeeze3A_606 = vector.shape_cast %slice3A_605 : vector<200x1x128xf32> to vector<200x128xf32>
    %slice3A_607 = vector.extract_strided_slice %select_n3A_433 {offsets = [0, 15], sizes = [200, 1], strides = [1, 1]} : vector<200x50xf32> to vector<200x1xf32>
    %mul3A_608 = vector.broadcast %slice3A_607 : vector<200x1xf32> to vector<200x128xf32>
    %mul3A_609 = arith.mulf %mul3A_608, %squeeze3A_606 : vector<200x128xf32>
    %add3A_610 = arith.addf %add3A_599, %mul3A_609 : vector<200x128xf32>
    %slice3A_611 = vector.extract_strided_slice %mul3A {offsets = [0, 15], sizes = [200, 1], strides = [1, 1]} : vector<200x50xf32> to vector<200x1xf32>
    %mul3A_612 = arith.mulf %squeeze3A_606, %squeeze3A_606 : vector<200x128xf32>
    %mul3A_613 = vector.broadcast %slice3A_611 : vector<200x1xf32> to vector<200x128xf32>
    %mul3A_614 = arith.mulf %mul3A_613, %mul3A_612 : vector<200x128xf32>
    %add3A_615 = arith.addf %add3A_604, %mul3A_614 : vector<200x128xf32>
    %slice3A_616 = vector.extract_strided_slice %get3A_437 {offsets = [0, 16, 0], sizes = [200, 1, 128], strides = [1, 1, 1]} : vector<200x50x128xf32> to vector<200x1x128xf32>
    %squeeze3A_617 = vector.shape_cast %slice3A_616 : vector<200x1x128xf32> to vector<200x128xf32>
    %slice3A_618 = vector.extract_strided_slice %select_n3A_433 {offsets = [0, 16], sizes = [200, 1], strides = [1, 1]} : vector<200x50xf32> to vector<200x1xf32>
    %mul3A_619 = vector.broadcast %slice3A_618 : vector<200x1xf32> to vector<200x128xf32>
    %mul3A_620 = arith.mulf %mul3A_619, %squeeze3A_617 : vector<200x128xf32>
    %add3A_621 = arith.addf %add3A_610, %mul3A_620 : vector<200x128xf32>
    %slice3A_622 = vector.extract_strided_slice %mul3A {offsets = [0, 16], sizes = [200, 1], strides = [1, 1]} : vector<200x50xf32> to vector<200x1xf32>
    %mul3A_623 = arith.mulf %squeeze3A_617, %squeeze3A_617 : vector<200x128xf32>
    %mul3A_624 = vector.broadcast %slice3A_622 : vector<200x1xf32> to vector<200x128xf32>
    %mul3A_625 = arith.mulf %mul3A_624, %mul3A_623 : vector<200x128xf32>
    %add3A_626 = arith.addf %add3A_615, %mul3A_625 : vector<200x128xf32>
    %slice3A_627 = vector.extract_strided_slice %get3A_437 {offsets = [0, 17, 0], sizes = [200, 1, 128], strides = [1, 1, 1]} : vector<200x50x128xf32> to vector<200x1x128xf32>
    %squeeze3A_628 = vector.shape_cast %slice3A_627 : vector<200x1x128xf32> to vector<200x128xf32>
    %slice3A_629 = vector.extract_strided_slice %select_n3A_433 {offsets = [0, 17], sizes = [200, 1], strides = [1, 1]} : vector<200x50xf32> to vector<200x1xf32>
    %mul3A_630 = vector.broadcast %slice3A_629 : vector<200x1xf32> to vector<200x128xf32>
    %mul3A_631 = arith.mulf %mul3A_630, %squeeze3A_628 : vector<200x128xf32>
    %add3A_632 = arith.addf %add3A_621, %mul3A_631 : vector<200x128xf32>
    %slice3A_633 = vector.extract_strided_slice %mul3A {offsets = [0, 17], sizes = [200, 1], strides = [1, 1]} : vector<200x50xf32> to vector<200x1xf32>
    %mul3A_634 = arith.mulf %squeeze3A_628, %squeeze3A_628 : vector<200x128xf32>
    %mul3A_635 = vector.broadcast %slice3A_633 : vector<200x1xf32> to vector<200x128xf32>
    %mul3A_636 = arith.mulf %mul3A_635, %mul3A_634 : vector<200x128xf32>
    %add3A_637 = arith.addf %add3A_626, %mul3A_636 : vector<200x128xf32>
    %slice3A_638 = vector.extract_strided_slice %get3A_437 {offsets = [0, 18, 0], sizes = [200, 1, 128], strides = [1, 1, 1]} : vector<200x50x128xf32> to vector<200x1x128xf32>
    %squeeze3A_639 = vector.shape_cast %slice3A_638 : vector<200x1x128xf32> to vector<200x128xf32>
    %slice3A_640 = vector.extract_strided_slice %select_n3A_433 {offsets = [0, 18], sizes = [200, 1], strides = [1, 1]} : vector<200x50xf32> to vector<200x1xf32>
    %mul3A_641 = vector.broadcast %slice3A_640 : vector<200x1xf32> to vector<200x128xf32>
    %mul3A_642 = arith.mulf %mul3A_641, %squeeze3A_639 : vector<200x128xf32>
    %add3A_643 = arith.addf %add3A_632, %mul3A_642 : vector<200x128xf32>
    %slice3A_644 = vector.extract_strided_slice %mul3A {offsets = [0, 18], sizes = [200, 1], strides = [1, 1]} : vector<200x50xf32> to vector<200x1xf32>
    %mul3A_645 = arith.mulf %squeeze3A_639, %squeeze3A_639 : vector<200x128xf32>
    %mul3A_646 = vector.broadcast %slice3A_644 : vector<200x1xf32> to vector<200x128xf32>
    %mul3A_647 = arith.mulf %mul3A_646, %mul3A_645 : vector<200x128xf32>
    %add3A_648 = arith.addf %add3A_637, %mul3A_647 : vector<200x128xf32>
    %slice3A_649 = vector.extract_strided_slice %get3A_437 {offsets = [0, 19, 0], sizes = [200, 1, 128], strides = [1, 1, 1]} : vector<200x50x128xf32> to vector<200x1x128xf32>
    %squeeze3A_650 = vector.shape_cast %slice3A_649 : vector<200x1x128xf32> to vector<200x128xf32>
    %slice3A_651 = vector.extract_strided_slice %select_n3A_433 {offsets = [0, 19], sizes = [200, 1], strides = [1, 1]} : vector<200x50xf32> to vector<200x1xf32>
    %mul3A_652 = vector.broadcast %slice3A_651 : vector<200x1xf32> to vector<200x128xf32>
    %mul3A_653 = arith.mulf %mul3A_652, %squeeze3A_650 : vector<200x128xf32>
    %add3A_654 = arith.addf %add3A_643, %mul3A_653 : vector<200x128xf32>
    %slice3A_655 = vector.extract_strided_slice %mul3A {offsets = [0, 19], sizes = [200, 1], strides = [1, 1]} : vector<200x50xf32> to vector<200x1xf32>
    %mul3A_656 = arith.mulf %squeeze3A_650, %squeeze3A_650 : vector<200x128xf32>
    %mul3A_657 = vector.broadcast %slice3A_655 : vector<200x1xf32> to vector<200x128xf32>
    %mul3A_658 = arith.mulf %mul3A_657, %mul3A_656 : vector<200x128xf32>
    %add3A_659 = arith.addf %add3A_648, %mul3A_658 : vector<200x128xf32>
    %slice3A_660 = vector.extract_strided_slice %get3A_437 {offsets = [0, 20, 0], sizes = [200, 1, 128], strides = [1, 1, 1]} : vector<200x50x128xf32> to vector<200x1x128xf32>
    %squeeze3A_661 = vector.shape_cast %slice3A_660 : vector<200x1x128xf32> to vector<200x128xf32>
    %slice3A_662 = vector.extract_strided_slice %select_n3A_433 {offsets = [0, 20], sizes = [200, 1], strides = [1, 1]} : vector<200x50xf32> to vector<200x1xf32>
    %mul3A_663 = vector.broadcast %slice3A_662 : vector<200x1xf32> to vector<200x128xf32>
    %mul3A_664 = arith.mulf %mul3A_663, %squeeze3A_661 : vector<200x128xf32>
    %add3A_665 = arith.addf %add3A_654, %mul3A_664 : vector<200x128xf32>
    %slice3A_666 = vector.extract_strided_slice %mul3A {offsets = [0, 20], sizes = [200, 1], strides = [1, 1]} : vector<200x50xf32> to vector<200x1xf32>
    %mul3A_667 = arith.mulf %squeeze3A_661, %squeeze3A_661 : vector<200x128xf32>
    %mul3A_668 = vector.broadcast %slice3A_666 : vector<200x1xf32> to vector<200x128xf32>
    %mul3A_669 = arith.mulf %mul3A_668, %mul3A_667 : vector<200x128xf32>
    %add3A_670 = arith.addf %add3A_659, %mul3A_669 : vector<200x128xf32>
    %slice3A_671 = vector.extract_strided_slice %get3A_437 {offsets = [0, 21, 0], sizes = [200, 1, 128], strides = [1, 1, 1]} : vector<200x50x128xf32> to vector<200x1x128xf32>
    %squeeze3A_672 = vector.shape_cast %slice3A_671 : vector<200x1x128xf32> to vector<200x128xf32>
    %slice3A_673 = vector.extract_strided_slice %select_n3A_433 {offsets = [0, 21], sizes = [200, 1], strides = [1, 1]} : vector<200x50xf32> to vector<200x1xf32>
    %mul3A_674 = vector.broadcast %slice3A_673 : vector<200x1xf32> to vector<200x128xf32>
    %mul3A_675 = arith.mulf %mul3A_674, %squeeze3A_672 : vector<200x128xf32>
    %add3A_676 = arith.addf %add3A_665, %mul3A_675 : vector<200x128xf32>
    %slice3A_677 = vector.extract_strided_slice %mul3A {offsets = [0, 21], sizes = [200, 1], strides = [1, 1]} : vector<200x50xf32> to vector<200x1xf32>
    %mul3A_678 = arith.mulf %squeeze3A_672, %squeeze3A_672 : vector<200x128xf32>
    %mul3A_679 = vector.broadcast %slice3A_677 : vector<200x1xf32> to vector<200x128xf32>
    %mul3A_680 = arith.mulf %mul3A_679, %mul3A_678 : vector<200x128xf32>
    %add3A_681 = arith.addf %add3A_670, %mul3A_680 : vector<200x128xf32>
    %slice3A_682 = vector.extract_strided_slice %get3A_437 {offsets = [0, 22, 0], sizes = [200, 1, 128], strides = [1, 1, 1]} : vector<200x50x128xf32> to vector<200x1x128xf32>
    %squeeze3A_683 = vector.shape_cast %slice3A_682 : vector<200x1x128xf32> to vector<200x128xf32>
    %slice3A_684 = vector.extract_strided_slice %select_n3A_433 {offsets = [0, 22], sizes = [200, 1], strides = [1, 1]} : vector<200x50xf32> to vector<200x1xf32>
    %mul3A_685 = vector.broadcast %slice3A_684 : vector<200x1xf32> to vector<200x128xf32>
    %mul3A_686 = arith.mulf %mul3A_685, %squeeze3A_683 : vector<200x128xf32>
    %add3A_687 = arith.addf %add3A_676, %mul3A_686 : vector<200x128xf32>
    %slice3A_688 = vector.extract_strided_slice %mul3A {offsets = [0, 22], sizes = [200, 1], strides = [1, 1]} : vector<200x50xf32> to vector<200x1xf32>
    %mul3A_689 = arith.mulf %squeeze3A_683, %squeeze3A_683 : vector<200x128xf32>
    %mul3A_690 = vector.broadcast %slice3A_688 : vector<200x1xf32> to vector<200x128xf32>
    %mul3A_691 = arith.mulf %mul3A_690, %mul3A_689 : vector<200x128xf32>
    %add3A_692 = arith.addf %add3A_681, %mul3A_691 : vector<200x128xf32>
    %slice3A_693 = vector.extract_strided_slice %get3A_437 {offsets = [0, 23, 0], sizes = [200, 1, 128], strides = [1, 1, 1]} : vector<200x50x128xf32> to vector<200x1x128xf32>
    %squeeze3A_694 = vector.shape_cast %slice3A_693 : vector<200x1x128xf32> to vector<200x128xf32>
    %slice3A_695 = vector.extract_strided_slice %select_n3A_433 {offsets = [0, 23], sizes = [200, 1], strides = [1, 1]} : vector<200x50xf32> to vector<200x1xf32>
    %mul3A_696 = vector.broadcast %slice3A_695 : vector<200x1xf32> to vector<200x128xf32>
    %mul3A_697 = arith.mulf %mul3A_696, %squeeze3A_694 : vector<200x128xf32>
    %add3A_698 = arith.addf %add3A_687, %mul3A_697 : vector<200x128xf32>
    %slice3A_699 = vector.extract_strided_slice %mul3A {offsets = [0, 23], sizes = [200, 1], strides = [1, 1]} : vector<200x50xf32> to vector<200x1xf32>
    %mul3A_700 = arith.mulf %squeeze3A_694, %squeeze3A_694 : vector<200x128xf32>
    %mul3A_701 = vector.broadcast %slice3A_699 : vector<200x1xf32> to vector<200x128xf32>
    %mul3A_702 = arith.mulf %mul3A_701, %mul3A_700 : vector<200x128xf32>
    %add3A_703 = arith.addf %add3A_692, %mul3A_702 : vector<200x128xf32>
    %slice3A_704 = vector.extract_strided_slice %get3A_437 {offsets = [0, 24, 0], sizes = [200, 1, 128], strides = [1, 1, 1]} : vector<200x50x128xf32> to vector<200x1x128xf32>
    %squeeze3A_705 = vector.shape_cast %slice3A_704 : vector<200x1x128xf32> to vector<200x128xf32>
    %slice3A_706 = vector.extract_strided_slice %select_n3A_433 {offsets = [0, 24], sizes = [200, 1], strides = [1, 1]} : vector<200x50xf32> to vector<200x1xf32>
    %mul3A_707 = vector.broadcast %slice3A_706 : vector<200x1xf32> to vector<200x128xf32>
    %mul3A_708 = arith.mulf %mul3A_707, %squeeze3A_705 : vector<200x128xf32>
    %add3A_709 = arith.addf %add3A_698, %mul3A_708 : vector<200x128xf32>
    %slice3A_710 = vector.extract_strided_slice %mul3A {offsets = [0, 24], sizes = [200, 1], strides = [1, 1]} : vector<200x50xf32> to vector<200x1xf32>
    %mul3A_711 = arith.mulf %squeeze3A_705, %squeeze3A_705 : vector<200x128xf32>
    %mul3A_712 = vector.broadcast %slice3A_710 : vector<200x1xf32> to vector<200x128xf32>
    %mul3A_713 = arith.mulf %mul3A_712, %mul3A_711 : vector<200x128xf32>
    %add3A_714 = arith.addf %add3A_703, %mul3A_713 : vector<200x128xf32>
    %slice3A_715 = vector.extract_strided_slice %get3A_437 {offsets = [0, 25, 0], sizes = [200, 1, 128], strides = [1, 1, 1]} : vector<200x50x128xf32> to vector<200x1x128xf32>
    %squeeze3A_716 = vector.shape_cast %slice3A_715 : vector<200x1x128xf32> to vector<200x128xf32>
    %slice3A_717 = vector.extract_strided_slice %select_n3A_433 {offsets = [0, 25], sizes = [200, 1], strides = [1, 1]} : vector<200x50xf32> to vector<200x1xf32>
    %mul3A_718 = vector.broadcast %slice3A_717 : vector<200x1xf32> to vector<200x128xf32>
    %mul3A_719 = arith.mulf %mul3A_718, %squeeze3A_716 : vector<200x128xf32>
    %add3A_720 = arith.addf %add3A_709, %mul3A_719 : vector<200x128xf32>
    %slice3A_721 = vector.extract_strided_slice %mul3A {offsets = [0, 25], sizes = [200, 1], strides = [1, 1]} : vector<200x50xf32> to vector<200x1xf32>
    %mul3A_722 = arith.mulf %squeeze3A_716, %squeeze3A_716 : vector<200x128xf32>
    %mul3A_723 = vector.broadcast %slice3A_721 : vector<200x1xf32> to vector<200x128xf32>
    %mul3A_724 = arith.mulf %mul3A_723, %mul3A_722 : vector<200x128xf32>
    %add3A_725 = arith.addf %add3A_714, %mul3A_724 : vector<200x128xf32>
    %slice3A_726 = vector.extract_strided_slice %get3A_437 {offsets = [0, 26, 0], sizes = [200, 1, 128], strides = [1, 1, 1]} : vector<200x50x128xf32> to vector<200x1x128xf32>
    %squeeze3A_727 = vector.shape_cast %slice3A_726 : vector<200x1x128xf32> to vector<200x128xf32>
    %slice3A_728 = vector.extract_strided_slice %select_n3A_433 {offsets = [0, 26], sizes = [200, 1], strides = [1, 1]} : vector<200x50xf32> to vector<200x1xf32>
    %mul3A_729 = vector.broadcast %slice3A_728 : vector<200x1xf32> to vector<200x128xf32>
    %mul3A_730 = arith.mulf %mul3A_729, %squeeze3A_727 : vector<200x128xf32>
    %add3A_731 = arith.addf %add3A_720, %mul3A_730 : vector<200x128xf32>
    %slice3A_732 = vector.extract_strided_slice %mul3A {offsets = [0, 26], sizes = [200, 1], strides = [1, 1]} : vector<200x50xf32> to vector<200x1xf32>
    %mul3A_733 = arith.mulf %squeeze3A_727, %squeeze3A_727 : vector<200x128xf32>
    %mul3A_734 = vector.broadcast %slice3A_732 : vector<200x1xf32> to vector<200x128xf32>
    %mul3A_735 = arith.mulf %mul3A_734, %mul3A_733 : vector<200x128xf32>
    %add3A_736 = arith.addf %add3A_725, %mul3A_735 : vector<200x128xf32>
    %slice3A_737 = vector.extract_strided_slice %get3A_437 {offsets = [0, 27, 0], sizes = [200, 1, 128], strides = [1, 1, 1]} : vector<200x50x128xf32> to vector<200x1x128xf32>
    %squeeze3A_738 = vector.shape_cast %slice3A_737 : vector<200x1x128xf32> to vector<200x128xf32>
    %slice3A_739 = vector.extract_strided_slice %select_n3A_433 {offsets = [0, 27], sizes = [200, 1], strides = [1, 1]} : vector<200x50xf32> to vector<200x1xf32>
    %mul3A_740 = vector.broadcast %slice3A_739 : vector<200x1xf32> to vector<200x128xf32>
    %mul3A_741 = arith.mulf %mul3A_740, %squeeze3A_738 : vector<200x128xf32>
    %add3A_742 = arith.addf %add3A_731, %mul3A_741 : vector<200x128xf32>
    %slice3A_743 = vector.extract_strided_slice %mul3A {offsets = [0, 27], sizes = [200, 1], strides = [1, 1]} : vector<200x50xf32> to vector<200x1xf32>
    %mul3A_744 = arith.mulf %squeeze3A_738, %squeeze3A_738 : vector<200x128xf32>
    %mul3A_745 = vector.broadcast %slice3A_743 : vector<200x1xf32> to vector<200x128xf32>
    %mul3A_746 = arith.mulf %mul3A_745, %mul3A_744 : vector<200x128xf32>
    %add3A_747 = arith.addf %add3A_736, %mul3A_746 : vector<200x128xf32>
    %slice3A_748 = vector.extract_strided_slice %get3A_437 {offsets = [0, 28, 0], sizes = [200, 1, 128], strides = [1, 1, 1]} : vector<200x50x128xf32> to vector<200x1x128xf32>
    %squeeze3A_749 = vector.shape_cast %slice3A_748 : vector<200x1x128xf32> to vector<200x128xf32>
    %slice3A_750 = vector.extract_strided_slice %select_n3A_433 {offsets = [0, 28], sizes = [200, 1], strides = [1, 1]} : vector<200x50xf32> to vector<200x1xf32>
    %mul3A_751 = vector.broadcast %slice3A_750 : vector<200x1xf32> to vector<200x128xf32>
    %mul3A_752 = arith.mulf %mul3A_751, %squeeze3A_749 : vector<200x128xf32>
    %add3A_753 = arith.addf %add3A_742, %mul3A_752 : vector<200x128xf32>
    %slice3A_754 = vector.extract_strided_slice %mul3A {offsets = [0, 28], sizes = [200, 1], strides = [1, 1]} : vector<200x50xf32> to vector<200x1xf32>
    %mul3A_755 = arith.mulf %squeeze3A_749, %squeeze3A_749 : vector<200x128xf32>
    %mul3A_756 = vector.broadcast %slice3A_754 : vector<200x1xf32> to vector<200x128xf32>
    %mul3A_757 = arith.mulf %mul3A_756, %mul3A_755 : vector<200x128xf32>
    %add3A_758 = arith.addf %add3A_747, %mul3A_757 : vector<200x128xf32>
    %slice3A_759 = vector.extract_strided_slice %get3A_437 {offsets = [0, 29, 0], sizes = [200, 1, 128], strides = [1, 1, 1]} : vector<200x50x128xf32> to vector<200x1x128xf32>
    %squeeze3A_760 = vector.shape_cast %slice3A_759 : vector<200x1x128xf32> to vector<200x128xf32>
    %slice3A_761 = vector.extract_strided_slice %select_n3A_433 {offsets = [0, 29], sizes = [200, 1], strides = [1, 1]} : vector<200x50xf32> to vector<200x1xf32>
    %mul3A_762 = vector.broadcast %slice3A_761 : vector<200x1xf32> to vector<200x128xf32>
    %mul3A_763 = arith.mulf %mul3A_762, %squeeze3A_760 : vector<200x128xf32>
    %add3A_764 = arith.addf %add3A_753, %mul3A_763 : vector<200x128xf32>
    %slice3A_765 = vector.extract_strided_slice %mul3A {offsets = [0, 29], sizes = [200, 1], strides = [1, 1]} : vector<200x50xf32> to vector<200x1xf32>
    %mul3A_766 = arith.mulf %squeeze3A_760, %squeeze3A_760 : vector<200x128xf32>
    %mul3A_767 = vector.broadcast %slice3A_765 : vector<200x1xf32> to vector<200x128xf32>
    %mul3A_768 = arith.mulf %mul3A_767, %mul3A_766 : vector<200x128xf32>
    %add3A_769 = arith.addf %add3A_758, %mul3A_768 : vector<200x128xf32>
    %slice3A_770 = vector.extract_strided_slice %get3A_437 {offsets = [0, 30, 0], sizes = [200, 1, 128], strides = [1, 1, 1]} : vector<200x50x128xf32> to vector<200x1x128xf32>
    %squeeze3A_771 = vector.shape_cast %slice3A_770 : vector<200x1x128xf32> to vector<200x128xf32>
    %slice3A_772 = vector.extract_strided_slice %select_n3A_433 {offsets = [0, 30], sizes = [200, 1], strides = [1, 1]} : vector<200x50xf32> to vector<200x1xf32>
    %mul3A_773 = vector.broadcast %slice3A_772 : vector<200x1xf32> to vector<200x128xf32>
    %mul3A_774 = arith.mulf %mul3A_773, %squeeze3A_771 : vector<200x128xf32>
    %add3A_775 = arith.addf %add3A_764, %mul3A_774 : vector<200x128xf32>
    %slice3A_776 = vector.extract_strided_slice %mul3A {offsets = [0, 30], sizes = [200, 1], strides = [1, 1]} : vector<200x50xf32> to vector<200x1xf32>
    %mul3A_777 = arith.mulf %squeeze3A_771, %squeeze3A_771 : vector<200x128xf32>
    %mul3A_778 = vector.broadcast %slice3A_776 : vector<200x1xf32> to vector<200x128xf32>
    %mul3A_779 = arith.mulf %mul3A_778, %mul3A_777 : vector<200x128xf32>
    %add3A_780 = arith.addf %add3A_769, %mul3A_779 : vector<200x128xf32>
    %slice3A_781 = vector.extract_strided_slice %get3A_437 {offsets = [0, 31, 0], sizes = [200, 1, 128], strides = [1, 1, 1]} : vector<200x50x128xf32> to vector<200x1x128xf32>
    %squeeze3A_782 = vector.shape_cast %slice3A_781 : vector<200x1x128xf32> to vector<200x128xf32>
    %slice3A_783 = vector.extract_strided_slice %select_n3A_433 {offsets = [0, 31], sizes = [200, 1], strides = [1, 1]} : vector<200x50xf32> to vector<200x1xf32>
    %mul3A_784 = vector.broadcast %slice3A_783 : vector<200x1xf32> to vector<200x128xf32>
    %mul3A_785 = arith.mulf %mul3A_784, %squeeze3A_782 : vector<200x128xf32>
    %add3A_786 = arith.addf %add3A_775, %mul3A_785 : vector<200x128xf32>
    %slice3A_787 = vector.extract_strided_slice %mul3A {offsets = [0, 31], sizes = [200, 1], strides = [1, 1]} : vector<200x50xf32> to vector<200x1xf32>
    %mul3A_788 = arith.mulf %squeeze3A_782, %squeeze3A_782 : vector<200x128xf32>
    %mul3A_789 = vector.broadcast %slice3A_787 : vector<200x1xf32> to vector<200x128xf32>
    %mul3A_790 = arith.mulf %mul3A_789, %mul3A_788 : vector<200x128xf32>
    %add3A_791 = arith.addf %add3A_780, %mul3A_790 : vector<200x128xf32>
    %slice3A_792 = vector.extract_strided_slice %get3A_437 {offsets = [0, 32, 0], sizes = [200, 1, 128], strides = [1, 1, 1]} : vector<200x50x128xf32> to vector<200x1x128xf32>
    %squeeze3A_793 = vector.shape_cast %slice3A_792 : vector<200x1x128xf32> to vector<200x128xf32>
    %slice3A_794 = vector.extract_strided_slice %select_n3A_433 {offsets = [0, 32], sizes = [200, 1], strides = [1, 1]} : vector<200x50xf32> to vector<200x1xf32>
    %mul3A_795 = vector.broadcast %slice3A_794 : vector<200x1xf32> to vector<200x128xf32>
    %mul3A_796 = arith.mulf %mul3A_795, %squeeze3A_793 : vector<200x128xf32>
    %add3A_797 = arith.addf %add3A_786, %mul3A_796 : vector<200x128xf32>
    %slice3A_798 = vector.extract_strided_slice %mul3A {offsets = [0, 32], sizes = [200, 1], strides = [1, 1]} : vector<200x50xf32> to vector<200x1xf32>
    %mul3A_799 = arith.mulf %squeeze3A_793, %squeeze3A_793 : vector<200x128xf32>
    %mul3A_800 = vector.broadcast %slice3A_798 : vector<200x1xf32> to vector<200x128xf32>
    %mul3A_801 = arith.mulf %mul3A_800, %mul3A_799 : vector<200x128xf32>
    %add3A_802 = arith.addf %add3A_791, %mul3A_801 : vector<200x128xf32>
    %slice3A_803 = vector.extract_strided_slice %get3A_437 {offsets = [0, 33, 0], sizes = [200, 1, 128], strides = [1, 1, 1]} : vector<200x50x128xf32> to vector<200x1x128xf32>
    %squeeze3A_804 = vector.shape_cast %slice3A_803 : vector<200x1x128xf32> to vector<200x128xf32>
    %slice3A_805 = vector.extract_strided_slice %select_n3A_433 {offsets = [0, 33], sizes = [200, 1], strides = [1, 1]} : vector<200x50xf32> to vector<200x1xf32>
    %mul3A_806 = vector.broadcast %slice3A_805 : vector<200x1xf32> to vector<200x128xf32>
    %mul3A_807 = arith.mulf %mul3A_806, %squeeze3A_804 : vector<200x128xf32>
    %add3A_808 = arith.addf %add3A_797, %mul3A_807 : vector<200x128xf32>
    %slice3A_809 = vector.extract_strided_slice %mul3A {offsets = [0, 33], sizes = [200, 1], strides = [1, 1]} : vector<200x50xf32> to vector<200x1xf32>
    %mul3A_810 = arith.mulf %squeeze3A_804, %squeeze3A_804 : vector<200x128xf32>
    %mul3A_811 = vector.broadcast %slice3A_809 : vector<200x1xf32> to vector<200x128xf32>
    %mul3A_812 = arith.mulf %mul3A_811, %mul3A_810 : vector<200x128xf32>
    %add3A_813 = arith.addf %add3A_802, %mul3A_812 : vector<200x128xf32>
    %slice3A_814 = vector.extract_strided_slice %get3A_437 {offsets = [0, 34, 0], sizes = [200, 1, 128], strides = [1, 1, 1]} : vector<200x50x128xf32> to vector<200x1x128xf32>
    %squeeze3A_815 = vector.shape_cast %slice3A_814 : vector<200x1x128xf32> to vector<200x128xf32>
    %slice3A_816 = vector.extract_strided_slice %select_n3A_433 {offsets = [0, 34], sizes = [200, 1], strides = [1, 1]} : vector<200x50xf32> to vector<200x1xf32>
    %mul3A_817 = vector.broadcast %slice3A_816 : vector<200x1xf32> to vector<200x128xf32>
    %mul3A_818 = arith.mulf %mul3A_817, %squeeze3A_815 : vector<200x128xf32>
    %add3A_819 = arith.addf %add3A_808, %mul3A_818 : vector<200x128xf32>
    %slice3A_820 = vector.extract_strided_slice %mul3A {offsets = [0, 34], sizes = [200, 1], strides = [1, 1]} : vector<200x50xf32> to vector<200x1xf32>
    %mul3A_821 = arith.mulf %squeeze3A_815, %squeeze3A_815 : vector<200x128xf32>
    %mul3A_822 = vector.broadcast %slice3A_820 : vector<200x1xf32> to vector<200x128xf32>
    %mul3A_823 = arith.mulf %mul3A_822, %mul3A_821 : vector<200x128xf32>
    %add3A_824 = arith.addf %add3A_813, %mul3A_823 : vector<200x128xf32>
    %slice3A_825 = vector.extract_strided_slice %get3A_437 {offsets = [0, 35, 0], sizes = [200, 1, 128], strides = [1, 1, 1]} : vector<200x50x128xf32> to vector<200x1x128xf32>
    %squeeze3A_826 = vector.shape_cast %slice3A_825 : vector<200x1x128xf32> to vector<200x128xf32>
    %slice3A_827 = vector.extract_strided_slice %select_n3A_433 {offsets = [0, 35], sizes = [200, 1], strides = [1, 1]} : vector<200x50xf32> to vector<200x1xf32>
    %mul3A_828 = vector.broadcast %slice3A_827 : vector<200x1xf32> to vector<200x128xf32>
    %mul3A_829 = arith.mulf %mul3A_828, %squeeze3A_826 : vector<200x128xf32>
    %add3A_830 = arith.addf %add3A_819, %mul3A_829 : vector<200x128xf32>
    %slice3A_831 = vector.extract_strided_slice %mul3A {offsets = [0, 35], sizes = [200, 1], strides = [1, 1]} : vector<200x50xf32> to vector<200x1xf32>
    %mul3A_832 = arith.mulf %squeeze3A_826, %squeeze3A_826 : vector<200x128xf32>
    %mul3A_833 = vector.broadcast %slice3A_831 : vector<200x1xf32> to vector<200x128xf32>
    %mul3A_834 = arith.mulf %mul3A_833, %mul3A_832 : vector<200x128xf32>
    %add3A_835 = arith.addf %add3A_824, %mul3A_834 : vector<200x128xf32>
    %slice3A_836 = vector.extract_strided_slice %get3A_437 {offsets = [0, 36, 0], sizes = [200, 1, 128], strides = [1, 1, 1]} : vector<200x50x128xf32> to vector<200x1x128xf32>
    %squeeze3A_837 = vector.shape_cast %slice3A_836 : vector<200x1x128xf32> to vector<200x128xf32>
    %slice3A_838 = vector.extract_strided_slice %select_n3A_433 {offsets = [0, 36], sizes = [200, 1], strides = [1, 1]} : vector<200x50xf32> to vector<200x1xf32>
    %mul3A_839 = vector.broadcast %slice3A_838 : vector<200x1xf32> to vector<200x128xf32>
    %mul3A_840 = arith.mulf %mul3A_839, %squeeze3A_837 : vector<200x128xf32>
    %add3A_841 = arith.addf %add3A_830, %mul3A_840 : vector<200x128xf32>
    %slice3A_842 = vector.extract_strided_slice %mul3A {offsets = [0, 36], sizes = [200, 1], strides = [1, 1]} : vector<200x50xf32> to vector<200x1xf32>
    %mul3A_843 = arith.mulf %squeeze3A_837, %squeeze3A_837 : vector<200x128xf32>
    %mul3A_844 = vector.broadcast %slice3A_842 : vector<200x1xf32> to vector<200x128xf32>
    %mul3A_845 = arith.mulf %mul3A_844, %mul3A_843 : vector<200x128xf32>
    %add3A_846 = arith.addf %add3A_835, %mul3A_845 : vector<200x128xf32>
    %slice3A_847 = vector.extract_strided_slice %get3A_437 {offsets = [0, 37, 0], sizes = [200, 1, 128], strides = [1, 1, 1]} : vector<200x50x128xf32> to vector<200x1x128xf32>
    %squeeze3A_848 = vector.shape_cast %slice3A_847 : vector<200x1x128xf32> to vector<200x128xf32>
    %slice3A_849 = vector.extract_strided_slice %select_n3A_433 {offsets = [0, 37], sizes = [200, 1], strides = [1, 1]} : vector<200x50xf32> to vector<200x1xf32>
    %mul3A_850 = vector.broadcast %slice3A_849 : vector<200x1xf32> to vector<200x128xf32>
    %mul3A_851 = arith.mulf %mul3A_850, %squeeze3A_848 : vector<200x128xf32>
    %add3A_852 = arith.addf %add3A_841, %mul3A_851 : vector<200x128xf32>
    %slice3A_853 = vector.extract_strided_slice %mul3A {offsets = [0, 37], sizes = [200, 1], strides = [1, 1]} : vector<200x50xf32> to vector<200x1xf32>
    %mul3A_854 = arith.mulf %squeeze3A_848, %squeeze3A_848 : vector<200x128xf32>
    %mul3A_855 = vector.broadcast %slice3A_853 : vector<200x1xf32> to vector<200x128xf32>
    %mul3A_856 = arith.mulf %mul3A_855, %mul3A_854 : vector<200x128xf32>
    %add3A_857 = arith.addf %add3A_846, %mul3A_856 : vector<200x128xf32>
    %slice3A_858 = vector.extract_strided_slice %get3A_437 {offsets = [0, 38, 0], sizes = [200, 1, 128], strides = [1, 1, 1]} : vector<200x50x128xf32> to vector<200x1x128xf32>
    %squeeze3A_859 = vector.shape_cast %slice3A_858 : vector<200x1x128xf32> to vector<200x128xf32>
    %slice3A_860 = vector.extract_strided_slice %select_n3A_433 {offsets = [0, 38], sizes = [200, 1], strides = [1, 1]} : vector<200x50xf32> to vector<200x1xf32>
    %mul3A_861 = vector.broadcast %slice3A_860 : vector<200x1xf32> to vector<200x128xf32>
    %mul3A_862 = arith.mulf %mul3A_861, %squeeze3A_859 : vector<200x128xf32>
    %add3A_863 = arith.addf %add3A_852, %mul3A_862 : vector<200x128xf32>
    %slice3A_864 = vector.extract_strided_slice %mul3A {offsets = [0, 38], sizes = [200, 1], strides = [1, 1]} : vector<200x50xf32> to vector<200x1xf32>
    %mul3A_865 = arith.mulf %squeeze3A_859, %squeeze3A_859 : vector<200x128xf32>
    %mul3A_866 = vector.broadcast %slice3A_864 : vector<200x1xf32> to vector<200x128xf32>
    %mul3A_867 = arith.mulf %mul3A_866, %mul3A_865 : vector<200x128xf32>
    %add3A_868 = arith.addf %add3A_857, %mul3A_867 : vector<200x128xf32>
    %slice3A_869 = vector.extract_strided_slice %get3A_437 {offsets = [0, 39, 0], sizes = [200, 1, 128], strides = [1, 1, 1]} : vector<200x50x128xf32> to vector<200x1x128xf32>
    %squeeze3A_870 = vector.shape_cast %slice3A_869 : vector<200x1x128xf32> to vector<200x128xf32>
    %slice3A_871 = vector.extract_strided_slice %select_n3A_433 {offsets = [0, 39], sizes = [200, 1], strides = [1, 1]} : vector<200x50xf32> to vector<200x1xf32>
    %mul3A_872 = vector.broadcast %slice3A_871 : vector<200x1xf32> to vector<200x128xf32>
    %mul3A_873 = arith.mulf %mul3A_872, %squeeze3A_870 : vector<200x128xf32>
    %add3A_874 = arith.addf %add3A_863, %mul3A_873 : vector<200x128xf32>
    %slice3A_875 = vector.extract_strided_slice %mul3A {offsets = [0, 39], sizes = [200, 1], strides = [1, 1]} : vector<200x50xf32> to vector<200x1xf32>
    %mul3A_876 = arith.mulf %squeeze3A_870, %squeeze3A_870 : vector<200x128xf32>
    %mul3A_877 = vector.broadcast %slice3A_875 : vector<200x1xf32> to vector<200x128xf32>
    %mul3A_878 = arith.mulf %mul3A_877, %mul3A_876 : vector<200x128xf32>
    %add3A_879 = arith.addf %add3A_868, %mul3A_878 : vector<200x128xf32>
    %slice3A_880 = vector.extract_strided_slice %get3A_437 {offsets = [0, 40, 0], sizes = [200, 1, 128], strides = [1, 1, 1]} : vector<200x50x128xf32> to vector<200x1x128xf32>
    %squeeze3A_881 = vector.shape_cast %slice3A_880 : vector<200x1x128xf32> to vector<200x128xf32>
    %slice3A_882 = vector.extract_strided_slice %select_n3A_433 {offsets = [0, 40], sizes = [200, 1], strides = [1, 1]} : vector<200x50xf32> to vector<200x1xf32>
    %mul3A_883 = vector.broadcast %slice3A_882 : vector<200x1xf32> to vector<200x128xf32>
    %mul3A_884 = arith.mulf %mul3A_883, %squeeze3A_881 : vector<200x128xf32>
    %add3A_885 = arith.addf %add3A_874, %mul3A_884 : vector<200x128xf32>
    %slice3A_886 = vector.extract_strided_slice %mul3A {offsets = [0, 40], sizes = [200, 1], strides = [1, 1]} : vector<200x50xf32> to vector<200x1xf32>
    %mul3A_887 = arith.mulf %squeeze3A_881, %squeeze3A_881 : vector<200x128xf32>
    %mul3A_888 = vector.broadcast %slice3A_886 : vector<200x1xf32> to vector<200x128xf32>
    %mul3A_889 = arith.mulf %mul3A_888, %mul3A_887 : vector<200x128xf32>
    %add3A_890 = arith.addf %add3A_879, %mul3A_889 : vector<200x128xf32>
    %slice3A_891 = vector.extract_strided_slice %get3A_437 {offsets = [0, 41, 0], sizes = [200, 1, 128], strides = [1, 1, 1]} : vector<200x50x128xf32> to vector<200x1x128xf32>
    %squeeze3A_892 = vector.shape_cast %slice3A_891 : vector<200x1x128xf32> to vector<200x128xf32>
    %slice3A_893 = vector.extract_strided_slice %select_n3A_433 {offsets = [0, 41], sizes = [200, 1], strides = [1, 1]} : vector<200x50xf32> to vector<200x1xf32>
    %mul3A_894 = vector.broadcast %slice3A_893 : vector<200x1xf32> to vector<200x128xf32>
    %mul3A_895 = arith.mulf %mul3A_894, %squeeze3A_892 : vector<200x128xf32>
    %add3A_896 = arith.addf %add3A_885, %mul3A_895 : vector<200x128xf32>
    %slice3A_897 = vector.extract_strided_slice %mul3A {offsets = [0, 41], sizes = [200, 1], strides = [1, 1]} : vector<200x50xf32> to vector<200x1xf32>
    %mul3A_898 = arith.mulf %squeeze3A_892, %squeeze3A_892 : vector<200x128xf32>
    %mul3A_899 = vector.broadcast %slice3A_897 : vector<200x1xf32> to vector<200x128xf32>
    %mul3A_900 = arith.mulf %mul3A_899, %mul3A_898 : vector<200x128xf32>
    %add3A_901 = arith.addf %add3A_890, %mul3A_900 : vector<200x128xf32>
    %slice3A_902 = vector.extract_strided_slice %get3A_437 {offsets = [0, 42, 0], sizes = [200, 1, 128], strides = [1, 1, 1]} : vector<200x50x128xf32> to vector<200x1x128xf32>
    %squeeze3A_903 = vector.shape_cast %slice3A_902 : vector<200x1x128xf32> to vector<200x128xf32>
    %slice3A_904 = vector.extract_strided_slice %select_n3A_433 {offsets = [0, 42], sizes = [200, 1], strides = [1, 1]} : vector<200x50xf32> to vector<200x1xf32>
    %mul3A_905 = vector.broadcast %slice3A_904 : vector<200x1xf32> to vector<200x128xf32>
    %mul3A_906 = arith.mulf %mul3A_905, %squeeze3A_903 : vector<200x128xf32>
    %add3A_907 = arith.addf %add3A_896, %mul3A_906 : vector<200x128xf32>
    %slice3A_908 = vector.extract_strided_slice %mul3A {offsets = [0, 42], sizes = [200, 1], strides = [1, 1]} : vector<200x50xf32> to vector<200x1xf32>
    %mul3A_909 = arith.mulf %squeeze3A_903, %squeeze3A_903 : vector<200x128xf32>
    %mul3A_910 = vector.broadcast %slice3A_908 : vector<200x1xf32> to vector<200x128xf32>
    %mul3A_911 = arith.mulf %mul3A_910, %mul3A_909 : vector<200x128xf32>
    %add3A_912 = arith.addf %add3A_901, %mul3A_911 : vector<200x128xf32>
    %slice3A_913 = vector.extract_strided_slice %get3A_437 {offsets = [0, 43, 0], sizes = [200, 1, 128], strides = [1, 1, 1]} : vector<200x50x128xf32> to vector<200x1x128xf32>
    %squeeze3A_914 = vector.shape_cast %slice3A_913 : vector<200x1x128xf32> to vector<200x128xf32>
    %slice3A_915 = vector.extract_strided_slice %select_n3A_433 {offsets = [0, 43], sizes = [200, 1], strides = [1, 1]} : vector<200x50xf32> to vector<200x1xf32>
    %mul3A_916 = vector.broadcast %slice3A_915 : vector<200x1xf32> to vector<200x128xf32>
    %mul3A_917 = arith.mulf %mul3A_916, %squeeze3A_914 : vector<200x128xf32>
    %add3A_918 = arith.addf %add3A_907, %mul3A_917 : vector<200x128xf32>
    %slice3A_919 = vector.extract_strided_slice %mul3A {offsets = [0, 43], sizes = [200, 1], strides = [1, 1]} : vector<200x50xf32> to vector<200x1xf32>
    %mul3A_920 = arith.mulf %squeeze3A_914, %squeeze3A_914 : vector<200x128xf32>
    %mul3A_921 = vector.broadcast %slice3A_919 : vector<200x1xf32> to vector<200x128xf32>
    %mul3A_922 = arith.mulf %mul3A_921, %mul3A_920 : vector<200x128xf32>
    %add3A_923 = arith.addf %add3A_912, %mul3A_922 : vector<200x128xf32>
    %slice3A_924 = vector.extract_strided_slice %get3A_437 {offsets = [0, 44, 0], sizes = [200, 1, 128], strides = [1, 1, 1]} : vector<200x50x128xf32> to vector<200x1x128xf32>
    %squeeze3A_925 = vector.shape_cast %slice3A_924 : vector<200x1x128xf32> to vector<200x128xf32>
    %slice3A_926 = vector.extract_strided_slice %select_n3A_433 {offsets = [0, 44], sizes = [200, 1], strides = [1, 1]} : vector<200x50xf32> to vector<200x1xf32>
    %mul3A_927 = vector.broadcast %slice3A_926 : vector<200x1xf32> to vector<200x128xf32>
    %mul3A_928 = arith.mulf %mul3A_927, %squeeze3A_925 : vector<200x128xf32>
    %add3A_929 = arith.addf %add3A_918, %mul3A_928 : vector<200x128xf32>
    %slice3A_930 = vector.extract_strided_slice %mul3A {offsets = [0, 44], sizes = [200, 1], strides = [1, 1]} : vector<200x50xf32> to vector<200x1xf32>
    %mul3A_931 = arith.mulf %squeeze3A_925, %squeeze3A_925 : vector<200x128xf32>
    %mul3A_932 = vector.broadcast %slice3A_930 : vector<200x1xf32> to vector<200x128xf32>
    %mul3A_933 = arith.mulf %mul3A_932, %mul3A_931 : vector<200x128xf32>
    %add3A_934 = arith.addf %add3A_923, %mul3A_933 : vector<200x128xf32>
    %slice3A_935 = vector.extract_strided_slice %get3A_437 {offsets = [0, 45, 0], sizes = [200, 1, 128], strides = [1, 1, 1]} : vector<200x50x128xf32> to vector<200x1x128xf32>
    %squeeze3A_936 = vector.shape_cast %slice3A_935 : vector<200x1x128xf32> to vector<200x128xf32>
    %slice3A_937 = vector.extract_strided_slice %select_n3A_433 {offsets = [0, 45], sizes = [200, 1], strides = [1, 1]} : vector<200x50xf32> to vector<200x1xf32>
    %mul3A_938 = vector.broadcast %slice3A_937 : vector<200x1xf32> to vector<200x128xf32>
    %mul3A_939 = arith.mulf %mul3A_938, %squeeze3A_936 : vector<200x128xf32>
    %add3A_940 = arith.addf %add3A_929, %mul3A_939 : vector<200x128xf32>
    %slice3A_941 = vector.extract_strided_slice %mul3A {offsets = [0, 45], sizes = [200, 1], strides = [1, 1]} : vector<200x50xf32> to vector<200x1xf32>
    %mul3A_942 = arith.mulf %squeeze3A_936, %squeeze3A_936 : vector<200x128xf32>
    %mul3A_943 = vector.broadcast %slice3A_941 : vector<200x1xf32> to vector<200x128xf32>
    %mul3A_944 = arith.mulf %mul3A_943, %mul3A_942 : vector<200x128xf32>
    %add3A_945 = arith.addf %add3A_934, %mul3A_944 : vector<200x128xf32>
    %slice3A_946 = vector.extract_strided_slice %get3A_437 {offsets = [0, 46, 0], sizes = [200, 1, 128], strides = [1, 1, 1]} : vector<200x50x128xf32> to vector<200x1x128xf32>
    %squeeze3A_947 = vector.shape_cast %slice3A_946 : vector<200x1x128xf32> to vector<200x128xf32>
    %slice3A_948 = vector.extract_strided_slice %select_n3A_433 {offsets = [0, 46], sizes = [200, 1], strides = [1, 1]} : vector<200x50xf32> to vector<200x1xf32>
    %mul3A_949 = vector.broadcast %slice3A_948 : vector<200x1xf32> to vector<200x128xf32>
    %mul3A_950 = arith.mulf %mul3A_949, %squeeze3A_947 : vector<200x128xf32>
    %add3A_951 = arith.addf %add3A_940, %mul3A_950 : vector<200x128xf32>
    %slice3A_952 = vector.extract_strided_slice %mul3A {offsets = [0, 46], sizes = [200, 1], strides = [1, 1]} : vector<200x50xf32> to vector<200x1xf32>
    %mul3A_953 = arith.mulf %squeeze3A_947, %squeeze3A_947 : vector<200x128xf32>
    %mul3A_954 = vector.broadcast %slice3A_952 : vector<200x1xf32> to vector<200x128xf32>
    %mul3A_955 = arith.mulf %mul3A_954, %mul3A_953 : vector<200x128xf32>
    %add3A_956 = arith.addf %add3A_945, %mul3A_955 : vector<200x128xf32>
    %slice3A_957 = vector.extract_strided_slice %get3A_437 {offsets = [0, 47, 0], sizes = [200, 1, 128], strides = [1, 1, 1]} : vector<200x50x128xf32> to vector<200x1x128xf32>
    %squeeze3A_958 = vector.shape_cast %slice3A_957 : vector<200x1x128xf32> to vector<200x128xf32>
    %slice3A_959 = vector.extract_strided_slice %select_n3A_433 {offsets = [0, 47], sizes = [200, 1], strides = [1, 1]} : vector<200x50xf32> to vector<200x1xf32>
    %mul3A_960 = vector.broadcast %slice3A_959 : vector<200x1xf32> to vector<200x128xf32>
    %mul3A_961 = arith.mulf %mul3A_960, %squeeze3A_958 : vector<200x128xf32>
    %add3A_962 = arith.addf %add3A_951, %mul3A_961 : vector<200x128xf32>
    %slice3A_963 = vector.extract_strided_slice %mul3A {offsets = [0, 47], sizes = [200, 1], strides = [1, 1]} : vector<200x50xf32> to vector<200x1xf32>
    %mul3A_964 = arith.mulf %squeeze3A_958, %squeeze3A_958 : vector<200x128xf32>
    %mul3A_965 = vector.broadcast %slice3A_963 : vector<200x1xf32> to vector<200x128xf32>
    %mul3A_966 = arith.mulf %mul3A_965, %mul3A_964 : vector<200x128xf32>
    %add3A_967 = arith.addf %add3A_956, %mul3A_966 : vector<200x128xf32>
    %slice3A_968 = vector.extract_strided_slice %get3A_437 {offsets = [0, 48, 0], sizes = [200, 1, 128], strides = [1, 1, 1]} : vector<200x50x128xf32> to vector<200x1x128xf32>
    %squeeze3A_969 = vector.shape_cast %slice3A_968 : vector<200x1x128xf32> to vector<200x128xf32>
    %slice3A_970 = vector.extract_strided_slice %select_n3A_433 {offsets = [0, 48], sizes = [200, 1], strides = [1, 1]} : vector<200x50xf32> to vector<200x1xf32>
    %mul3A_971 = vector.broadcast %slice3A_970 : vector<200x1xf32> to vector<200x128xf32>
    %mul3A_972 = arith.mulf %mul3A_971, %squeeze3A_969 : vector<200x128xf32>
    %add3A_973 = arith.addf %add3A_962, %mul3A_972 : vector<200x128xf32>
    %slice3A_974 = vector.extract_strided_slice %mul3A {offsets = [0, 48], sizes = [200, 1], strides = [1, 1]} : vector<200x50xf32> to vector<200x1xf32>
    %mul3A_975 = arith.mulf %squeeze3A_969, %squeeze3A_969 : vector<200x128xf32>
    %mul3A_976 = vector.broadcast %slice3A_974 : vector<200x1xf32> to vector<200x128xf32>
    %mul3A_977 = arith.mulf %mul3A_976, %mul3A_975 : vector<200x128xf32>
    %add3A_978 = arith.addf %add3A_967, %mul3A_977 : vector<200x128xf32>
    %slice3A_979 = vector.extract_strided_slice %get3A_437 {offsets = [0, 49, 0], sizes = [200, 1, 128], strides = [1, 1, 1]} : vector<200x50x128xf32> to vector<200x1x128xf32>
    %squeeze3A_980 = vector.shape_cast %slice3A_979 : vector<200x1x128xf32> to vector<200x128xf32>
    %slice3A_981 = vector.extract_strided_slice %select_n3A_433 {offsets = [0, 49], sizes = [200, 1], strides = [1, 1]} : vector<200x50xf32> to vector<200x1xf32>
    %mul3A_982 = vector.broadcast %slice3A_981 : vector<200x1xf32> to vector<200x128xf32>
    %mul3A_983 = arith.mulf %mul3A_982, %squeeze3A_980 : vector<200x128xf32>
    %add3A_984 = arith.addf %add3A_973, %mul3A_983 : vector<200x128xf32>
    %slice3A_985 = vector.extract_strided_slice %mul3A {offsets = [0, 49], sizes = [200, 1], strides = [1, 1]} : vector<200x50xf32> to vector<200x1xf32>
    %mul3A_986 = arith.mulf %squeeze3A_980, %squeeze3A_980 : vector<200x128xf32>
    %mul3A_987 = vector.broadcast %slice3A_985 : vector<200x1xf32> to vector<200x128xf32>
    %mul3A_988 = arith.mulf %mul3A_987, %mul3A_986 : vector<200x128xf32>
    %add3A_989 = arith.addf %add3A_978, %mul3A_988 : vector<200x128xf32>
    %reduce_sum3A = arith.constant dense<0.000000e+00> : vector<128xf32>
    %reduce_sum3A_990 = vector.multi_reduction <add>, %add3A_984, %reduce_sum3A [0] : vector<200x128xf32> to vector<128xf32>
    %broadcast_in_dim3A_991 = vector.shape_cast %reduce_sum3A_990 : vector<128xf32> to vector<1x128xf32>
    %div3A = arith.constant 5.000000e+03 : f32
    %div3A_992 = vector.broadcast %div3A : f32 to vector<1x128xf32>
    %div3A_993 = arith.divf %broadcast_in_dim3A_991, %div3A_992 : vector<1x128xf32>
    %reduce_sum3A_994 = arith.constant dense<0.000000e+00> : vector<128xf32>
    %reduce_sum3A_995 = vector.multi_reduction <add>, %add3A_989, %reduce_sum3A_994 [0] : vector<200x128xf32> to vector<128xf32>
    %broadcast_in_dim3A_996 = vector.shape_cast %reduce_sum3A_995 : vector<128xf32> to vector<1x128xf32>
    %div3A_997 = arith.constant 5.000000e+03 : f32
    %div3A_998 = vector.broadcast %div3A_997 : f32 to vector<1x128xf32>
    %div3A_999 = arith.divf %broadcast_in_dim3A_996, %div3A_998 : vector<1x128xf32>
    %mul3A_1000 = arith.mulf %div3A_993, %div3A_993 : vector<1x128xf32>
    %sub3A = arith.subf %div3A_999, %mul3A_1000 : vector<1x128xf32>
    %add3A_1001 = arith.constant 9.99999974E-6 : f32
    %add3A_1002 = vector.broadcast %add3A_1001 : f32 to vector<1x128xf32>
    %add3A_1003 = arith.addf %sub3A, %add3A_1002 : vector<1x128xf32>
    %rsqrt3A = math.rsqrt %add3A_1003 : vector<1x128xf32>
    %div3A_1004 = arith.constant 2.500000e+01 : f32
    %div3A_1005 = vector.broadcast %div3A_1004 : f32 to vector<200x128xf32>
    %div3A_1006 = arith.divf %add3A_984, %div3A_1005 : vector<200x128xf32>
    %sub3A_1007 = vector.broadcast %div3A_993 : vector<1x128xf32> to vector<200x128xf32>
    %sub3A_1008 = arith.subf %div3A_1006, %sub3A_1007 : vector<200x128xf32>
    %mul3A_1009 = vector.broadcast %rsqrt3A : vector<1x128xf32> to vector<200x128xf32>
    %mul3A_1010 = arith.mulf %sub3A_1008, %mul3A_1009 : vector<200x128xf32>
    %get3A_1011 = arith.constant 0 : index
    %get3A_1012 = arith.constant 0 : index
    %get3A_1013 = vector.load %arg4[%get3A_1011, %get3A_1012] : memref<1x128xf32, #tpu.memory_space<vmem>>, vector<1x128xf32>
    %mul3A_1014 = vector.broadcast %get3A_1013 : vector<1x128xf32> to vector<200x128xf32>
    %mul3A_1015 = arith.mulf %mul3A_1010, %mul3A_1014 : vector<200x128xf32>
    %get3A_1016 = arith.constant 0 : index
    %get3A_1017 = arith.constant 0 : index
    %get3A_1018 = vector.load %arg5[%get3A_1016, %get3A_1017] : memref<1x128xf32, #tpu.memory_space<vmem>>, vector<1x128xf32>
    %add3A_1019 = vector.broadcast %get3A_1018 : vector<1x128xf32> to vector<200x128xf32>
    %add3A_1020 = arith.addf %mul3A_1015, %add3A_1019 : vector<200x128xf32>
    %get3A_1021 = arith.constant 0 : index
    %get3A_1022 = arith.constant 0 : index
    %get3A_1023 = vector.load %arg6[%get3A_1021, %get3A_1022] : memref<128x4xf32, #tpu.memory_space<vmem>>, vector<128x4xf32>
    %dot_general3A = arith.constant dense<0.000000e+00> : vector<200x4xf32>
    %dot_general3A_1024 = tpu.matmul %add3A_1020, %get3A_1023, %dot_general3A {dimension_numbers = #tpu.dot_dimension_numbers<[1], [0], [0], [1], [0, 0, 1, 1], [], []>, transpose_lhs_hint = false} : vector<200x128xf32>, vector<128x4xf32>, vector<200x4xf32> -> vector<200x4xf32>
    %get3A_1025 = arith.constant 0 : index
    %get3A_1026 = arith.constant 0 : index
    %get3A_1027 = vector.load %arg7[%get3A_1025, %get3A_1026] : memref<1x4xf32, #tpu.memory_space<vmem>>, vector<1x4xf32>
    %add3A_1028 = vector.broadcast %get3A_1027 : vector<1x4xf32> to vector<200x4xf32>
    %add3A_1029 = arith.addf %dot_general3A_1024, %add3A_1028 : vector<200x4xf32>
    %reduce_max3A_1030 = arith.constant dense<0xFF800000> : vector<200xf32>
    %reduce_max3A_1031 = vector.multi_reduction <maximumf>, %add3A_1029, %reduce_max3A_1030 [1] : vector<200x4xf32> to vector<200xf32>
    %broadcast_in_dim3A_1032 = vector.shape_cast %reduce_max3A_1031 : vector<200xf32> to vector<200x1xf32>
    %sub3A_1033 = vector.broadcast %broadcast_in_dim3A_1032 : vector<200x1xf32> to vector<200x4xf32>
    %sub3A_1034 = arith.subf %add3A_1029, %sub3A_1033 : vector<200x4xf32>
    %exp3A = math.exp %sub3A_1034 : vector<200x4xf32>
    %reduce_sum3A_1035 = arith.constant dense<0.000000e+00> : vector<200xf32>
    %reduce_sum3A_1036 = vector.multi_reduction <add>, %exp3A, %reduce_sum3A_1035 [1] : vector<200x4xf32> to vector<200xf32>
    %broadcast_in_dim3A_1037 = vector.shape_cast %reduce_sum3A_1036 : vector<200xf32> to vector<200x1xf32>
    %log3A = math.log %broadcast_in_dim3A_1037 : vector<200x1xf32>
    %add3A_1038 = arith.addf %log3A, %broadcast_in_dim3A_1032 : vector<200x1xf32>
    %sub3A_1039 = vector.broadcast %add3A_1038 : vector<200x1xf32> to vector<200x4xf32>
    %sub3A_1040 = arith.subf %add3A_1029, %sub3A_1039 : vector<200x4xf32>
    %swap3A = arith.constant 0 : index
    %swap3A_1041 = arith.constant 0 : index
    %swap3A_1042 = vector.load %arg8[%swap3A, %swap3A_1041] : memref<200x4xf32, #tpu.memory_space<vmem>>, vector<200x4xf32>
    tpu.vector_store %arg8[%swap3A, %swap3A_1041], %sub3A_1040 {strides = array<i32>} : memref<200x4xf32, #tpu.memory_space<vmem>>, vector<200x4xf32>,
    return
  }
}

</mosaic_0001>

<sc_bundles>
// kernel: kernel.10.cloned.1.call-start
scs
__scs_entry_jumppad:
0x0: {  	(pc) =	sbr.rel $0x88, $3  }
0x1: {  	(tag) =	ssettag $0x0;
	lr =	simm.s32 $0x1  }
0x2: {  	[smem:$0x3F95] =	sst lr;
	_ =	strace $0xD0000000  }
0x3: {  	_ = 	snop  }
0x4: {  	_ = 	snop  }
0x5: {  	_ = 	snop  }
0x6: {  	_ = 	snop  }
0x7: {  	_ = 	snop  }
__scs_overlays_trampoline_lowered:
0x8: {  	[smem:$0x3FA4] =	sst s0  }
0x9: {  	[smem:$0x3FA5] =	sst s1  }
0xa: {  	[smem:$0x3FA6] =	sst s2  }
0xb: {  	[smem:$0x3FA7] =	sst s3  }
0xc: {  	[smem:$0x3FA8] =	sst s4  }
0xd: {  	[smem:$0x3FA9] =	sst s5  }
0xe: {  	[smem:$0x3FAA] =	sst s6  }
0xf: {  	[smem:$0x3FAB] =	sst s7  }
0x10: {  	[smem:$0x3FAC] =	sst s8  }
0x11: {  	[smem:$0x3FAD] =	sst s9;
	s0 =	simm.s32 @!p0 $0x0  }
0x12: {  	s1 =	sld [smem:$0x3F93];
	s0 =	simm.s32 @p0 $0x1  }
0x13: {  	[smem:$0x3FAE] =	sst s0;
	s0 =	simm.s32 @!p1 $0x0  }
0x14: {  	s2 =	sld [smem:$0x3F92];
	s0 =	simm.s32 @p1 $0x1  }
0x15: {  	[smem:$0x3FAF] =	sst s0;
	s0 =	simm.s32 @!p2 $0x0  }
0x16: {  	s3 =	sld [smem:$0x3FDB];
	s0 =	simm.s32 @p2 $0x1  }
0x17: {  	s4 =	simm.s32 $0x1BF5;
	[smem:$0x3FB1] =	sst s0  }
0x18: {  	s0 =	sld [smem:$0x3F94];
	_ =	swait.ge [sflag:s4], $0x0  }
0x19: {  	s7 =	sld [smem:$0x3F95]  }
0x1a: {  	s8 =	sadd.s32 $0xFFFFE003, lr  }
0x1b: {  	s9 =	sadd.s32 $0xFFFFFEF7, lr;
	s5 =	simm.s32 $0xFFFFFFFF;
	p2 =	slt.u32 s8, $0xFFFFF086  }
0x1c: {  	p1 =	slt.u32 s9, $0xF7A;
	s5 =	simm.s32 @!p2 $0x0  }
0x1d: {  	s5 =	simm.s32 @p1 $0x1;
	p0 =	seq.s32 s7, s2  }
0x1e: {  	s7 =	smul.u32 @!p0 $0xF7A, s2;
	p2 =	seq.s32 @!p0 s5, $0x0  }
0x1f: {  	s9 =	smul.u32 $0xF7A, s1;
	s8 =	simm.s32 @!p0 $0x1BF5;
	p2 =	por !p2, p0  }
0x20: {  	[sflag:s8] =	ssyncset.s32 @!p0 $0xFFFFF086;
	s6 =	sadd.s32 @!p0 s3, s7;
	s7 =	simm.s32 @!p0 $0x108  }
0x21: {  	s3 =	sadd.s32 s3, s9;
	s6 =	sadd.s32 @!p0 $0x88, s6;
	s7 =	simm.s32 @p2 $0x1082  }
0x22: {  	[simem:s7], [sflag:s8] =	dma.local @!p0 [hbm:s6], $0xF7A  }
0x23: {  	s9 =	sor.u32 $0xD0000000, s2;
	s6 =	simm.s32 $0x108;
	_ =	swait.ge @!p0 [sflag:s8], $0x0  }
0x24: {  	s3 =	sadd.s32 $0x88, s3;
	s6 =	simm.s32 @!p1 $0x1082;
	[sflag:s4] =	ssyncset.s32 $0xFFFFF086  }
0x25: {  	[simem:s6], [sflag:s4] =	dma.local [hbm:s3], $0xF7A  }
0x26: {  	[smem:$0x3F95] =	sst s1;
	(tag) =	ssettag s2;
	_ =	strace s9  }
0x27: {  	s1 =	sld [smem:$0x3FA5]  }
0x28: {  	s2 =	sld [smem:$0x3FA6]  }
0x29: {  	s4 =	sld [smem:$0x3FA8]  }
0x2a: {  	p0 =	seq.s32 s5, $0x0;
	s5 =	sld [smem:$0x3FA9]  }
0x2b: {  	s6 =	sld [smem:$0x3FAA]  }
0x2c: {  	s7 =	sld [smem:$0x3FAB]  }
0x2d: {  	s3 =	simm.s32 $0x108;
	s8 =	sld [smem:$0x3FAC]  }
0x2e: {  	s3 =	simm.s32 @!p0 $0x1082;
	s9 =	sld [smem:$0x3FAD]  }
0x2f: {  	lr =	sadd.s32 s0, s3;
	s0 =	sld [smem:$0x3FA4]  }
0x30: {  	s3 =	sld [smem:$0x3FA7]  }
0x31: {  	[smem:$0x3FB0] =	sst s10  }
0x32: {  	s10 =	sld [smem:$0x3FAE];
	_ =	sdelay $0x3  }
0x33: {  	p0 =	seq.s32 s10, $0x1;
	s10 =	sld [smem:$0x3FB0];
	_ =	sdelay $0x3  }
0x34: {  	[smem:$0x3FB0] =	sst s10  }
0x35: {  	s10 =	sld [smem:$0x3FAF];
	_ =	sdelay $0x3  }
0x36: {  	p1 =	seq.s32 s10, $0x1;
	s10 =	sld [smem:$0x3FB0];
	_ =	sdelay $0x3  }
0x37: {  	[smem:$0x3FB0] =	sst s10  }
0x38: {  	s10 =	sld [smem:$0x3FB1]  }
0x39: {  	_ = 	snop;
	(pc) =	sbr.ind lr, $3  }
0x3a: {  	_ = 	snop  }
0x3b: {  	_ = 	snop  }
0x3c: {  	p2 =	seq.s32 s10, $0x1;
	s10 =	sld [smem:$0x3FB0]  }
0x3d: {  	_ =	shalt  }
0x3e: {  	_ =	shalt  }
0x3f: {  	_ =	shalt  }
0x40: {  	_ =	shalt  }
0x41: {  	_ =	shalt  }
0x42: {  	_ =	shalt  }
0x43: {  	_ =	shalt  }
0x44: {  	_ =	shalt  }
0x45: {  	_ =	shalt  }
0x46: {  	_ =	shalt  }
0x47: {  	_ =	shalt  }
0x48: {  	_ =	shalt  }
0x49: {  	_ =	shalt  }
0x4a: {  	_ =	shalt  }
0x4b: {  	_ =	shalt  }
0x4c: {  	_ =	shalt  }
0x4d: {  	_ =	shalt  }
0x4e: {  	_ =	shalt  }
0x4f: {  	_ =	shalt  }
0x50: {  	_ =	shalt  }
0x51: {  	_ =	shalt  }
0x52: {  	_ =	shalt  }
0x53: {  	_ =	shalt  }
0x54: {  	_ =	shalt  }
0x55: {  	_ =	shalt  }
0x56: {  	_ =	shalt  }
0x57: {  	_ =	shalt  }
0x58: {  	_ =	shalt  }
0x59: {  	_ =	shalt  }
0x5a: {  	_ =	shalt  }
0x5b: {  	_ =	shalt  }
0x5c: {  	_ =	shalt  }
0x5d: {  	_ =	shalt  }
0x5e: {  	_ =	shalt  }
0x5f: {  	_ =	shalt  }
0x60: {  	_ =	shalt  }
0x61: {  	_ =	shalt  }
0x62: {  	_ =	shalt  }
0x63: {  	_ =	shalt  }
0x64: {  	_ =	shalt  }
0x65: {  	_ =	shalt  }
0x66: {  	_ =	shalt  }
0x67: {  	_ =	shalt  }
0x68: {  	_ =	shalt  }
0x69: {  	_ =	shalt  }
0x6a: {  	_ =	shalt  }
0x6b: {  	_ =	shalt  }
0x6c: {  	_ =	shalt  }
0x6d: {  	_ =	shalt  }
0x6e: {  	_ =	shalt  }
0x6f: {  	_ =	shalt  }
0x70: {  	_ =	shalt  }
0x71: {  	_ =	shalt  }
0x72: {  	_ =	shalt  }
0x73: {  	_ =	shalt  }
0x74: {  	_ =	shalt  }
0x75: {  	_ =	shalt  }
0x76: {  	_ =	shalt  }
0x77: {  	_ =	shalt  }
0x78: {  	_ =	shalt  }
0x79: {  	_ =	shalt  }
0x7a: {  	_ =	shalt  }
0x7b: {  	_ =	shalt  }
0x7c: {  	_ =	shalt  }
0x7d: {  	_ =	shalt  }
0x7e: {  	_ =	shalt  }
0x7f: {  	_ =	shalt  }
0x80: {  	_ =	shalt  }
0x81: {  	_ =	shalt  }
0x82: {  	_ =	shalt  }
0x83: {  	_ =	shalt  }
0x84: {  	_ =	shalt  }
0x85: {  	_ =	shalt  }
0x86: {  	_ =	shalt  }
0x87: {  	_ =	shalt  }
.Lfunc_end0:
.L_simem_size_0:
called_computation.1_lowered:
.L_overlay_start_0:
0x88: {  	s2 =	sld [smem:$0x3FD9]  }
0x89: {  	s3 =	sld [smem:$0x3FFE];
	_ =	sdelay $0x1  }
0x8a: {  	s1 =	srdreg.scid  }
0x8b: {  	s0 =	sand.u32 $0x1, s1  }
0x8c: {  	s17 =	sshll.u32 s0, $0xA;
	s2 =	sadd.s32 s3, s2  }
0x8d: {  	s2 =	sadd.s32 s2, s17  }
0x8e: {  	[smem:$0x3FBC] =	sst s2  }
0x8f: {  	_ = 	snop  }
0x90: {  	s2 =	sld [smem:$0x3FD0];
	(tm) =	ssettm $0x1  }
0x91: {  	s18 =	sld [smem:$0x3FFB];
	_ =	sdelay $0x3  }
0x92: {  	_ =	strace s18  }
0x93: {  	s3 =	sld [smem:$0x3FFC];
	_ =	sdelay $0x3  }
0x94: {  	_ =	strace s3  }
0x95: {  	s3 =	sld [smem:$0x3FFD];
	_ =	sdelay $0x3  }
0x96: {  	_ =	strace s3  }
0x97: {  	_ =	strace $0x8FFFFFFF  }
0x98: {  	s19 =	sld [smem:$0x3FDB];
	_ =	sdelay $0x1  }
0x99: {  	s4 =	simm.s32 $_scs_section_size  }
0x9a: {  	s5 =	simm.s32 $_size__tile_overlayer_lowered;
	s6 =	simm.s32 $_tile_overlayer_lowered  }
0x9b: {  	s22 =	simm.s32 $0x1BFF;
	s21 =	sshll.u32 s6, $0x1;
	s3 =	sadd.s32 s4, s19  }
0x9c: {  	s7 =	simm.s32 $0x0;
	s20 =	sshll.u32 s5, $0x1;
	s5 =	sadd.s32 s21, s3  }
0x9d: {  	[timem:s7], [sflag:s22] =	dma.local [hbm:s5], s20  }
0x9e: {  	_ =	swait.ge [sflag:s22], s20  }
0x9f: {  	s4 =	ssub.s32 $0x0, s20;
	[sflag:s22] =	ssyncset.done $0x0  }
0xa0: {  	[sflag:s22] =	ssyncadd.s32 s4;
	_ =	sdelay $0x1  }
0xa1: {  	s23 =	simm.s32 $0x1B8B  }
0xa2: {  	_ =	swait.ge [sflag:s23], $0x1  }
0xa3: {  	[sflag:s23] =	ssyncset.done $0x0  }
0xa4: {  	s25 =	simm.s32 $0x1B8E;
	s24 =	sld [smem:$0x3FFE];
	[sflag:s23] =	ssyncadd.s32 $0xFFFFFFFF  }
0xa5: {  	s26 =	simm.s32 $execute0_lowered;
	[smem:$0x3FD2] =	sst s25  }
0xa6: {  	s5 =	sshll.u32 s26, $0x1;
	_ =	strace $0x80000049;
	[dreg:$0x1] =	wrdreg $0xFFFFFFFF  }
0xa7: {  	s28 =	simm.s32 $_size_execute0_lowered;
	s3 =	sadd.s32 s3, s5;
	[dreg:$0x0] =	wrdreg $0x0  }
0xa8: {  	s5 =	sshll.u32 s28, $0x1;
	[dreg:$0x2] =	wrdreg s3  }
0xa9: {  	[dreg:$0x3] =	wrdreg s5  }
0xaa: {  	[dreg:$0x4] =	wrdreg $0xC0  }
0xab: {  	_ =	task [dreg:s7], $0x5FFFF  }
0xac: {  	[dreg:$0x1] =	wrdreg $0xFFFFFFFF  }
0xad: {  	[dreg:$0x0] =	wrdreg $0x60  }
0xae: {  	[dreg:$0x2] =	wrdreg s24  }
0xaf: {  	[dreg:$0x3] =	wrdreg s2  }
0xb0: {  	[dreg:$0x4] =	wrdreg $0xAC000  }
0xb1: {  	[dreg:$0x5] =	wrdreg $0x1EC000  }
0xb2: {  	[dreg:$0x6] =	wrdreg $0x9  }
0xb3: {  	_ =	task.clear_ibuf [dreg:s7], $0x7FFFF;
	_ =	strace $0x90000049  }
0xb4: {  	s29 =	simm.s32 $0x9;
	_ =	strace $0x8000004B  }
0xb5: {  	_ =	swait.ge [sflag:s29], $0x1  }
0xb6: {  	[sflag:s29] =	ssyncadd.s32 $0xFFFFFFFF  }
0xb7: {  	_ =	strace $0x9000004B  }
0xb8: {  	_ =	sfence  }
0xb9: {  	s30 =	sld [smem:$0x0];
	_ =	sdelay $0x2  }
0xba: {  	s31 =	sshll.u32 s1, $0xD;
	s1 =	sshrl.u32 s1, $0x2  }
0xbb: {  	s3 =	sand.u32 $0x4000, s31;
	s1 =	sadd.s32 s1, s30  }
0xbc: {  	s0 =	sor.u32 s3, s0;
	s1 =	sshll.u32 s1, $0x11  }
0xbd: {  	s0 =	sor.u32 s1, s0  }
0xbe: {  	s0 =	sadd.s32 $0x8F2B, s0  }
0xbf: {  	[sflag:s0] =	ssyncadd.remote.s32 $0x1  }
0xc0: {  	_ =	sfence.sel $0xFFFF  }
0xc1: {  	[dreg:$0x0] =	wrdreg $0xFFFFFFFF;
	(pc) =	sbr.abs _section_cstart, $3  }
0xc2: {  	[dreg:$0x1] =	wrdreg $0xFFFFFFFF  }
0xc3: {  	_ =	task.clear_ibuf [dreg:s7], $0x2FFFF;
	_ =	strace $0x9FFFFFFF  }
0xc4: {  	(tm) =	ssettm $0x7FFFFFFF  }
0xc5: {  	_ =	shalt  }
tec
execute0_lowered:
.L_overlay_start_1:
0x0: {  	(tag) =	ssettag $0x1  }
0x1: {  	s0 =	rddreg [dreg:$0x0]  }
0x2: {  	s1 =	srdreg.scid;
	s3 =	rddreg [dreg:$0x2]  }
0x3: {  	s16 =	stileid.u32;
	s4 =	rddreg [dreg:$0x3]  }
0x4: {  	s5 =	simm.s32 $0x0;
	s29 =	simm.s32 $0x2900;
	s30 =	simm.s32 $0x6  }
0x5: {  	s31 =	simm.s32 $0xA980;
	s1 =	sand.u32 $0x1, s1;
	s10 =	smul.u32 $0x500, s16  }
0x6: {  	[smem:$0x7FF] =	sst s5;
	s7 =	sadd.s32 $0x16E00, s0;
	s13 =	smul.u32 $0x280, s16  }
0x7: {  	s8 =	sadd.s32 $0x2400, s0;
	s11 =	sadd.s32 $0x3EA00, s0;
	s15 =	smul.u32 $0x14000, s16  }
0x8: {  	s21 =	smul.u32 $0x50000, s16;
	s2 =	sshll.u32 s1, $0x4;
	_ =	strace $0x8000004A  }
0x9: {  	s12 =	sshll.u32 s1, $0x7;
	s20 =	ssub.s32 $0x2, s1;
	s1 =	smul.u32 $0x140000, s1  }
0xa: {  	s2 =	sor.u32 s16, s2;
	s10 =	sor.u32 s12, s10;
	s14 =	sshrl.u32 s20, $0x1  }
0xb: {  	s23 =	sshll.u32 s13, $0x7;
	s6 =	smul.u32 $0x2800, s2;
	s10 =	sshrl.u32 s10, $0x3  }
0xc: {  	s12 =	ssub.s32 s20, s14;
	s18 =	sadd.s32 $0x4000, s23;
	s19 =	sadd.s32 $0x8000, s23  }
0xd: {  	s15 =	sadd.s32 s15, s1;
	s20 =	sadd.s32 $0xC000, s23;
	s16 =	sadd.s32 $0x10000, s23  }
0xe: {  	s23 =	sshrl.u32 s21, $0x2;
	s14 =	simm.s32 $0x100;
	s15 =	sshrl.u32 s15, $0x3  }
0xf: {  	s17 =	sadd.s32 s1, s18;
	s25 =	sadd.s32 s1, s19;
	s26 =	sadd.s32 s1, s20  }
0x10: {  	s1 =	sadd.s32 s1, s16;
	s18 =	sadd.s32 s18, s3;
	s19 =	sadd.s32 s19, s3  }
0x11: {  	s20 =	sadd.s32 s20, s3;
	s21 =	sadd.s32 s16, s3;
	s2 =	sshrl.u32 s6, $0x3  }
0x12: {  	s15 =	sadd.s32 s11, s15;
	s24 =	sshrl.u32 s17, $0x3;
	s17 =	sshrl.u32 s26, $0x3  }
0x13: {  	s1 =	sshrl.u32 s1, $0x3;
	s9 =	sadd.s32 s2, s0;
	[dreg:$0x5] =	wrdreg s15  }
0x14: {  	s15 =	sadd.s32 s11, s24;
	s28 =	sadd.s32 s11, s17;
	s1 =	sadd.s32 s11, s1  }
0x15: {  	s17 =	sadd.s32 s23, s3;
	s23 =	sadd.s32 s8, s2;
	[dreg:$0x6] =	wrdreg s15  }
0x16: {  	s2 =	simm.s32 $0xA900;
	s15 =	sshrl.u32 s25, $0x3;
	[dreg:$0x8] =	wrdreg s28  }
0x17: {  	[dreg:$0x9] =	wrdreg s1;
	s22 =	sadd.s32 $0xC400, s9;
	s25 =	smax.u32 s12, $0x1  }
0x18: {  	s26 =	sadd.s32 $0x10, s23;
	s28 =	sadd.s32 $0x4E0, s23;
	[dreg:$0xc] =	wrdreg s22  }
0x19: {  	s1 =	simm.s32 $0x80;
	s9 =	simm.s32 $0x4;
	[dreg:$0xe] =	wrdreg s25  }
0x1a: {  	s12 =	simm.s32 $0x3;
	s15 =	sadd.s32 s11, s15;
	[dreg:$0xf] =	wrdreg s26  }
0x1b: {  	s11 =	sadd.s32 $0x16400, s0;
	s22 =	sadd.s32 s13, s4;
	[dreg:$0x10] =	wrdreg s28  }
0x1c: {  	s13 =	simm.s32 $0x2;
	s25 =	simm.s32 $0x0;
	[dreg:$0x7] =	wrdreg s15  }
0x1d: {  	[dreg:$0xa] =	wrdreg s11;
	s15 =	sadd.s32 s10, s0;
	s0 =	sadd.s32 $0x16C00, s0  }
0x1e: {  	s10 =	simm.s32 $0x6900;
	[dreg:$0xb] =	wrdreg s0;
	s24 =	sadd.s32 $0x3E000, s15  }
0x1f: {  	s11 =	simm.s32 $0x1;
	[dreg:$0xd] =	wrdreg s24;
	s24 =	simm.s32 $0x5  }
.LBB2_1:
0x20: {  	s0 =	rddreg [dreg:$0xa]  }
0x21: {  	[tilespmem:s29], [sflag:$0x6] =	stream.linear.gather [hbm4b:s0+s5], $0x4000, $0x38;
	[tilespmem:$0x1EE80] =	vst v63  }
0x22: {  	_ =	swait.ge [sflag:s30], $0x4000  }
0x23: {  	[sflag:s30] =	ssyncset.done $0x0  }
0x24: {  	[sflag:s30] =	ssyncadd.s32 $0xFFFFC000  }
0x25: {  	s26 =	rddreg [dreg:$0x1]  }
0x26: {  	[tilespmem:s31], [sflag:$0x6] =	stream.linear.gather [hbm4b:s26+s5], $0x280, $0x38;
	[tilespmem:$0x1EE80] =	vst v63  }
0x27: {  	_ =	swait.ge [sflag:s30], $0x280  }
0x28: {  	[sflag:s30] =	ssyncset.done $0x0  }
0x29: {  	s15 =	rddreg [dreg:$0xb];
	[sflag:s30] =	ssyncadd.s32 $0xFFFFFD80  }
0x2a: {  	[tilespmem:s2], [sflag:$0x6] =	stream.linear.gather [hbm4b:s15+s5], $0x80, $0x38;
	[tilespmem:$0x1EE80] =	vst v63  }
0x2b: {  	_ =	swait.ge [sflag:s30], $0x80  }
0x2c: {  	[sflag:s30] =	ssyncset.done $0x0  }
0x2d: {  	s16 =	rddreg [dreg:$0xc];
	[sflag:s30] =	ssyncadd.s32 $0xFFFFFF80  }
0x2e: {  	[tilespmem:s14], [sflag:$0x6] =	stream.linear.gather [hbm4b:s16+s5], $0x2780, $0x38;
	[tilespmem:$0x1EE80] =	vst v63  }
0x2f: {  	_ =	swait.ge [sflag:s30], $0x2780  }
0x30: {  	[sflag:s30] =	ssyncset.done $0x0  }
0x31: {  	[sflag:s30] =	ssyncadd.s32 $0xFFFFD880  }
0x32: {  	[spmem:s17] =	stream.linear.scatter [tilespmem:s29], [sflag:$0x6], $0x4000, $0x38;
	[tilespmem:$0x1EE80] =	vst v63  }
0x33: {  	_ =	swait.ge [sflag:s30], $0x4000  }
0x34: {  	[sflag:s30] =	ssyncset.done $0x0  }
0x35: {  	[sflag:s30] =	ssyncadd.s32 $0xFFFFC000  }
0x36: {  	[spmem:s18] =	stream.linear.scatter [tilespmem:s29], [sflag:$0x6], $0x4000, $0x38;
	[tilespmem:$0x1EE80] =	vst v63  }
0x37: {  	_ =	swait.ge [sflag:s30], $0x4000  }
0x38: {  	[sflag:s30] =	ssyncset.done $0x0  }
0x39: {  	[sflag:s30] =	ssyncadd.s32 $0xFFFFC000  }
0x3a: {  	[spmem:s19] =	stream.linear.scatter [tilespmem:s29], [sflag:$0x6], $0x4000, $0x38;
	[tilespmem:$0x1EE80] =	vst v63  }
0x3b: {  	_ =	swait.ge [sflag:s30], $0x4000  }
0x3c: {  	[sflag:s30] =	ssyncset.done $0x0  }
0x3d: {  	[sflag:s30] =	ssyncadd.s32 $0xFFFFC000  }
0x3e: {  	[spmem:s20] =	stream.linear.scatter [tilespmem:s29], [sflag:$0x6], $0x4000, $0x38;
	[tilespmem:$0x1EE80] =	vst v63  }
0x3f: {  	_ =	swait.ge [sflag:s30], $0x4000  }
0x40: {  	[sflag:s30] =	ssyncset.done $0x0  }
0x41: {  	[sflag:s30] =	ssyncadd.s32 $0xFFFFC000  }
0x42: {  	[spmem:s21] =	stream.linear.scatter [tilespmem:s29], [sflag:$0x6], $0x4000, $0x38;
	[tilespmem:$0x1EE80] =	vst v63  }
0x43: {  	_ =	swait.ge [sflag:s30], $0x4000  }
0x44: {  	[sflag:s30] =	ssyncset.done $0x0  }
0x45: {  	[sflag:s30] =	ssyncadd.s32 $0xFFFFC000  }
0x46: {  	[spmem:s22] =	stream.linear.scatter [tilespmem:s31], [sflag:$0x6], $0x280, $0x38;
	[tilespmem:$0x1EE80] =	vst v63  }
0x47: {  	_ =	swait.ge [sflag:s30], $0x280  }
0x48: {  	[sflag:s30] =	ssyncset.done $0x0  }
0x49: {  	[sflag:s30] =	ssyncadd.s32 $0xFFFFFD80  }
0x4a: {  	[tilespmem:s5], [sflag:$0x6] =	stream.linear.gather [hbm4b:s23+s5], $0x80, $0x38;
	[tilespmem:$0x1EE80] =	vst v63  }
0x4b: {  	_ =	swait.ge [sflag:s30], $0x80  }
0x4c: {  	[sflag:s30] =	ssyncset.done $0x0  }
0x4d: {  	[sflag:s30] =	ssyncadd.s32 $0xFFFFFF80  }
0x4e: {  	[tilespmem:s29], [sflag:$0x1] =	stream.indirect.gather [hbm4b:s7+s1], $0x80, s5, s1, $0xb8;
	[tilespmem:$0x1EE80] =	vst v63  }
0x4f: {  	s26 =	rddreg [dreg:$0xf]  }
0x50: {  	[tilespmem:s1], [sflag:$0x4] =	stream.linear.gather [hbm4b:s26+s5], $0x80, $0x38;
	[tilespmem:$0x1EE80] =	vst v63  }
0x51: {  	[bflag:$0x0] =	sbarrier.arrive $0xFFFF  }
0x52: {  	s14 =	simm.s32 $0x100;
	_ =	swait.ge [sflag:s9], $0x80  }
0x53: {  	s26 =	sand.u32 $0x7C00, s14;
	[sflag:s9] =	ssyncset.done $0x0  }
0x54: {  	s0 =	sand.u32 $0x300, s14;
	s26 =	sadd.s32 s6, s26;
	[sflag:s9] =	ssyncadd.s32 $0xFFFFFF80  }
0x55: {  	[tilespmem:s10], [sflag:$0x2] =	stream.indirect.gather [hbm4b:s7+s1], $0x80, s1, s1, $0xb8;
	[tilespmem:$0x1EE80] =	vst v63  }
0x56: {  	s0 =	sor.u32 s0, s26;
	_ =	swait.ge [sflag:s11], $0x4000  }
0x57: {  	s0 =	sshrl.u32 s0, $0x3;
	[sflag:s11] =	ssyncset.done $0x0  }
0x58: {  	s0 =	sadd.s32 s8, s0;
	[sflag:s11] =	ssyncadd.s32 $0xFFFFC000  }
0x59: {  	[tilespmem:s5], [sflag:$0x3] =	stream.linear.gather [hbm4b:s0+s5], $0x80, $0x38;
	[tilespmem:$0x1EE80] =	vst v63  }
0x5a: {  	s15 =	simm.s32 $0x100  }
0x5b: {  	[spmem:s3] =	stream.indirect.scatter.add.f32 [tilespmem:s29], [sflag:$0x6], $0x80, s15, s1, $0xb8;
	[tilespmem:$0x1EE80] =	vst v63  }
0x5c: {  	_ =	swait.ge [sflag:s30], $0x4000  }
0x5d: {  	[sflag:s30] =	ssyncset.done $0x0  }
0x5e: {  	[sflag:s30] =	ssyncadd.s32 $0xFFFFC000  }
0x5f: {  	[spmem:s4] =	stream.indirect.scatter.add.f32 [tilespmem:s2], [sflag:$0x5], $0x1, s15, s1, $0xb8;
	[tilespmem:$0x1EE80] =	vst v63  }
0x60: {  	s26 =	simm.s32 $0x180;
	_ =	swait.ge [sflag:s12], $0x80  }
0x61: {  	s16 =	sand.u32 $0x7C00, s26;
	[sflag:s12] =	ssyncset.done $0x0  }
0x62: {  	s28 =	sand.u32 $0x380, s26;
	s0 =	sadd.s32 s6, s16;
	[sflag:s12] =	ssyncadd.s32 $0xFFFFFF80  }
0x63: {  	[tilespmem:s29], [sflag:$0x1] =	stream.indirect.gather [hbm4b:s7+s1], $0x80, s5, s1, $0xb8;
	[tilespmem:$0x1EE80] =	vst v63  }
0x64: {  	s0 =	sor.u32 s28, s0;
	_ =	swait.ge [sflag:s13], $0x4000  }
0x65: {  	s0 =	sshrl.u32 s0, $0x3;
	[sflag:s13] =	ssyncset.done $0x0  }
0x66: {  	s0 =	sadd.s32 s8, s0;
	[sflag:s13] =	ssyncadd.s32 $0xFFFFC000  }
0x67: {  	[tilespmem:s1], [sflag:$0x4] =	stream.linear.gather [hbm4b:s0+s5], $0x80, $0x38;
	[tilespmem:$0x1EE80] =	vst v63  }
0x68: {  	_ = 	snop  }
0x69: {  	[spmem:s3] =	stream.indirect.scatter.add.f32 [tilespmem:s10], [sflag:$0x6], $0x80, s26, s1, $0xb8;
	[tilespmem:$0x1EE80] =	vst v63  }
0x6a: {  	_ =	swait.ge [sflag:s30], $0x4000  }
0x6b: {  	s28 =	simm.s32 $0x280;
	s0 =	simm.s32 $0x180;
	[sflag:s30] =	ssyncset.done $0x0  }
.LBB2_2:
0x6c: {  	p0 =	sne.s32 s28, $0x2680  }
0x6d: {  	[sflag:s30] =	ssyncadd.s32 $0xFFFFC000;
	s26 =	sadd.s32 $0x100, s26;
	s14 =	smov.u32 s28  }
0x6e: {  	[spmem:s4] =	stream.indirect.scatter.add.f32 [tilespmem:s2], [sflag:$0x5], $0x1, s0, s1, $0xb8;
	[tilespmem:$0x1EE80] =	vst v63  }
0x6f: {  	s28 =	sadd.s32 $0x100, s28;
	s0 =	smov.u32 s26;
	_ =	swait.ge [sflag:s9], $0x80  }
0x70: {  	s15 =	sadd.s32 $0xFFFFFF80, s14;
	[sflag:s9] =	ssyncset.done $0x0  }
0x71: {  	s16 =	sand.u32 $0x7C00, s15;
	s15 =	sand.u32 $0x300, s15;
	[sflag:s9] =	ssyncadd.s32 $0xFFFFFF80  }
0x72: {  	[tilespmem:s10], [sflag:$0x2] =	stream.indirect.gather [hbm4b:s7+s1], $0x80, s1, s1, $0xb8;
	[tilespmem:$0x1EE80] =	vst v63  }
0x73: {  	s16 =	sadd.s32 s6, s16;
	_ =	swait.ge [sflag:s11], $0x4000  }
0x74: {  	s15 =	sor.u32 s15, s16;
	[sflag:s11] =	ssyncset.done $0x0  }
0x75: {  	s15 =	sshrl.u32 s15, $0x3;
	[sflag:s11] =	ssyncadd.s32 $0xFFFFC000  }
0x76: {  	s16 =	sadd.s32 $0xFFFFFF80, s26;
	s15 =	sadd.s32 s8, s15  }
0x77: {  	[tilespmem:s5], [sflag:$0x3] =	stream.linear.gather [hbm4b:s15+s5], $0x80, $0x38;
	[tilespmem:$0x1EE80] =	vst v63  }
0x78: {  	_ = 	snop  }
0x79: {  	[spmem:s3] =	stream.indirect.scatter.add.f32 [tilespmem:s29], [sflag:$0x6], $0x80, s16, s1, $0xb8;
	[tilespmem:$0x1EE80] =	vst v63  }
0x7a: {  	_ =	swait.ge [sflag:s30], $0x4000  }
0x7b: {  	[sflag:s30] =	ssyncset.done $0x0  }
0x7c: {  	[sflag:s30] =	ssyncadd.s32 $0xFFFFC000  }
0x7d: {  	[spmem:s4] =	stream.indirect.scatter.add.f32 [tilespmem:s2], [sflag:$0x5], $0x1, s16, s1, $0xb8;
	[tilespmem:$0x1EE80] =	vst v63  }
0x7e: {  	_ =	swait.ge [sflag:s12], $0x80  }
0x7f: {  	s15 =	sand.u32 $0x7C00, s14;
	[sflag:s12] =	ssyncset.done $0x0  }
0x80: {  	s14 =	sand.u32 $0x380, s14;
	s15 =	sadd.s32 s6, s15;
	[sflag:s12] =	ssyncadd.s32 $0xFFFFFF80  }
0x81: {  	[tilespmem:s29], [sflag:$0x1] =	stream.indirect.gather [hbm4b:s7+s1], $0x80, s5, s1, $0xb8;
	[tilespmem:$0x1EE80] =	vst v63  }
0x82: {  	s14 =	sor.u32 s14, s15;
	_ =	swait.ge [sflag:s13], $0x4000  }
0x83: {  	s14 =	sshrl.u32 s14, $0x3;
	[sflag:s13] =	ssyncset.done $0x0  }
0x84: {  	s14 =	sadd.s32 s8, s14;
	[sflag:s13] =	ssyncadd.s32 $0xFFFFC000  }
0x85: {  	[tilespmem:s1], [sflag:$0x4] =	stream.linear.gather [hbm4b:s14+s5], $0x80, $0x38;
	[tilespmem:$0x1EE80] =	vst v63  }
.Ltmp0:
0x86: {  	_ = 	snop;
	(pc) =	sbr.rel @p0 .LBB2_2-.Ltmp0, $4  }
0x87: {  	_ = 	snop  }
0x88: {  	[spmem:s3] =	stream.indirect.scatter.add.f32 [tilespmem:s10], [sflag:$0x6], $0x80, s26, s1, $0xb8;
	[tilespmem:$0x1EE80] =	vst v63  }
0x89: {  	_ =	swait.ge [sflag:s30], $0x4000  }
0x8a: {  	[sflag:s30] =	ssyncset.done $0x0  }
0x8b: {  	[sflag:s30] =	ssyncadd.s32 $0xFFFFC000  }
0x8c: {  	[spmem:s4] =	stream.indirect.scatter.add.f32 [tilespmem:s2], [sflag:$0x5], $0x1, s0, s1, $0xb8;
	[tilespmem:$0x1EE80] =	vst v63  }
0x8d: {  	_ =	swait.ge [sflag:s9], $0x80  }
0x8e: {  	[sflag:s9] =	ssyncset.done $0x0  }
0x8f: {  	[sflag:s9] =	ssyncadd.s32 $0xFFFFFF80  }
0x90: {  	[tilespmem:s10], [sflag:$0x2] =	stream.indirect.gather [hbm4b:s7+s1], $0x80, s1, s1, $0xb8;
	[tilespmem:$0x1EE80] =	vst v63  }
0x91: {  	_ =	swait.ge [sflag:s11], $0x4000  }
0x92: {  	[sflag:s11] =	ssyncset.done $0x0  }
0x93: {  	s15 =	rddreg [dreg:$0x10];
	[sflag:s11] =	ssyncadd.s32 $0xFFFFC000  }
0x94: {  	[tilespmem:s5], [sflag:$0x3] =	stream.linear.gather [hbm4b:s15+s5], $0x80, $0x38;
	[tilespmem:$0x1EE80] =	vst v63  }
0x95: {  	s16 =	simm.s32 $0x2700  }
0x96: {  	[spmem:s3] =	stream.indirect.scatter.add.f32 [tilespmem:s29], [sflag:$0x6], $0x80, s16, s1, $0xb8;
	[tilespmem:$0x1EE80] =	vst v63  }
0x97: {  	_ =	swait.ge [sflag:s30], $0x4000  }
0x98: {  	[sflag:s30] =	ssyncset.done $0x0  }
0x99: {  	[sflag:s30] =	ssyncadd.s32 $0xFFFFC000  }
0x9a: {  	[spmem:s4] =	stream.indirect.scatter.add.f32 [tilespmem:s2], [sflag:$0x5], $0x1, s16, s1, $0xb8;
	[tilespmem:$0x1EE80] =	vst v63  }
0x9b: {  	_ =	swait.ge [sflag:s12], $0x80  }
0x9c: {  	[sflag:s12] =	ssyncset.done $0x0  }
0x9d: {  	[sflag:s12] =	ssyncadd.s32 $0xFFFFFF80  }
0x9e: {  	[tilespmem:s29], [sflag:$0x1] =	stream.indirect.gather [hbm4b:s7+s1], $0x80, s5, s1, $0xb8;
	[tilespmem:$0x1EE80] =	vst v63  }
0x9f: {  	_ =	swait.ge [sflag:s13], $0x4000  }
0xa0: {  	[sflag:s13] =	ssyncset.done $0x0  }
0xa1: {  	s26 =	simm.s32 $0x2780;
	[sflag:s13] =	ssyncadd.s32 $0xFFFFC000  }
0xa2: {  	[spmem:s3] =	stream.indirect.scatter.add.f32 [tilespmem:s10], [sflag:$0x6], $0x80, s26, s1, $0xb8;
	[tilespmem:$0x1EE80] =	vst v63  }
0xa3: {  	_ =	swait.ge [sflag:s30], $0x4000  }
0xa4: {  	[sflag:s30] =	ssyncset.done $0x0  }
0xa5: {  	[sflag:s30] =	ssyncadd.s32 $0xFFFFC000  }
0xa6: {  	[spmem:s4] =	stream.indirect.scatter.add.f32 [tilespmem:s2], [sflag:$0x5], $0x1, s26, s1, $0xb8;
	[tilespmem:$0x1EE80] =	vst v63  }
0xa7: {  	_ =	swait.ge [sflag:s11], $0x4000  }
0xa8: {  	[sflag:s11] =	ssyncset.done $0x0  }
0xa9: {  	s28 =	simm.s32 $0x2800;
	[sflag:s11] =	ssyncadd.s32 $0xFFFFC000  }
0xaa: {  	[spmem:s3] =	stream.indirect.scatter.add.f32 [tilespmem:s29], [sflag:$0x6], $0x80, s28, s1, $0xb8;
	[tilespmem:$0x1EE80] =	vst v63  }
0xab: {  	_ =	swait.ge [sflag:s30], $0x4000  }
0xac: {  	[sflag:s30] =	ssyncset.done $0x0  }
0xad: {  	[sflag:s30] =	ssyncadd.s32 $0xFFFFC000  }
0xae: {  	[spmem:s4] =	stream.indirect.scatter.add.f32 [tilespmem:s2], [sflag:$0x5], $0x1, s28, s1, $0xb8;
	[tilespmem:$0x1EE80] =	vst v63  }
0xaf: {  	_ =	swait.ge [sflag:s24], $0x80  }
0xb0: {  	s0 =	simm.s32 $0x4E;
	[sflag:s24] =	ssyncset.done $0x0  }
.LBB2_4:
0xb1: {  	p0 =	sne.s32 s0, $0x1;
	s0 =	sadd.s32 $0xFFFFFFFF, s0;
	[sflag:s24] =	ssyncadd.s32 $0xFFFFFF80  }
.Ltmp1:
0xb2: {  	(pc) =	sbr.rel @p0 .LBB2_4-.Ltmp1, $3  }
0xb3: {  	_ =	sdelay $0x1  }
0xb4: {  	_ =	swait.ge [sflag:s24], $0x80  }
0xb5: {  	[sflag:s24] =	ssyncset.done $0x0  }
0xb6: {  	[sflag:s24] =	ssyncadd.s32 $0xFFFFFF80  }
0xb7: {  	[bflag:$0x0] =	sbarrier.arrive $0xFFFF  }
0xb8: {  	[tilespmem:s29], [sflag:$0x6] =	stream.linear.gather [spmem:s17], $0x4000, $0x38;
	[tilespmem:$0x1EE80] =	vst v63  }
0xb9: {  	_ =	swait.ge [sflag:s30], $0x4000  }
0xba: {  	[sflag:s30] =	ssyncset.done $0x0  }
0xbb: {  	s0 =	rddreg [dreg:$0x5];
	[sflag:s30] =	ssyncadd.s32 $0xFFFFC000  }
0xbc: {  	[hbm4b:s0+s5] =	stream.linear.scatter [tilespmem:s29], [sflag:$0x6], $0x4000, $0x38;
	[tilespmem:$0x1EE80] =	vst v63  }
0xbd: {  	_ =	swait.ge [sflag:s30], $0x4000  }
0xbe: {  	[sflag:s30] =	ssyncset.done $0x0  }
0xbf: {  	[sflag:s30] =	ssyncadd.s32 $0xFFFFC000  }
0xc0: {  	[tilespmem:s29], [sflag:$0x6] =	stream.linear.gather [spmem:s18], $0x4000, $0x38;
	[tilespmem:$0x1EE80] =	vst v63  }
0xc1: {  	_ =	swait.ge [sflag:s30], $0x4000  }
0xc2: {  	[sflag:s30] =	ssyncset.done $0x0  }
0xc3: {  	s28 =	rddreg [dreg:$0x6];
	[sflag:s30] =	ssyncadd.s32 $0xFFFFC000  }
0xc4: {  	[hbm4b:s28+s5] =	stream.linear.scatter [tilespmem:s29], [sflag:$0x6], $0x4000, $0x38;
	[tilespmem:$0x1EE80] =	vst v63  }
0xc5: {  	_ =	swait.ge [sflag:s30], $0x4000  }
0xc6: {  	[sflag:s30] =	ssyncset.done $0x0  }
0xc7: {  	[sflag:s30] =	ssyncadd.s32 $0xFFFFC000  }
0xc8: {  	[tilespmem:s29], [sflag:$0x6] =	stream.linear.gather [spmem:s19], $0x4000, $0x38;
	[tilespmem:$0x1EE80] =	vst v63  }
0xc9: {  	_ =	swait.ge [sflag:s30], $0x4000  }
0xca: {  	[sflag:s30] =	ssyncset.done $0x0  }
0xcb: {  	s14 =	rddreg [dreg:$0x7];
	[sflag:s30] =	ssyncadd.s32 $0xFFFFC000  }
0xcc: {  	[hbm4b:s14+s5] =	stream.linear.scatter [tilespmem:s29], [sflag:$0x6], $0x4000, $0x38;
	[tilespmem:$0x1EE80] =	vst v63  }
0xcd: {  	_ =	swait.ge [sflag:s30], $0x4000  }
0xce: {  	[sflag:s30] =	ssyncset.done $0x0  }
0xcf: {  	[sflag:s30] =	ssyncadd.s32 $0xFFFFC000  }
0xd0: {  	[tilespmem:s29], [sflag:$0x6] =	stream.linear.gather [spmem:s20], $0x4000, $0x38;
	[tilespmem:$0x1EE80] =	vst v63  }
0xd1: {  	_ =	swait.ge [sflag:s30], $0x4000  }
0xd2: {  	[sflag:s30] =	ssyncset.done $0x0  }
0xd3: {  	s15 =	rddreg [dreg:$0x8];
	[sflag:s30] =	ssyncadd.s32 $0xFFFFC000  }
0xd4: {  	[hbm4b:s15+s5] =	stream.linear.scatter [tilespmem:s29], [sflag:$0x6], $0x4000, $0x38;
	[tilespmem:$0x1EE80] =	vst v63  }
0xd5: {  	_ =	swait.ge [sflag:s30], $0x4000  }
0xd6: {  	[sflag:s30] =	ssyncset.done $0x0  }
0xd7: {  	[sflag:s30] =	ssyncadd.s32 $0xFFFFC000  }
0xd8: {  	[tilespmem:s29], [sflag:$0x6] =	stream.linear.gather [spmem:s21], $0x4000, $0x38;
	[tilespmem:$0x1EE80] =	vst v63  }
0xd9: {  	_ =	swait.ge [sflag:s30], $0x4000  }
0xda: {  	[sflag:s30] =	ssyncset.done $0x0  }
0xdb: {  	s16 =	rddreg [dreg:$0x9];
	[sflag:s30] =	ssyncadd.s32 $0xFFFFC000  }
0xdc: {  	[hbm4b:s16+s5] =	stream.linear.scatter [tilespmem:s29], [sflag:$0x6], $0x4000, $0x38;
	[tilespmem:$0x1EE80] =	vst v63  }
0xdd: {  	_ =	swait.ge [sflag:s30], $0x4000  }
0xde: {  	[sflag:s30] =	ssyncset.done $0x0  }
0xdf: {  	[sflag:s30] =	ssyncadd.s32 $0xFFFFC000  }
0xe0: {  	[tilespmem:s31], [sflag:$0x6] =	stream.linear.gather [spmem:s22], $0x280, $0x38;
	[tilespmem:$0x1EE80] =	vst v63  }
0xe1: {  	_ =	swait.ge [sflag:s30], $0x280  }
0xe2: {  	[sflag:s30] =	ssyncset.done $0x0  }
0xe3: {  	s14 =	simm.s32 $0x100;
	s26 =	rddreg [dreg:$0xd];
	[sflag:s30] =	ssyncadd.s32 $0xFFFFFD80  }
0xe4: {  	[hbm4b:s26+s1] =	stream.strided.scatter [tilespmem:s31], [sflag:$0x6], $0x280, s14, s1, $0x38;
	[tilespmem:$0x1EE80] =	vst v63  }
0xe5: {  	_ =	swait.ge [sflag:s30], $0x280  }
0xe6: {  	s25 =	sadd.s32 $0x1, s25;
	s28 =	rddreg [dreg:$0xe]  }
0xe7: {  	p0 =	sne.s32 s25, s28  }
.Ltmp2:
0xe8: {  	_ = 	snop;
	(pc) =	sbr.rel @p0 .LBB2_1-.Ltmp2, $3  }
0xe9: {  	_ =	sdelay $0x1  }
0xea: {  	[sflag:s30] =	ssyncset.done $0x0  }
0xeb: {  	[sflag:s30] =	ssyncadd.s32 $0xFFFFFD80  }
0xec: {  	_ =	sfence.sel $0x180000  }
0xed: {  	[bflag:$0x0] =	sbarrier.arrive $0xFFFF  }
0xee: {  	_ =	strace $0x9000004A  }
0xef: {  	s0 =	stileid.u32;
	[bflag:$0x2] =	sbarrier.arrive $0xFFFF  }
0xf0: {  	p0 =	sne.s32 s0, $0x0;
	s0 =	rddreg [dreg:$0x4]  }
0xf1: {  	s0 =	sadd.s32 @!p0 $0x100000, s0  }
0xf2: {  	[sflag:s0] =	ssyncadd.tile.s32 @!p0 $0x1;
	_ =	shalt  }
.Lfunc_end2:
_tile_overlayer_lowered:
.L_overlay_start_2:
0xf3: {  	(tag) =	ssettag $0x2  }
0xf4: {  	s0 =	rddreg [dreg:$0x0];
	s2 =	stileid.u32  }
0xf5: {  	s1 =	rddreg [dreg:$0x1];
	p0 =	sne.s32 s2, $0x0  }
0xf6: {  	s3 =	rddreg [dreg:$0x2];
	[bflag:$0x3] =	sbarrier.arrive $0xFFFF;
	s2 =	simm.s32 @!p0 $0x1C06  }
0xf7: {  	[timem:s3], [sflag:s2] =	dma.local @!p0 [hbm:s0], s1  }
0xf8: {  	s0 =	simm.s32 @!p0 $0x6  }
0xf9: {  	_ =	swait.ge @!p0 [sflag:s0], s1  }
0xfa: {  	s1 =	ssub.s32 @!p0 $0x0, s1;
	[sflag:s0] =	ssyncset.done @!p0 $0x0  }
0xfb: {  	[sflag:s0] =	ssyncadd.s32 @!p0 s1  }
0xfc: {  	[bflag:$0x3] =	sbarrier.arrive $0xFFFF  }
0xfd: {  	_ =	shalt  }

// kernel: kernel.7.cloned.1.call-start
scs
__scs_entry_jumppad:
0x0: {  	(pc) =	sbr.rel $0x88, $3  }
0x1: {  	(tag) =	ssettag $0x0;
	lr =	simm.s32 $0x1  }
0x2: {  	[smem:$0x3F95] =	sst lr;
	_ =	strace $0xD0000000  }
0x3: {  	_ = 	snop  }
0x4: {  	_ = 	snop  }
0x5: {  	_ = 	snop  }
0x6: {  	_ = 	snop  }
0x7: {  	_ = 	snop  }
__scs_overlays_trampoline_lowered:
0x8: {  	[smem:$0x3FA4] =	sst s0  }
0x9: {  	[smem:$0x3FA5] =	sst s1  }
0xa: {  	[smem:$0x3FA6] =	sst s2  }
0xb: {  	[smem:$0x3FA7] =	sst s3  }
0xc: {  	[smem:$0x3FA8] =	sst s4  }
0xd: {  	[smem:$0x3FA9] =	sst s5  }
0xe: {  	[smem:$0x3FAA] =	sst s6  }
0xf: {  	[smem:$0x3FAB] =	sst s7  }
0x10: {  	[smem:$0x3FAC] =	sst s8  }
0x11: {  	[smem:$0x3FAD] =	sst s9;
	s0 =	simm.s32 @!p0 $0x0  }
0x12: {  	s1 =	sld [smem:$0x3F93];
	s0 =	simm.s32 @p0 $0x1  }
0x13: {  	[smem:$0x3FAE] =	sst s0;
	s0 =	simm.s32 @!p1 $0x0  }
0x14: {  	s2 =	sld [smem:$0x3F92];
	s0 =	simm.s32 @p1 $0x1  }
0x15: {  	[smem:$0x3FAF] =	sst s0;
	s0 =	simm.s32 @!p2 $0x0  }
0x16: {  	s3 =	sld [smem:$0x3FDB];
	s0 =	simm.s32 @p2 $0x1  }
0x17: {  	s4 =	simm.s32 $0x1BF5;
	[smem:$0x3FB1] =	sst s0  }
0x18: {  	s0 =	sld [smem:$0x3F94];
	_ =	swait.ge [sflag:s4], $0x0  }
0x19: {  	s7 =	sld [smem:$0x3F95]  }
0x1a: {  	s8 =	sadd.s32 $0xFFFFE003, lr  }
0x1b: {  	s9 =	sadd.s32 $0xFFFFFEF7, lr;
	s5 =	simm.s32 $0xFFFFFFFF;
	p2 =	slt.u32 s8, $0xFFFFF086  }
0x1c: {  	p1 =	slt.u32 s9, $0xF7A;
	s5 =	simm.s32 @!p2 $0x0  }
0x1d: {  	s5 =	simm.s32 @p1 $0x1;
	p0 =	seq.s32 s7, s2  }
0x1e: {  	s7 =	smul.u32 @!p0 $0xF7A, s2;
	p2 =	seq.s32 @!p0 s5, $0x0  }
0x1f: {  	s9 =	smul.u32 $0xF7A, s1;
	s8 =	simm.s32 @!p0 $0x1BF5;
	p2 =	por !p2, p0  }
0x20: {  	[sflag:s8] =	ssyncset.s32 @!p0 $0xFFFFF086;
	s6 =	sadd.s32 @!p0 s3, s7;
	s7 =	simm.s32 @!p0 $0x108  }
0x21: {  	s3 =	sadd.s32 s3, s9;
	s6 =	sadd.s32 @!p0 $0x88, s6;
	s7 =	simm.s32 @p2 $0x1082  }
0x22: {  	[simem:s7], [sflag:s8] =	dma.local @!p0 [hbm:s6], $0xF7A  }
0x23: {  	s9 =	sor.u32 $0xD0000000, s2;
	s6 =	simm.s32 $0x108;
	_ =	swait.ge @!p0 [sflag:s8], $0x0  }
0x24: {  	s3 =	sadd.s32 $0x88, s3;
	s6 =	simm.s32 @!p1 $0x1082;
	[sflag:s4] =	ssyncset.s32 $0xFFFFF086  }
0x25: {  	[simem:s6], [sflag:s4] =	dma.local [hbm:s3], $0xF7A  }
0x26: {  	[smem:$0x3F95] =	sst s1;
	(tag) =	ssettag s2;
	_ =	strace s9  }
0x27: {  	s1 =	sld [smem:$0x3FA5]  }
0x28: {  	s2 =	sld [smem:$0x3FA6]  }
0x29: {  	s4 =	sld [smem:$0x3FA8]  }
0x2a: {  	p0 =	seq.s32 s5, $0x0;
	s5 =	sld [smem:$0x3FA9]  }
0x2b: {  	s6 =	sld [smem:$0x3FAA]  }
0x2c: {  	s7 =	sld [smem:$0x3FAB]  }
0x2d: {  	s3 =	simm.s32 $0x108;
	s8 =	sld [smem:$0x3FAC]  }
0x2e: {  	s3 =	simm.s32 @!p0 $0x1082;
	s9 =	sld [smem:$0x3FAD]  }
0x2f: {  	lr =	sadd.s32 s0, s3;
	s0 =	sld [smem:$0x3FA4]  }
0x30: {  	s3 =	sld [smem:$0x3FA7]  }
0x31: {  	[smem:$0x3FB0] =	sst s10  }
0x32: {  	s10 =	sld [smem:$0x3FAE];
	_ =	sdelay $0x3  }
0x33: {  	p0 =	seq.s32 s10, $0x1;
	s10 =	sld [smem:$0x3FB0];
	_ =	sdelay $0x3  }
0x34: {  	[smem:$0x3FB0] =	sst s10  }
0x35: {  	s10 =	sld [smem:$0x3FAF];
	_ =	sdelay $0x3  }
0x36: {  	p1 =	seq.s32 s10, $0x1;
	s10 =	sld [smem:$0x3FB0];
	_ =	sdelay $0x3  }
0x37: {  	[smem:$0x3FB0] =	sst s10  }
0x38: {  	s10 =	sld [smem:$0x3FB1]  }
0x39: {  	_ = 	snop;
	(pc) =	sbr.ind lr, $3  }
0x3a: {  	_ = 	snop  }
0x3b: {  	_ = 	snop  }
0x3c: {  	p2 =	seq.s32 s10, $0x1;
	s10 =	sld [smem:$0x3FB0]  }
0x3d: {  	_ =	shalt  }
0x3e: {  	_ =	shalt  }
0x3f: {  	_ =	shalt  }
0x40: {  	_ =	shalt  }
0x41: {  	_ =	shalt  }
0x42: {  	_ =	shalt  }
0x43: {  	_ =	shalt  }
0x44: {  	_ =	shalt  }
0x45: {  	_ =	shalt  }
0x46: {  	_ =	shalt  }
0x47: {  	_ =	shalt  }
0x48: {  	_ =	shalt  }
0x49: {  	_ =	shalt  }
0x4a: {  	_ =	shalt  }
0x4b: {  	_ =	shalt  }
0x4c: {  	_ =	shalt  }
0x4d: {  	_ =	shalt  }
0x4e: {  	_ =	shalt  }
0x4f: {  	_ =	shalt  }
0x50: {  	_ =	shalt  }
0x51: {  	_ =	shalt  }
0x52: {  	_ =	shalt  }
0x53: {  	_ =	shalt  }
0x54: {  	_ =	shalt  }
0x55: {  	_ =	shalt  }
0x56: {  	_ =	shalt  }
0x57: {  	_ =	shalt  }
0x58: {  	_ =	shalt  }
0x59: {  	_ =	shalt  }
0x5a: {  	_ =	shalt  }
0x5b: {  	_ =	shalt  }
0x5c: {  	_ =	shalt  }
0x5d: {  	_ =	shalt  }
0x5e: {  	_ =	shalt  }
0x5f: {  	_ =	shalt  }
0x60: {  	_ =	shalt  }
0x61: {  	_ =	shalt  }
0x62: {  	_ =	shalt  }
0x63: {  	_ =	shalt  }
0x64: {  	_ =	shalt  }
0x65: {  	_ =	shalt  }
0x66: {  	_ =	shalt  }
0x67: {  	_ =	shalt  }
0x68: {  	_ =	shalt  }
0x69: {  	_ =	shalt  }
0x6a: {  	_ =	shalt  }
0x6b: {  	_ =	shalt  }
0x6c: {  	_ =	shalt  }
0x6d: {  	_ =	shalt  }
0x6e: {  	_ =	shalt  }
0x6f: {  	_ =	shalt  }
0x70: {  	_ =	shalt  }
0x71: {  	_ =	shalt  }
0x72: {  	_ =	shalt  }
0x73: {  	_ =	shalt  }
0x74: {  	_ =	shalt  }
0x75: {  	_ =	shalt  }
0x76: {  	_ =	shalt  }
0x77: {  	_ =	shalt  }
0x78: {  	_ =	shalt  }
0x79: {  	_ =	shalt  }
0x7a: {  	_ =	shalt  }
0x7b: {  	_ =	shalt  }
0x7c: {  	_ =	shalt  }
0x7d: {  	_ =	shalt  }
0x7e: {  	_ =	shalt  }
0x7f: {  	_ =	shalt  }
0x80: {  	_ =	shalt  }
0x81: {  	_ =	shalt  }
0x82: {  	_ =	shalt  }
0x83: {  	_ =	shalt  }
0x84: {  	_ =	shalt  }
0x85: {  	_ =	shalt  }
0x86: {  	_ =	shalt  }
0x87: {  	_ =	shalt  }
.Lfunc_end0:
.L_simem_size_0:
called_computation_lowered:
.L_overlay_start_0:
0x88: {  	s2 =	sld [smem:$0x3FD9]  }
0x89: {  	s3 =	sld [smem:$0x3FFE];
	_ =	sdelay $0x1  }
0x8a: {  	s1 =	srdreg.scid  }
0x8b: {  	s0 =	sand.u32 $0x1, s1  }
0x8c: {  	s17 =	sshll.u32 s0, $0xA;
	s2 =	sadd.s32 s3, s2  }
0x8d: {  	s2 =	sadd.s32 s2, s17  }
0x8e: {  	[smem:$0x3FBC] =	sst s2  }
0x8f: {  	_ = 	snop  }
0x90: {  	s2 =	sld [smem:$0x3FC9]  }
0x91: {  	s18 =	sld [smem:$0x3FD0];
	(tm) =	ssettm $0x1  }
0x92: {  	s4 =	sld [smem:$0x3FFB];
	_ =	sdelay $0x3  }
0x93: {  	_ =	strace s4  }
0x94: {  	s4 =	sld [smem:$0x3FFC];
	_ =	sdelay $0x3  }
0x95: {  	_ =	strace s4  }
0x96: {  	s4 =	sld [smem:$0x3FFD];
	_ =	sdelay $0x3  }
0x97: {  	_ =	strace s4  }
0x98: {  	_ =	strace $0x8FFFFFFF  }
0x99: {  	s19 =	sld [smem:$0x3FDB];
	_ =	sdelay $0x1  }
0x9a: {  	s5 =	simm.s32 $_scs_section_size  }
0x9b: {  	s6 =	simm.s32 $_size__tile_overlayer_lowered;
	s7 =	simm.s32 $_tile_overlayer_lowered  }
0x9c: {  	s22 =	simm.s32 $0x1BFF;
	s21 =	sshll.u32 s7, $0x1;
	s4 =	sadd.s32 s5, s19  }
0x9d: {  	s8 =	simm.s32 $0x0;
	s20 =	sshll.u32 s6, $0x1;
	s6 =	sadd.s32 s21, s4  }
0x9e: {  	[timem:s8], [sflag:s22] =	dma.local [hbm:s6], s20  }
0x9f: {  	_ =	swait.ge [sflag:s22], s20  }
0xa0: {  	s5 =	ssub.s32 $0x0, s20;
	[sflag:s22] =	ssyncset.done $0x0  }
0xa1: {  	[sflag:s22] =	ssyncadd.s32 s5;
	_ =	sdelay $0x1  }
0xa2: {  	s23 =	simm.s32 $0x1B8B  }
0xa3: {  	_ =	swait.ge [sflag:s23], $0x1  }
0xa4: {  	[sflag:s23] =	ssyncset.done $0x0  }
0xa5: {  	s25 =	simm.s32 $0x1B8E;
	s24 =	sld [smem:$0x3FFE];
	[sflag:s23] =	ssyncadd.s32 $0xFFFFFFFF  }
0xa6: {  	s26 =	simm.s32 $execute0_lowered;
	[smem:$0x3FD2] =	sst s25  }
0xa7: {  	s6 =	sshll.u32 s26, $0x1;
	_ =	strace $0x80000046;
	[dreg:$0x1] =	wrdreg $0xFFFFFFFF  }
0xa8: {  	s28 =	simm.s32 $_size_execute0_lowered;
	s4 =	sadd.s32 s4, s6;
	[dreg:$0x0] =	wrdreg $0x0  }
0xa9: {  	s6 =	sshll.u32 s28, $0x1;
	[dreg:$0x2] =	wrdreg s4  }
0xaa: {  	[dreg:$0x3] =	wrdreg s6  }
0xab: {  	[dreg:$0x4] =	wrdreg $0xC0  }
0xac: {  	_ =	task [dreg:s8], $0x5FFFF  }
0xad: {  	[dreg:$0x1] =	wrdreg $0xFFFFFFFF  }
0xae: {  	[dreg:$0x0] =	wrdreg $0x60  }
0xaf: {  	[dreg:$0x2] =	wrdreg s2  }
0xb0: {  	[dreg:$0x3] =	wrdreg s24  }
0xb1: {  	[dreg:$0x4] =	wrdreg s18  }
0xb2: {  	[dreg:$0x5] =	wrdreg $0xAC000  }
0xb3: {  	[dreg:$0x6] =	wrdreg $0x1EC000  }
0xb4: {  	[dreg:$0x7] =	wrdreg $0x9  }
0xb5: {  	_ =	task.clear_ibuf [dreg:s8], $0x8FFFF;
	_ =	strace $0x90000046  }
0xb6: {  	s29 =	simm.s32 $0x9;
	_ =	strace $0x80000048  }
0xb7: {  	_ =	swait.ge [sflag:s29], $0x1  }
0xb8: {  	[sflag:s29] =	ssyncadd.s32 $0xFFFFFFFF  }
0xb9: {  	_ =	strace $0x90000048  }
0xba: {  	_ =	sfence  }
0xbb: {  	s30 =	sld [smem:$0x0];
	_ =	sdelay $0x2  }
0xbc: {  	s31 =	sshll.u32 s1, $0xD;
	s1 =	sshrl.u32 s1, $0x2  }
0xbd: {  	s3 =	sand.u32 $0x4000, s31;
	s1 =	sadd.s32 s1, s30  }
0xbe: {  	s0 =	sor.u32 s3, s0;
	s1 =	sshll.u32 s1, $0x11  }
0xbf: {  	s0 =	sor.u32 s1, s0  }
0xc0: {  	s0 =	sadd.s32 $0x8F2B, s0  }
0xc1: {  	[sflag:s0] =	ssyncadd.remote.s32 $0x1  }
0xc2: {  	_ =	sfence.sel $0xFFFF  }
0xc3: {  	[dreg:$0x0] =	wrdreg $0xFFFFFFFF;
	(pc) =	sbr.abs _section_cstart, $3  }
0xc4: {  	[dreg:$0x1] =	wrdreg $0xFFFFFFFF  }
0xc5: {  	_ =	task.clear_ibuf [dreg:s8], $0x2FFFF;
	_ =	strace $0x9FFFFFFF  }
0xc6: {  	(tm) =	ssettm $0x7FFFFFFF  }
0xc7: {  	_ =	shalt  }
tec
execute0_lowered:
.L_overlay_start_1:
0x0: {  	(tag) =	ssettag $0x1  }
0x1: {  	s0 =	rddreg [dreg:$0x0]  }
0x2: {  	s1 =	rddreg [dreg:$0x1];
	s2 =	srdreg.scid  }
0x3: {  	s4 =	rddreg [dreg:$0x3];
	s16 =	stileid.u32  }
0x4: {  	s5 =	rddreg [dreg:$0x4];
	s6 =	simm.s32 $0x0;
	s29 =	simm.s32 $0x2900  }
0x5: {  	s30 =	simm.s32 $0x6;
	s31 =	simm.s32 $0xA980;
	s10 =	smul.u32 $0x500, s16  }
0x6: {  	s2 =	sand.u32 $0x1, s2;
	[smem:$0x7FF] =	sst s6;
	s13 =	smul.u32 $0x280, s16  }
0x7: {  	s8 =	sadd.s32 $0x2400, s1;
	s11 =	sadd.s32 $0x17800, s1;
	s15 =	smul.u32 $0x14000, s16  }
0x8: {  	s21 =	smul.u32 $0x50000, s16;
	s3 =	sshll.u32 s2, $0x4;
	_ =	strace $0x80000047  }
0x9: {  	s12 =	sshll.u32 s2, $0x7;
	s20 =	ssub.s32 $0x2, s2;
	s2 =	smul.u32 $0x140000, s2  }
0xa: {  	s3 =	sor.u32 s16, s3;
	s10 =	sor.u32 s12, s10;
	s14 =	sshrl.u32 s20, $0x1  }
0xb: {  	s23 =	sshll.u32 s13, $0x7;
	s7 =	smul.u32 $0x2800, s3;
	s10 =	sshrl.u32 s10, $0x3  }
0xc: {  	s12 =	ssub.s32 s20, s14;
	s18 =	sadd.s32 $0x4000, s23;
	s19 =	sadd.s32 $0x8000, s23  }
0xd: {  	s15 =	sadd.s32 s15, s2;
	s20 =	sadd.s32 $0xC000, s23;
	s16 =	sadd.s32 $0x10000, s23  }
0xe: {  	s23 =	sshrl.u32 s21, $0x2;
	s14 =	simm.s32 $0x100;
	s15 =	sshrl.u32 s15, $0x3  }
0xf: {  	s17 =	sadd.s32 s2, s18;
	s25 =	sadd.s32 s2, s19;
	s26 =	sadd.s32 s2, s20  }
0x10: {  	s2 =	sadd.s32 s2, s16;
	s18 =	sadd.s32 s18, s4;
	s19 =	sadd.s32 s19, s4  }
0x11: {  	s20 =	sadd.s32 s20, s4;
	s21 =	sadd.s32 s16, s4;
	s3 =	sshrl.u32 s7, $0x3  }
0x12: {  	s15 =	sadd.s32 s11, s15;
	s24 =	sshrl.u32 s17, $0x3;
	s17 =	sshrl.u32 s26, $0x3  }
0x13: {  	s2 =	sshrl.u32 s2, $0x3;
	s9 =	sadd.s32 s3, s1;
	[dreg:$0x6] =	wrdreg s15  }
0x14: {  	s15 =	sadd.s32 s11, s24;
	s28 =	sadd.s32 s11, s17;
	s2 =	sadd.s32 s11, s2  }
0x15: {  	s17 =	sadd.s32 s23, s4;
	s23 =	sadd.s32 s8, s3;
	[dreg:$0x7] =	wrdreg s15  }
0x16: {  	s3 =	simm.s32 $0xA900;
	s15 =	sshrl.u32 s25, $0x3;
	[dreg:$0x9] =	wrdreg s28  }
0x17: {  	[dreg:$0xa] =	wrdreg s2;
	s22 =	sadd.s32 $0xC400, s9;
	s25 =	smax.u32 s12, $0x1  }
0x18: {  	s26 =	sadd.s32 $0x10, s23;
	s28 =	sadd.s32 $0x4E0, s23;
	[dreg:$0xd] =	wrdreg s22  }
0x19: {  	s2 =	simm.s32 $0x80;
	s9 =	simm.s32 $0x4;
	[dreg:$0xf] =	wrdreg s25  }
0x1a: {  	s12 =	simm.s32 $0x3;
	s15 =	sadd.s32 s11, s15;
	[dreg:$0x10] =	wrdreg s26  }
0x1b: {  	s11 =	sadd.s32 $0x16400, s1;
	s22 =	sadd.s32 s13, s5;
	[dreg:$0x11] =	wrdreg s28  }
0x1c: {  	s13 =	simm.s32 $0x2;
	s25 =	simm.s32 $0x0;
	[dreg:$0x8] =	wrdreg s15  }
0x1d: {  	[dreg:$0xb] =	wrdreg s11;
	s15 =	sadd.s32 s10, s1;
	s1 =	sadd.s32 $0x16C00, s1  }
0x1e: {  	s10 =	simm.s32 $0x6900;
	[dreg:$0xc] =	wrdreg s1;
	s24 =	sadd.s32 $0x16E00, s15  }
0x1f: {  	s11 =	simm.s32 $0x1;
	[dreg:$0xe] =	wrdreg s24;
	s24 =	simm.s32 $0x5  }
.LBB2_1:
0x20: {  	s1 =	rddreg [dreg:$0xb]  }
0x21: {  	[tilespmem:s29], [sflag:$0x6] =	stream.linear.gather [hbm4b:s1+s6], $0x4000, $0x38;
	[tilespmem:$0x1EE80] =	vst v63  }
0x22: {  	_ =	swait.ge [sflag:s30], $0x4000  }
0x23: {  	[sflag:s30] =	ssyncset.done $0x0  }
0x24: {  	[sflag:s30] =	ssyncadd.s32 $0xFFFFC000  }
0x25: {  	s26 =	rddreg [dreg:$0x2]  }
0x26: {  	[tilespmem:s31], [sflag:$0x6] =	stream.linear.gather [hbm4b:s26+s6], $0x280, $0x38;
	[tilespmem:$0x1EE80] =	vst v63  }
0x27: {  	_ =	swait.ge [sflag:s30], $0x280  }
0x28: {  	[sflag:s30] =	ssyncset.done $0x0  }
0x29: {  	s15 =	rddreg [dreg:$0xc];
	[sflag:s30] =	ssyncadd.s32 $0xFFFFFD80  }
0x2a: {  	[tilespmem:s3], [sflag:$0x6] =	stream.linear.gather [hbm4b:s15+s6], $0x80, $0x38;
	[tilespmem:$0x1EE80] =	vst v63  }
0x2b: {  	_ =	swait.ge [sflag:s30], $0x80  }
0x2c: {  	[sflag:s30] =	ssyncset.done $0x0  }
0x2d: {  	s16 =	rddreg [dreg:$0xd];
	[sflag:s30] =	ssyncadd.s32 $0xFFFFFF80  }
0x2e: {  	[tilespmem:s14], [sflag:$0x6] =	stream.linear.gather [hbm4b:s16+s6], $0x2780, $0x38;
	[tilespmem:$0x1EE80] =	vst v63  }
0x2f: {  	_ =	swait.ge [sflag:s30], $0x2780  }
0x30: {  	[sflag:s30] =	ssyncset.done $0x0  }
0x31: {  	[sflag:s30] =	ssyncadd.s32 $0xFFFFD880  }
0x32: {  	[spmem:s17] =	stream.linear.scatter [tilespmem:s29], [sflag:$0x6], $0x4000, $0x38;
	[tilespmem:$0x1EE80] =	vst v63  }
0x33: {  	_ =	swait.ge [sflag:s30], $0x4000  }
0x34: {  	[sflag:s30] =	ssyncset.done $0x0  }
0x35: {  	[sflag:s30] =	ssyncadd.s32 $0xFFFFC000  }
0x36: {  	[spmem:s18] =	stream.linear.scatter [tilespmem:s29], [sflag:$0x6], $0x4000, $0x38;
	[tilespmem:$0x1EE80] =	vst v63  }
0x37: {  	_ =	swait.ge [sflag:s30], $0x4000  }
0x38: {  	[sflag:s30] =	ssyncset.done $0x0  }
0x39: {  	[sflag:s30] =	ssyncadd.s32 $0xFFFFC000  }
0x3a: {  	[spmem:s19] =	stream.linear.scatter [tilespmem:s29], [sflag:$0x6], $0x4000, $0x38;
	[tilespmem:$0x1EE80] =	vst v63  }
0x3b: {  	_ =	swait.ge [sflag:s30], $0x4000  }
0x3c: {  	[sflag:s30] =	ssyncset.done $0x0  }
0x3d: {  	[sflag:s30] =	ssyncadd.s32 $0xFFFFC000  }
0x3e: {  	[spmem:s20] =	stream.linear.scatter [tilespmem:s29], [sflag:$0x6], $0x4000, $0x38;
	[tilespmem:$0x1EE80] =	vst v63  }
0x3f: {  	_ =	swait.ge [sflag:s30], $0x4000  }
0x40: {  	[sflag:s30] =	ssyncset.done $0x0  }
0x41: {  	[sflag:s30] =	ssyncadd.s32 $0xFFFFC000  }
0x42: {  	[spmem:s21] =	stream.linear.scatter [tilespmem:s29], [sflag:$0x6], $0x4000, $0x38;
	[tilespmem:$0x1EE80] =	vst v63  }
0x43: {  	_ =	swait.ge [sflag:s30], $0x4000  }
0x44: {  	[sflag:s30] =	ssyncset.done $0x0  }
0x45: {  	[sflag:s30] =	ssyncadd.s32 $0xFFFFC000  }
0x46: {  	[spmem:s22] =	stream.linear.scatter [tilespmem:s31], [sflag:$0x6], $0x280, $0x38;
	[tilespmem:$0x1EE80] =	vst v63  }
0x47: {  	_ =	swait.ge [sflag:s30], $0x280  }
0x48: {  	[sflag:s30] =	ssyncset.done $0x0  }
0x49: {  	[sflag:s30] =	ssyncadd.s32 $0xFFFFFD80  }
0x4a: {  	[tilespmem:s6], [sflag:$0x6] =	stream.linear.gather [hbm4b:s23+s6], $0x80, $0x38;
	[tilespmem:$0x1EE80] =	vst v63  }
0x4b: {  	_ =	swait.ge [sflag:s30], $0x80  }
0x4c: {  	[sflag:s30] =	ssyncset.done $0x0  }
0x4d: {  	[sflag:s30] =	ssyncadd.s32 $0xFFFFFF80  }
0x4e: {  	[tilespmem:s29], [sflag:$0x1] =	stream.indirect.gather [hbm4b:s0+s2], $0x80, s6, s2, $0xb8;
	[tilespmem:$0x1EE80] =	vst v63  }
0x4f: {  	s26 =	rddreg [dreg:$0x10]  }
0x50: {  	[tilespmem:s2], [sflag:$0x4] =	stream.linear.gather [hbm4b:s26+s6], $0x80, $0x38;
	[tilespmem:$0x1EE80] =	vst v63  }
0x51: {  	[bflag:$0x0] =	sbarrier.arrive $0xFFFF  }
0x52: {  	s14 =	simm.s32 $0x100;
	_ =	swait.ge [sflag:s9], $0x80  }
0x53: {  	s26 =	sand.u32 $0x7C00, s14;
	[sflag:s9] =	ssyncset.done $0x0  }
0x54: {  	s1 =	sand.u32 $0x300, s14;
	s26 =	sadd.s32 s7, s26;
	[sflag:s9] =	ssyncadd.s32 $0xFFFFFF80  }
0x55: {  	[tilespmem:s10], [sflag:$0x2] =	stream.indirect.gather [hbm4b:s0+s2], $0x80, s2, s2, $0xb8;
	[tilespmem:$0x1EE80] =	vst v63  }
0x56: {  	s1 =	sor.u32 s1, s26;
	_ =	swait.ge [sflag:s11], $0x4000  }
0x57: {  	s1 =	sshrl.u32 s1, $0x3;
	[sflag:s11] =	ssyncset.done $0x0  }
0x58: {  	s1 =	sadd.s32 s8, s1;
	[sflag:s11] =	ssyncadd.s32 $0xFFFFC000  }
0x59: {  	[tilespmem:s6], [sflag:$0x3] =	stream.linear.gather [hbm4b:s1+s6], $0x80, $0x38;
	[tilespmem:$0x1EE80] =	vst v63  }
0x5a: {  	s15 =	simm.s32 $0x100  }
0x5b: {  	[spmem:s4] =	stream.indirect.scatter.add.f32 [tilespmem:s29], [sflag:$0x6], $0x80, s15, s2, $0xb8;
	[tilespmem:$0x1EE80] =	vst v63  }
0x5c: {  	_ =	swait.ge [sflag:s30], $0x4000  }
0x5d: {  	[sflag:s30] =	ssyncset.done $0x0  }
0x5e: {  	[sflag:s30] =	ssyncadd.s32 $0xFFFFC000  }
0x5f: {  	[spmem:s5] =	stream.indirect.scatter.add.f32 [tilespmem:s3], [sflag:$0x5], $0x1, s15, s2, $0xb8;
	[tilespmem:$0x1EE80] =	vst v63  }
0x60: {  	s26 =	simm.s32 $0x180;
	_ =	swait.ge [sflag:s12], $0x80  }
0x61: {  	s16 =	sand.u32 $0x7C00, s26;
	[sflag:s12] =	ssyncset.done $0x0  }
0x62: {  	s28 =	sand.u32 $0x380, s26;
	s1 =	sadd.s32 s7, s16;
	[sflag:s12] =	ssyncadd.s32 $0xFFFFFF80  }
0x63: {  	[tilespmem:s29], [sflag:$0x1] =	stream.indirect.gather [hbm4b:s0+s2], $0x80, s6, s2, $0xb8;
	[tilespmem:$0x1EE80] =	vst v63  }
0x64: {  	s1 =	sor.u32 s28, s1;
	_ =	swait.ge [sflag:s13], $0x4000  }
0x65: {  	s1 =	sshrl.u32 s1, $0x3;
	[sflag:s13] =	ssyncset.done $0x0  }
0x66: {  	s1 =	sadd.s32 s8, s1;
	[sflag:s13] =	ssyncadd.s32 $0xFFFFC000  }
0x67: {  	[tilespmem:s2], [sflag:$0x4] =	stream.linear.gather [hbm4b:s1+s6], $0x80, $0x38;
	[tilespmem:$0x1EE80] =	vst v63  }
0x68: {  	_ = 	snop  }
0x69: {  	[spmem:s4] =	stream.indirect.scatter.add.f32 [tilespmem:s10], [sflag:$0x6], $0x80, s26, s2, $0xb8;
	[tilespmem:$0x1EE80] =	vst v63  }
0x6a: {  	_ =	swait.ge [sflag:s30], $0x4000  }
0x6b: {  	s28 =	simm.s32 $0x280;
	s1 =	simm.s32 $0x180;
	[sflag:s30] =	ssyncset.done $0x0  }
.LBB2_2:
0x6c: {  	p0 =	sne.s32 s28, $0x2680  }
0x6d: {  	[sflag:s30] =	ssyncadd.s32 $0xFFFFC000;
	s26 =	sadd.s32 $0x100, s26;
	s14 =	smov.u32 s28  }
0x6e: {  	[spmem:s5] =	stream.indirect.scatter.add.f32 [tilespmem:s3], [sflag:$0x5], $0x1, s1, s2, $0xb8;
	[tilespmem:$0x1EE80] =	vst v63  }
0x6f: {  	s28 =	sadd.s32 $0x100, s28;
	s1 =	smov.u32 s26;
	_ =	swait.ge [sflag:s9], $0x80  }
0x70: {  	s15 =	sadd.s32 $0xFFFFFF80, s14;
	[sflag:s9] =	ssyncset.done $0x0  }
0x71: {  	s16 =	sand.u32 $0x7C00, s15;
	s15 =	sand.u32 $0x300, s15;
	[sflag:s9] =	ssyncadd.s32 $0xFFFFFF80  }
0x72: {  	[tilespmem:s10], [sflag:$0x2] =	stream.indirect.gather [hbm4b:s0+s2], $0x80, s2, s2, $0xb8;
	[tilespmem:$0x1EE80] =	vst v63  }
0x73: {  	s16 =	sadd.s32 s7, s16;
	_ =	swait.ge [sflag:s11], $0x4000  }
0x74: {  	s15 =	sor.u32 s15, s16;
	[sflag:s11] =	ssyncset.done $0x0  }
0x75: {  	s15 =	sshrl.u32 s15, $0x3;
	[sflag:s11] =	ssyncadd.s32 $0xFFFFC000  }
0x76: {  	s16 =	sadd.s32 $0xFFFFFF80, s26;
	s15 =	sadd.s32 s8, s15  }
0x77: {  	[tilespmem:s6], [sflag:$0x3] =	stream.linear.gather [hbm4b:s15+s6], $0x80, $0x38;
	[tilespmem:$0x1EE80] =	vst v63  }
0x78: {  	_ = 	snop  }
0x79: {  	[spmem:s4] =	stream.indirect.scatter.add.f32 [tilespmem:s29], [sflag:$0x6], $0x80, s16, s2, $0xb8;
	[tilespmem:$0x1EE80] =	vst v63  }
0x7a: {  	_ =	swait.ge [sflag:s30], $0x4000  }
0x7b: {  	[sflag:s30] =	ssyncset.done $0x0  }
0x7c: {  	[sflag:s30] =	ssyncadd.s32 $0xFFFFC000  }
0x7d: {  	[spmem:s5] =	stream.indirect.scatter.add.f32 [tilespmem:s3], [sflag:$0x5], $0x1, s16, s2, $0xb8;
	[tilespmem:$0x1EE80] =	vst v63  }
0x7e: {  	_ =	swait.ge [sflag:s12], $0x80  }
0x7f: {  	s15 =	sand.u32 $0x7C00, s14;
	[sflag:s12] =	ssyncset.done $0x0  }
0x80: {  	s14 =	sand.u32 $0x380, s14;
	s15 =	sadd.s32 s7, s15;
	[sflag:s12] =	ssyncadd.s32 $0xFFFFFF80  }
0x81: {  	[tilespmem:s29], [sflag:$0x1] =	stream.indirect.gather [hbm4b:s0+s2], $0x80, s6, s2, $0xb8;
	[tilespmem:$0x1EE80] =	vst v63  }
0x82: {  	s14 =	sor.u32 s14, s15;
	_ =	swait.ge [sflag:s13], $0x4000  }
0x83: {  	s14 =	sshrl.u32 s14, $0x3;
	[sflag:s13] =	ssyncset.done $0x0  }
0x84: {  	s14 =	sadd.s32 s8, s14;
	[sflag:s13] =	ssyncadd.s32 $0xFFFFC000  }
0x85: {  	[tilespmem:s2], [sflag:$0x4] =	stream.linear.gather [hbm4b:s14+s6], $0x80, $0x38;
	[tilespmem:$0x1EE80] =	vst v63  }
.Ltmp0:
0x86: {  	_ = 	snop;
	(pc) =	sbr.rel @p0 .LBB2_2-.Ltmp0, $4  }
0x87: {  	_ = 	snop  }
0x88: {  	[spmem:s4] =	stream.indirect.scatter.add.f32 [tilespmem:s10], [sflag:$0x6], $0x80, s26, s2, $0xb8;
	[tilespmem:$0x1EE80] =	vst v63  }
0x89: {  	_ =	swait.ge [sflag:s30], $0x4000  }
0x8a: {  	[sflag:s30] =	ssyncset.done $0x0  }
0x8b: {  	[sflag:s30] =	ssyncadd.s32 $0xFFFFC000  }
0x8c: {  	[spmem:s5] =	stream.indirect.scatter.add.f32 [tilespmem:s3], [sflag:$0x5], $0x1, s1, s2, $0xb8;
	[tilespmem:$0x1EE80] =	vst v63  }
0x8d: {  	_ =	swait.ge [sflag:s9], $0x80  }
0x8e: {  	[sflag:s9] =	ssyncset.done $0x0  }
0x8f: {  	[sflag:s9] =	ssyncadd.s32 $0xFFFFFF80  }
0x90: {  	[tilespmem:s10], [sflag:$0x2] =	stream.indirect.gather [hbm4b:s0+s2], $0x80, s2, s2, $0xb8;
	[tilespmem:$0x1EE80] =	vst v63  }
0x91: {  	_ =	swait.ge [sflag:s11], $0x4000  }
0x92: {  	[sflag:s11] =	ssyncset.done $0x0  }
0x93: {  	s15 =	rddreg [dreg:$0x11];
	[sflag:s11] =	ssyncadd.s32 $0xFFFFC000  }
0x94: {  	[tilespmem:s6], [sflag:$0x3] =	stream.linear.gather [hbm4b:s15+s6], $0x80, $0x38;
	[tilespmem:$0x1EE80] =	vst v63  }
0x95: {  	s16 =	simm.s32 $0x2700  }
0x96: {  	[spmem:s4] =	stream.indirect.scatter.add.f32 [tilespmem:s29], [sflag:$0x6], $0x80, s16, s2, $0xb8;
	[tilespmem:$0x1EE80] =	vst v63  }
0x97: {  	_ =	swait.ge [sflag:s30], $0x4000  }
0x98: {  	[sflag:s30] =	ssyncset.done $0x0  }
0x99: {  	[sflag:s30] =	ssyncadd.s32 $0xFFFFC000  }
0x9a: {  	[spmem:s5] =	stream.indirect.scatter.add.f32 [tilespmem:s3], [sflag:$0x5], $0x1, s16, s2, $0xb8;
	[tilespmem:$0x1EE80] =	vst v63  }
0x9b: {  	_ =	swait.ge [sflag:s12], $0x80  }
0x9c: {  	[sflag:s12] =	ssyncset.done $0x0  }
0x9d: {  	[sflag:s12] =	ssyncadd.s32 $0xFFFFFF80  }
0x9e: {  	[tilespmem:s29], [sflag:$0x1] =	stream.indirect.gather [hbm4b:s0+s2], $0x80, s6, s2, $0xb8;
	[tilespmem:$0x1EE80] =	vst v63  }
0x9f: {  	_ =	swait.ge [sflag:s13], $0x4000  }
0xa0: {  	[sflag:s13] =	ssyncset.done $0x0  }
0xa1: {  	s26 =	simm.s32 $0x2780;
	[sflag:s13] =	ssyncadd.s32 $0xFFFFC000  }
0xa2: {  	[spmem:s4] =	stream.indirect.scatter.add.f32 [tilespmem:s10], [sflag:$0x6], $0x80, s26, s2, $0xb8;
	[tilespmem:$0x1EE80] =	vst v63  }
0xa3: {  	_ =	swait.ge [sflag:s30], $0x4000  }
0xa4: {  	[sflag:s30] =	ssyncset.done $0x0  }
0xa5: {  	[sflag:s30] =	ssyncadd.s32 $0xFFFFC000  }
0xa6: {  	[spmem:s5] =	stream.indirect.scatter.add.f32 [tilespmem:s3], [sflag:$0x5], $0x1, s26, s2, $0xb8;
	[tilespmem:$0x1EE80] =	vst v63  }
0xa7: {  	_ =	swait.ge [sflag:s11], $0x4000  }
0xa8: {  	[sflag:s11] =	ssyncset.done $0x0  }
0xa9: {  	s28 =	simm.s32 $0x2800;
	[sflag:s11] =	ssyncadd.s32 $0xFFFFC000  }
0xaa: {  	[spmem:s4] =	stream.indirect.scatter.add.f32 [tilespmem:s29], [sflag:$0x6], $0x80, s28, s2, $0xb8;
	[tilespmem:$0x1EE80] =	vst v63  }
0xab: {  	_ =	swait.ge [sflag:s30], $0x4000  }
0xac: {  	[sflag:s30] =	ssyncset.done $0x0  }
0xad: {  	[sflag:s30] =	ssyncadd.s32 $0xFFFFC000  }
0xae: {  	[spmem:s5] =	stream.indirect.scatter.add.f32 [tilespmem:s3], [sflag:$0x5], $0x1, s28, s2, $0xb8;
	[tilespmem:$0x1EE80] =	vst v63  }
0xaf: {  	_ =	swait.ge [sflag:s24], $0x80  }
0xb0: {  	s1 =	simm.s32 $0x4E;
	[sflag:s24] =	ssyncset.done $0x0  }
.LBB2_4:
0xb1: {  	p0 =	sne.s32 s1, $0x1;
	s1 =	sadd.s32 $0xFFFFFFFF, s1;
	[sflag:s24] =	ssyncadd.s32 $0xFFFFFF80  }
.Ltmp1:
0xb2: {  	(pc) =	sbr.rel @p0 .LBB2_4-.Ltmp1, $3  }
0xb3: {  	_ =	sdelay $0x1  }
0xb4: {  	_ =	swait.ge [sflag:s24], $0x80  }
0xb5: {  	[sflag:s24] =	ssyncset.done $0x0  }
0xb6: {  	[sflag:s24] =	ssyncadd.s32 $0xFFFFFF80  }
0xb7: {  	[bflag:$0x0] =	sbarrier.arrive $0xFFFF  }
0xb8: {  	[tilespmem:s29], [sflag:$0x6] =	stream.linear.gather [spmem:s17], $0x4000, $0x38;
	[tilespmem:$0x1EE80] =	vst v63  }
0xb9: {  	_ =	swait.ge [sflag:s30], $0x4000  }
0xba: {  	[sflag:s30] =	ssyncset.done $0x0  }
0xbb: {  	s1 =	rddreg [dreg:$0x6];
	[sflag:s30] =	ssyncadd.s32 $0xFFFFC000  }
0xbc: {  	[hbm4b:s1+s6] =	stream.linear.scatter [tilespmem:s29], [sflag:$0x6], $0x4000, $0x38;
	[tilespmem:$0x1EE80] =	vst v63  }
0xbd: {  	_ =	swait.ge [sflag:s30], $0x4000  }
0xbe: {  	[sflag:s30] =	ssyncset.done $0x0  }
0xbf: {  	[sflag:s30] =	ssyncadd.s32 $0xFFFFC000  }
0xc0: {  	[tilespmem:s29], [sflag:$0x6] =	stream.linear.gather [spmem:s18], $0x4000, $0x38;
	[tilespmem:$0x1EE80] =	vst v63  }
0xc1: {  	_ =	swait.ge [sflag:s30], $0x4000  }
0xc2: {  	[sflag:s30] =	ssyncset.done $0x0  }
0xc3: {  	s28 =	rddreg [dreg:$0x7];
	[sflag:s30] =	ssyncadd.s32 $0xFFFFC000  }
0xc4: {  	[hbm4b:s28+s6] =	stream.linear.scatter [tilespmem:s29], [sflag:$0x6], $0x4000, $0x38;
	[tilespmem:$0x1EE80] =	vst v63  }
0xc5: {  	_ =	swait.ge [sflag:s30], $0x4000  }
0xc6: {  	[sflag:s30] =	ssyncset.done $0x0  }
0xc7: {  	[sflag:s30] =	ssyncadd.s32 $0xFFFFC000  }
0xc8: {  	[tilespmem:s29], [sflag:$0x6] =	stream.linear.gather [spmem:s19], $0x4000, $0x38;
	[tilespmem:$0x1EE80] =	vst v63  }
0xc9: {  	_ =	swait.ge [sflag:s30], $0x4000  }
0xca: {  	[sflag:s30] =	ssyncset.done $0x0  }
0xcb: {  	s14 =	rddreg [dreg:$0x8];
	[sflag:s30] =	ssyncadd.s32 $0xFFFFC000  }
0xcc: {  	[hbm4b:s14+s6] =	stream.linear.scatter [tilespmem:s29], [sflag:$0x6], $0x4000, $0x38;
	[tilespmem:$0x1EE80] =	vst v63  }
0xcd: {  	_ =	swait.ge [sflag:s30], $0x4000  }
0xce: {  	[sflag:s30] =	ssyncset.done $0x0  }
0xcf: {  	[sflag:s30] =	ssyncadd.s32 $0xFFFFC000  }
0xd0: {  	[tilespmem:s29], [sflag:$0x6] =	stream.linear.gather [spmem:s20], $0x4000, $0x38;
	[tilespmem:$0x1EE80] =	vst v63  }
0xd1: {  	_ =	swait.ge [sflag:s30], $0x4000  }
0xd2: {  	[sflag:s30] =	ssyncset.done $0x0  }
0xd3: {  	s15 =	rddreg [dreg:$0x9];
	[sflag:s30] =	ssyncadd.s32 $0xFFFFC000  }
0xd4: {  	[hbm4b:s15+s6] =	stream.linear.scatter [tilespmem:s29], [sflag:$0x6], $0x4000, $0x38;
	[tilespmem:$0x1EE80] =	vst v63  }
0xd5: {  	_ =	swait.ge [sflag:s30], $0x4000  }
0xd6: {  	[sflag:s30] =	ssyncset.done $0x0  }
0xd7: {  	[sflag:s30] =	ssyncadd.s32 $0xFFFFC000  }
0xd8: {  	[tilespmem:s29], [sflag:$0x6] =	stream.linear.gather [spmem:s21], $0x4000, $0x38;
	[tilespmem:$0x1EE80] =	vst v63  }
0xd9: {  	_ =	swait.ge [sflag:s30], $0x4000  }
0xda: {  	[sflag:s30] =	ssyncset.done $0x0  }
0xdb: {  	s16 =	rddreg [dreg:$0xa];
	[sflag:s30] =	ssyncadd.s32 $0xFFFFC000  }
0xdc: {  	[hbm4b:s16+s6] =	stream.linear.scatter [tilespmem:s29], [sflag:$0x6], $0x4000, $0x38;
	[tilespmem:$0x1EE80] =	vst v63  }
0xdd: {  	_ =	swait.ge [sflag:s30], $0x4000  }
0xde: {  	[sflag:s30] =	ssyncset.done $0x0  }
0xdf: {  	[sflag:s30] =	ssyncadd.s32 $0xFFFFC000  }
0xe0: {  	[tilespmem:s31], [sflag:$0x6] =	stream.linear.gather [spmem:s22], $0x280, $0x38;
	[tilespmem:$0x1EE80] =	vst v63  }
0xe1: {  	_ =	swait.ge [sflag:s30], $0x280  }
0xe2: {  	[sflag:s30] =	ssyncset.done $0x0  }
0xe3: {  	s14 =	simm.s32 $0x100;
	s26 =	rddreg [dreg:$0xe];
	[sflag:s30] =	ssyncadd.s32 $0xFFFFFD80  }
0xe4: {  	[hbm4b:s26+s2] =	stream.strided.scatter [tilespmem:s31], [sflag:$0x6], $0x280, s14, s2, $0x38;
	[tilespmem:$0x1EE80] =	vst v63  }
0xe5: {  	_ =	swait.ge [sflag:s30], $0x280  }
0xe6: {  	s25 =	sadd.s32 $0x1, s25;
	s28 =	rddreg [dreg:$0xf]  }
0xe7: {  	p0 =	sne.s32 s25, s28  }
.Ltmp2:
0xe8: {  	_ = 	snop;
	(pc) =	sbr.rel @p0 .LBB2_1-.Ltmp2, $3  }
0xe9: {  	_ =	sdelay $0x1  }
0xea: {  	[sflag:s30] =	ssyncset.done $0x0  }
0xeb: {  	[sflag:s30] =	ssyncadd.s32 $0xFFFFFD80  }
0xec: {  	_ =	sfence.sel $0x180000  }
0xed: {  	[bflag:$0x0] =	sbarrier.arrive $0xFFFF  }
0xee: {  	_ =	strace $0x90000047  }
0xef: {  	s0 =	stileid.u32;
	[bflag:$0x2] =	sbarrier.arrive $0xFFFF  }
0xf0: {  	p0 =	sne.s32 s0, $0x0;
	s0 =	rddreg [dreg:$0x5]  }
0xf1: {  	s0 =	sadd.s32 @!p0 $0x100000, s0  }
0xf2: {  	[sflag:s0] =	ssyncadd.tile.s32 @!p0 $0x1;
	_ =	shalt  }
.Lfunc_end2:
_tile_overlayer_lowered:
.L_overlay_start_2:
0xf3: {  	(tag) =	ssettag $0x2  }
0xf4: {  	s0 =	rddreg [dreg:$0x0];
	s2 =	stileid.u32  }
0xf5: {  	s1 =	rddreg [dreg:$0x1];
	p0 =	sne.s32 s2, $0x0  }
0xf6: {  	s3 =	rddreg [dreg:$0x2];
	[bflag:$0x3] =	sbarrier.arrive $0xFFFF;
	s2 =	simm.s32 @!p0 $0x1C06  }
0xf7: {  	[timem:s3], [sflag:s2] =	dma.local @!p0 [hbm:s0], s1  }
0xf8: {  	s0 =	simm.s32 @!p0 $0x6  }
0xf9: {  	_ =	swait.ge @!p0 [sflag:s0], s1  }
0xfa: {  	s1 =	ssub.s32 @!p0 $0x0, s1;
	[sflag:s0] =	ssyncset.done @!p0 $0x0  }
0xfb: {  	[sflag:s0] =	ssyncadd.s32 @!p0 s1  }
0xfc: {  	[bflag:$0x3] =	sbarrier.arrive $0xFFFF  }
0xfd: {  	_ =	shalt  }

</sc_bundles>
